<compile_context>
chip_gen: v7x
topology: tpu7x:2x2x1
jax: 0.10.2.dev20260603
libtpu: 0.0.44.dev20260713+nightly
codegen_flags: <defaults>
</compile_context>

<pallas_src>
import jax
import jax.numpy as jnp
from jax import lax
from jax.experimental import pallas as pl
from jax.experimental.pallas import tpu as pltpu
from jax.experimental.pallas import tpu_sc as plsc

_BS = 32
_NP = 8732
_NPP = 8736
_NCH = _NPP // 16
_NO = 16
_NC = 81


def _sc_match_body(obj_hbm, pxy_hbm, out_hbm,
                   objv, px1v, py1v, px2v, py2v, ovb, ojb, selb):
    i = lax.axis_index("s") * 2 + lax.axis_index("c")
    pltpu.sync_copy(obj_hbm.at[i], objv)
    pltpu.sync_copy(pxy_hbm.at[0], px1v)
    pltpu.sync_copy(pxy_hbm.at[1], py1v)
    pltpu.sync_copy(pxy_hbm.at[2], px2v)
    pltpu.sync_copy(pxy_hbm.at[3], py2v)

    lane = lax.broadcasted_iota(jnp.int32, (16,), 0)
    ox1v = objv[0]
    oy1v = objv[1]
    ox2v = objv[2]
    oy2v = objv[3]
    ox1s = [ox1v[j] for j in range(_NO)]
    oy1s = [oy1v[j] for j in range(_NO)]
    ox2s = [ox2v[j] for j in range(_NO)]
    oy2s = [oy2v[j] for j in range(_NO)]

    def chunk(c, carry):
        mxs, ids = carry
        base = c * 16
        p1 = px1v[pl.ds(base, 16)]
        q1 = py1v[pl.ds(base, 16)]
        p2 = px2v[pl.ds(base, 16)]
        q2 = py2v[pl.ds(base, 16)]
        area_p = (p2 - p1) * (q2 - q1)
        bov = jnp.full((16,), -1.0, jnp.float32)
        boj = jnp.zeros((16,), jnp.int32)
        pb_idx = base + lane
        new_mxs = []
        new_ids = []
        for j in range(_NO):
            ox1 = ox1s[j]
            oy1 = oy1s[j]
            ox2 = ox2s[j]
            oy2 = oy2s[j]
            wdt = jnp.maximum(jnp.minimum(p2, ox2) - jnp.maximum(p1, ox1),
                              0.0)
            hgt = jnp.maximum(jnp.minimum(q2, oy2) - jnp.maximum(q1, oy1),
                              0.0)
            inter = wdt * hgt
            area_o = (ox2 - ox1) * (oy2 - oy1)
            iou = inter / (area_o + area_p - inter)
            upd = iou > bov
            boj = jnp.where(upd, j, boj)
            bov = jnp.where(upd, iou, bov)
            upd2 = iou > mxs[j]
            new_ids.append(jnp.where(upd2, pb_idx, ids[j]))
            new_mxs.append(jnp.where(upd2, iou, mxs[j]))
        ovb[pl.ds(base, 16)] = bov
        ojb[pl.ds(base, 16)] = boj
        return tuple(new_mxs), tuple(new_ids)

    mx0 = tuple(jnp.full((16,), -1.0, jnp.float32) for _ in range(_NO))
    id0 = tuple(jnp.zeros((16,), jnp.int32) for _ in range(_NO))
    mxs, ids = lax.fori_loop(0, _NCH, chunk, (mx0, id0))

    dn = lax.GatherDimensionNumbers(offset_dims=(),
                                    collapsed_slice_dims=(0,),
                                    start_index_map=(0,))

    def perm(x, pm):
        return lax.gather(x, pm[:, None], dn, (1,),
                          mode=lax.GatherScatterMode.PROMISE_IN_BOUNDS)

    mxs_l = list(mxs)
    ids_l = list(ids)
    for r in (8, 4, 2, 1):
        pm = (lane + r) & 15
        for j in range(_NO):
            my = perm(mxs_l[j], pm)
            iy = perm(ids_l[j], pm)
            take = (my > mxs_l[j]) | ((my == mxs_l[j]) & (iy < ids_l[j]))
            ids_l[j] = jnp.where(take, iy, ids_l[j])
            mxs_l[j] = jnp.maximum(mxs_l[j], my)

    def selchunk(c, carry):
        base = c * 16
        ovv = ovb[pl.ds(base, 16)]
        ojv = ojb[pl.ds(base, 16)]
        sel = ojv + jnp.where(ovv < 0.5, 16, 0)
        pb_idx = base + lane
        for j in range(_NO):
            sel = jnp.where(pb_idx == ids_l[j], j, sel)
        selb[pl.ds(base, 16)] = sel
        return carry

    lax.fori_loop(0, _NCH, selchunk, 0)
    pltpu.sync_copy(selb, out_hbm.at[i])


def _sc_match(obj4, pxy):
    f = pl.kernel(
        _sc_match_body,
        mesh=plsc.VectorSubcoreMesh(core_axis_name="c", subcore_axis_name="s"),
        out_type=jax.ShapeDtypeStruct((_BS, _NPP), jnp.int32),
        scratch_types=[
            pltpu.VMEM((4, 16), jnp.float32),
            pltpu.VMEM((_NPP,), jnp.float32),
            pltpu.VMEM((_NPP,), jnp.float32),
            pltpu.VMEM((_NPP,), jnp.float32),
            pltpu.VMEM((_NPP,), jnp.float32),
            pltpu.VMEM((_NPP,), jnp.float32),
            pltpu.VMEM((_NPP,), jnp.int32),
            pltpu.VMEM((_NPP,), jnp.int32),
        ],
    )
    return f(obj4, pxy)


def _image_body(sel_ref, tb_ref, tc_ref, pbc_ref, pb_ref, sc_ref,
                cls_ref, stats_ref):
    selp = sel_ref[0][:, :_NP]
    neg = selp >= 16
    obj = jnp.where(neg, selp - 16, selp)

    jidx = lax.broadcasted_iota(jnp.int32, (_NO, _NP), 0)
    onehotf = (obj == jidx).astype(jnp.float32)
    tb = tb_ref[0]
    tb5 = jnp.concatenate([tb, tc_ref[0].astype(jnp.float32)], axis=1)
    gath = lax.dot_general(tb5, onehotf, (((0,), (0,)), ((), ())),
                           preferred_element_type=jnp.float32)
    gx1 = gath[0:1, :]
    gy1 = gath[1:2, :]
    gx2 = gath[2:3, :]
    gy2 = gath[3:4, :]
    labels = jnp.where(neg, 0, gath[4:5, :].astype(jnp.int32))

    cx = (gx1 + gx2) * 0.5
    cy = (gy1 + gy2) * 0.5
    bw = gx2 - gx1
    bh = gy2 - gy1
    pcx = pbc_ref[0:1, :]
    pcy = pbc_ref[1:2, :]
    pw = pbc_ref[2:3, :]
    ph = pbc_ref[3:4, :]
    gcx = (cx - pcx) / (pw * 0.1)
    gcy = (cy - pcy) / (ph * 0.1)
    gw = jnp.log(bw / pw) * 5.0
    gh = jnp.log(bh / ph) * 5.0

    posf = (labels != 0).astype(jnp.float32)
    pb = pb_ref[0]
    locsum = (jnp.sum(jnp.abs(pb[0:1, :] - gcx) * posf)
              + jnp.sum(jnp.abs(pb[1:2, :] - gcy) * posf)
              + jnp.sum(jnp.abs(pb[2:3, :] - gw) * posf)
              + jnp.sum(jnp.abs(pb[3:4, :] - gh) * posf))
    npos = jnp.sum(posf)

    s = sc_ref[0]
    m = jnp.max(s)
    e = jnp.exp(s - m)
    ones = jnp.ones((1, _NC), jnp.float32)
    se_t = lax.dot_general(ones, e, (((1,), (1,)), ((), ())),
                           preferred_element_type=jnp.float32)
    lse_t = jnp.log(se_t) + m

    tcc = jnp.concatenate([tc_ref[0], jnp.zeros((1, 1), jnp.int32)],
                          axis=0)
    cid81 = lax.broadcasted_iota(jnp.int32, (_NO + 1, _NC), 1)
    tco = (cid81 == tcc).astype(jnp.float32)
    cand = lax.dot_general(tco, s, (((1,), (1,)), ((), ())),
                           preferred_element_type=jnp.float32)
    k = jnp.where(neg, _NO, obj)
    rid = lax.broadcasted_iota(jnp.int32, (_NO + 1, _NP), 0)
    csel = jnp.where(rid == k, cand, 0.0)
    ones17 = jnp.ones((1, _NO + 1), jnp.float32)
    s_at_t = lax.dot_general(ones17, csel, (((1,), (0,)), ((), ())),
                             preferred_element_type=jnp.float32)
    cls_t = lse_t - s_at_t
    cls_ref[0] = cls_t

    stats_ref[0, 0:1, :] = jnp.full((1, 128), locsum, jnp.float32)
    stats_ref[0, 1:2, :] = jnp.full((1, 128), npos, jnp.float32)
    stats_ref[0, 2:3, :] = jnp.full((1, 128), jnp.sum(cls_t * posf),
                                    jnp.float32)
    stats_ref[0, 3:4, :] = jnp.zeros((1, 128), jnp.float32)


def _combine_body(cls_ref, stats_ref, out_ref):
    cls = cls_ref[...]
    stats = stats_ref[...]
    locsum = jnp.sum(stats[:, 0:1, 0:1])
    npos = jnp.sum(stats[:, 1:2, 0:1])
    clspos = jnp.sum(stats[:, 2:3, 0:1])

    k = jnp.minimum((3.0 * npos).astype(jnp.int32), _NP)
    bits = lax.bitcast_convert_type(cls, jnp.int32)

    def step(_, carry):
        lo, hi = carry
        mid = lo + ((hi - lo) >> 1)
        cnt = jnp.sum((bits >= mid).astype(jnp.int32), axis=2,
                      keepdims=True)
        ge = cnt >= k
        return jnp.where(ge, mid, lo), jnp.where(ge, hi, mid)

    lo0 = jnp.zeros((_BS, 1, 1), jnp.int32)
    hi0 = jnp.full((_BS, 1, 1), 0x7F800000, jnp.int32)
    lo, _ = lax.fori_loop(0, 31, step, (lo0, hi0))
    tval = lax.bitcast_convert_type(lo, jnp.float32)
    gt = bits > lo
    cnt_gt = jnp.sum(gt.astype(jnp.float32), axis=2, keepdims=True)
    sum_gt = jnp.sum(jnp.where(gt, cls, 0.0), axis=2, keepdims=True)
    topk = jnp.sum(sum_gt + (k.astype(jnp.float32) - cnt_gt) * tval)

    loss = locsum / (npos * 4.0) + (clspos + topk) / npos
    out_ref[...] = jnp.full((1, 1), loss, jnp.float32)


@jax.jit
def kernel(pred_boxes, pred_scores, true_boxes, true_classes, pboxes):
    f32 = jnp.float32
    pbc_t = pboxes.T
    pbx_t = jnp.concatenate([pbc_t[:2] - pbc_t[2:] / 2.0,
                             pbc_t[:2] + pbc_t[2:] / 2.0], axis=0)
    pad = jnp.full((4, _NPP - _NP), 2.0, f32)
    pxy = jnp.concatenate([pbx_t, pad], axis=1)
    obj4 = jnp.transpose(true_boxes, (0, 2, 1))
    tc3 = true_classes.reshape(_BS, _NO, 1).astype(jnp.int32)
    pb_t = jnp.transpose(pred_boxes, (0, 2, 1))

    sel = _sc_match(obj4, pxy)
    sel3 = sel.reshape(_BS, 1, _NPP)

    cls_all, stats = pl.pallas_call(
        _image_body,
        grid=(_BS,),
        in_specs=[
            pl.BlockSpec((1, 1, _NPP), lambda i: (i, 0, 0)),
            pl.BlockSpec((1, _NO, 4), lambda i: (i, 0, 0)),
            pl.BlockSpec((1, _NO, 1), lambda i: (i, 0, 0)),
            pl.BlockSpec((4, _NP), lambda i: (0, 0)),
            pl.BlockSpec((1, 4, _NP), lambda i: (i, 0, 0)),
            pl.BlockSpec((1, _NP, _NC), lambda i: (i, 0, 0)),
        ],
        out_specs=[
            pl.BlockSpec((1, 1, _NP), lambda i: (i, 0, 0)),
            pl.BlockSpec((1, 4, 128), lambda i: (i, 0, 0)),
        ],
        out_shape=[
            jax.ShapeDtypeStruct((_BS, 1, _NP), f32),
            jax.ShapeDtypeStruct((_BS, 4, 128), f32),
        ],
        compiler_params=pltpu.CompilerParams(
            vmem_limit_bytes=100 * 1024 * 1024),
    )(sel3, true_boxes, tc3, pbc_t, pb_t, pred_scores)

    out = pl.pallas_call(
        _combine_body,
        out_shape=jax.ShapeDtypeStruct((1, 1), f32),
    )(cls_all, stats)
    return out[0, 0]

# --- scband reference (transcript-rebuilt; emitter-appended) ---
"""Pipeline reference for scband-multi-box-loss-84335977824375 (READ-ONLY COPY).

The authoritative reference and input builder live on the scoring server;
editing this copy changes nothing except your own understanding.
"""

import jax, jax.numpy as jnp
import numpy as np


def cxcy_to_xy(b):
    return jnp.concatenate([b[:, :2] - b[:, 2:] / 2.0, b[:, :2] + b[:, 2:] / 2.0], axis=1)


def xy_to_cxcy(b):
    return jnp.concatenate([(b[:, :2] + b[:, 2:]) / 2.0, b[:, 2:] - b[:, :2]], axis=1)


def find_jaccard_overlap(a, b):
    # a: [n,4] boundary coords, b: [m,4] boundary coords -> IoU [n, m]
    lt = jnp.maximum(a[:, None, :2], b[None, :, :2])
    rb = jnp.minimum(a[:, None, 2:], b[None, :, 2:])
    wh = jnp.clip(rb - lt, 0.0, None)
    inter = wh[..., 0] * wh[..., 1]
    area_a = (a[:, 2] - a[:, 0]) * (a[:, 3] - a[:, 1])
    area_b = (b[:, 2] - b[:, 0]) * (b[:, 3] - b[:, 1])
    return inter / (area_a[:, None] + area_b[None, :] - inter)


def encode_offsets(boxes_xy, pboxes_cxcy):
    c = xy_to_cxcy(boxes_xy)
    g_cxcy = (c[:, :2] - pboxes_cxcy[:, :2]) / (pboxes_cxcy[:, 2:] / 10.0)
    g_wh = jnp.log(c[:, 2:] / pboxes_cxcy[:, 2:]) * 5.0
    return jnp.concatenate([g_cxcy, g_wh], axis=1)


def setup_inputs(seed: int = 0):
    key = jax.random.key(seed)
    k = jax.random.split(key, 8)
    bs, n_priors, n_classes, n_objs = 32, 8732, 81, 16
    pred_boxes = jax.random.normal(k[0], (bs, n_priors, 4), dtype=jnp.float32)
    pred_scores = jax.random.normal(k[1], (bs, n_priors, n_classes), dtype=jnp.float32)
    cxcy = jax.random.uniform(k[2], (bs, n_objs, 2), minval=0.2, maxval=0.8)
    wh = jax.random.uniform(k[3], (bs, n_objs, 2), minval=0.05, maxval=0.3)
    true_boxes = jnp.concatenate([cxcy - wh / 2.0, cxcy + wh / 2.0], axis=-1).astype(jnp.float32)
    true_classes = jax.random.randint(k[4], (bs, n_objs), 1, n_classes)
    p_cxcy = jax.random.uniform(k[5], (n_priors, 2), minval=0.05, maxval=0.95)
    p_wh = jax.random.uniform(k[6], (n_priors, 2), minval=0.05, maxval=0.5)
    pboxes = jnp.concatenate([p_cxcy, p_wh], axis=1).astype(jnp.float32)
    return {"pred_boxes": pred_boxes, "pred_scores": pred_scores,
            "true_boxes": true_boxes, "true_classes": true_classes, "pboxes": pboxes}


def reference(pred_boxes, pred_scores, true_boxes, true_classes, pboxes):
    threshold = 0.5
    neg_pos_ratio = 3.0
    alpha = 1.0
    bs, n_priors, n_classes = pred_scores.shape
    n_objs = true_boxes.shape[1]
    pboxes_xy = cxcy_to_xy(pboxes)

    true_cls_list = []
    true_locs_list = []
    for i in range(bs):
        tb = true_boxes[i]
        tc = true_classes[i]
        overlaps = find_jaccard_overlap(tb, pboxes_xy)            # [n_objs, n_priors]
        obj_overlap = overlaps.max(axis=0)
        obj_idx = overlaps.argmax(axis=0)
        best_pbox_for_each_obj = overlaps.argmax(axis=1)          # [n_objs]
        obj_idx = obj_idx.at[best_pbox_for_each_obj].set(jnp.arange(n_objs))
        obj_overlap = obj_overlap.at[best_pbox_for_each_obj].set(1.0)
        labels = tc[obj_idx]
        labels = jnp.where(obj_overlap < threshold, 0, labels)
        true_cls_list.append(labels)
        true_locs_list.append(encode_offsets(tb[obj_idx], pboxes))
    true_cls = jnp.stack(true_cls_list)                           # [bs, n_priors]
    true_locs = jnp.stack(true_locs_list)                         # [bs, n_priors, 4]

    pos = (true_cls != 0)
    posf = pos.astype(pred_boxes.dtype)
    n_positives = posf.sum()                                      # scalar (matches .sum(dim=1).sum())

    # L1 loss with reduction='mean' over positive entries (mask-multiply, math-equivalent to boolean indexing)
    loc_loss = (jnp.abs(pred_boxes - true_locs) * posf[..., None]).sum() / (n_positives * 4.0)

    # cross entropy, reduction='none'
    logp = jax.nn.log_softmax(pred_scores, axis=-1)
    cls_loss_all = -jnp.take_along_axis(logp, true_cls[..., None], axis=-1)[..., 0]  # [bs, n_priors]
    cls_loss_pos = (cls_loss_all * posf).sum()

    n_neg_samples = neg_pos_ratio * n_positives
    # NOTE: faithful to the source, which sorts cls_loss_all (the zeroing of positives is overwritten)
    cls_loss_sorted = -jnp.sort(-cls_loss_all, axis=1)            # descending per row
    hardness_ranks = jnp.arange(n_priors)[None, :]
    hard_neg = (hardness_ranks < n_neg_samples).astype(pred_boxes.dtype)
    cls_loss_hard_neg = (cls_loss_sorted * hard_neg).sum()

    cls_loss = (cls_loss_pos + cls_loss_hard_neg) / n_positives
    return loc_loss + alpha * cls_loss

if __name__ == "__main__":
    import jax
    _d = setup_inputs()
    print(jax.jit(kernel)(*tuple(_d.values())))

</pallas_src>

<mosaic_0001>
#map = affine_map<(d0, d1) -> (0, 0, 0)>
#map1 = affine_map<(d0, d1) -> (0, 0)>
module attributes {stable_mosaic.version = 14 : i64} {
  func.func @_sc_match_body(%arg0: i32, %arg1: i32, %arg2: memref<32x4x16xf32, #tpu.memory_space<hbm>>, %arg3: memref<4x8736xf32, #tpu.memory_space<hbm>>, %arg4: memref<32x8736xi32, #tpu.memory_space<hbm>>, %arg5: memref<4x16xf32, #tpu.memory_space<vmem>>, %arg6: memref<8736xf32, #tpu.memory_space<vmem>>, %arg7: memref<8736xf32, #tpu.memory_space<vmem>>, %arg8: memref<8736xf32, #tpu.memory_space<vmem>>, %arg9: memref<8736xf32, #tpu.memory_space<vmem>>, %arg10: memref<8736xf32, #tpu.memory_space<vmem>>, %arg11: memref<8736xi32, #tpu.memory_space<vmem>>, %arg12: memref<8736xi32, #tpu.memory_space<vmem>>) attributes {dimension_semantics = [#tpu.dimension_semantics<core_parallel>, #tpu.dimension_semantics<subcore_parallel>], iteration_bounds = array<i64: 2, 16>, scalar_prefetch = 0 : i64, scratch_operands = 8 : i64, tpu.core_type = #tpu.core_type<sc_vector_subcore>, window_params = [{transform_indices = #map}, {transform_indices = #map1}, {transform_indices = #map1}]} {
    %mul3A = arith.constant 2 : i32
    %mul3A_0 = arith.muli %arg1, %mul3A : i32
    %add3A = arith.addi %mul3A_0, %arg0 : i32
    "tpu.region"() ({
      %run_scoped3A_1071 = tpu.sem_alloc : memref<!tpu.dma_semaphore, #tpu.memory_space<semaphore_mem>>
      %dma_start3A = arith.constant 0 : i32
      %dma_start3A_1072 = arith.constant 0 : i32
      %dma_start3A_1073 = tpu.memref_slice %arg2[%add3A, %dma_start3A, %dma_start3A_1072] : memref<32x4x16xf32, #tpu.memory_space<hbm>> -> memref<1x4x16xf32, #tpu.memory_space<hbm>>
      %dma_start3A_1074 = tpu.memref_squeeze %dma_start3A_1073 : memref<1x4x16xf32, #tpu.memory_space<hbm>> -> memref<4x16xf32, #tpu.memory_space<hbm>>
      %dma_start3A_1075 = arith.constant 0 : i32
      %dma_start3A_1076 = arith.constant 0 : i32
      %dma_start3A_1077 = tpu.memref_slice %arg2[%add3A, %dma_start3A_1075, %dma_start3A_1076] : memref<32x4x16xf32, #tpu.memory_space<hbm>> -> memref<1x4x16xf32, #tpu.memory_space<hbm>>
      %dma_start3A_1078 = tpu.memref_squeeze %dma_start3A_1077 : memref<1x4x16xf32, #tpu.memory_space<hbm>> -> memref<4x16xf32, #tpu.memory_space<hbm>>
      tpu.enqueue_dma source(%dma_start3A_1078 : memref<4x16xf32, #tpu.memory_space<hbm>>) target(%arg5 : memref<4x16xf32, #tpu.memory_space<vmem>>) target_semaphore(%run_scoped3A_1071 : memref<!tpu.dma_semaphore, #tpu.memory_space<semaphore_mem>>)
      %dma_wait3A = arith.constant 0 : i32
      %dma_wait3A_1079 = arith.constant 0 : i32
      %dma_wait3A_1080 = tpu.memref_slice %arg2[%add3A, %dma_wait3A, %dma_wait3A_1079] : memref<32x4x16xf32, #tpu.memory_space<hbm>> -> memref<1x4x16xf32, #tpu.memory_space<hbm>>
      %dma_wait3A_1081 = tpu.memref_squeeze %dma_wait3A_1080 : memref<1x4x16xf32, #tpu.memory_space<hbm>> -> memref<4x16xf32, #tpu.memory_space<hbm>>
      %dma_wait3A_1082 = arith.constant 0 : i32
      %dma_wait3A_1083 = arith.constant 0 : i32
      %dma_wait3A_1084 = tpu.memref_slice %arg2[%add3A, %dma_wait3A_1082, %dma_wait3A_1083] : memref<32x4x16xf32, #tpu.memory_space<hbm>> -> memref<1x4x16xf32, #tpu.memory_space<hbm>>
      %dma_wait3A_1085 = tpu.memref_squeeze %dma_wait3A_1084 : memref<1x4x16xf32, #tpu.memory_space<hbm>> -> memref<4x16xf32, #tpu.memory_space<hbm>>
      tpu.wait_dma2 semaphore(%run_scoped3A_1071 : memref<!tpu.dma_semaphore, #tpu.memory_space<semaphore_mem>>) src(%dma_wait3A_1085 : memref<4x16xf32, #tpu.memory_space<hbm>>) dst(%arg5 : memref<4x16xf32, #tpu.memory_space<vmem>>)
      tpu.yield
    }) : () -> ()
    %run_scoped3A = arith.constant 0 : i32
    "tpu.region"() ({
      %run_scoped3A_1071 = tpu.sem_alloc : memref<!tpu.dma_semaphore, #tpu.memory_space<semaphore_mem>>
      %dma_start3A = arith.constant 0 : i32
      %dma_start3A_1072 = tpu.memref_slice %arg3[%run_scoped3A, %dma_start3A] : memref<4x8736xf32, #tpu.memory_space<hbm>> -> memref<1x8736xf32, #tpu.memory_space<hbm>>
      %dma_start3A_1073 = tpu.memref_squeeze %dma_start3A_1072 : memref<1x8736xf32, #tpu.memory_space<hbm>> -> memref<8736xf32, #tpu.memory_space<hbm>>
      %dma_start3A_1074 = arith.constant 0 : i32
      %dma_start3A_1075 = tpu.memref_slice %arg3[%run_scoped3A, %dma_start3A_1074] : memref<4x8736xf32, #tpu.memory_space<hbm>> -> memref<1x8736xf32, #tpu.memory_space<hbm>>
      %dma_start3A_1076 = tpu.memref_squeeze %dma_start3A_1075 : memref<1x8736xf32, #tpu.memory_space<hbm>> -> memref<8736xf32, #tpu.memory_space<hbm>>
      tpu.enqueue_dma source(%dma_start3A_1076 : memref<8736xf32, #tpu.memory_space<hbm>>) target(%arg6 : memref<8736xf32, #tpu.memory_space<vmem>>) target_semaphore(%run_scoped3A_1071 : memref<!tpu.dma_semaphore, #tpu.memory_space<semaphore_mem>>)
      %dma_wait3A = arith.constant 0 : i32
      %dma_wait3A_1077 = tpu.memref_slice %arg3[%run_scoped3A, %dma_wait3A] : memref<4x8736xf32, #tpu.memory_space<hbm>> -> memref<1x8736xf32, #tpu.memory_space<hbm>>
      %dma_wait3A_1078 = tpu.memref_squeeze %dma_wait3A_1077 : memref<1x8736xf32, #tpu.memory_space<hbm>> -> memref<8736xf32, #tpu.memory_space<hbm>>
      %dma_wait3A_1079 = arith.constant 0 : i32
      %dma_wait3A_1080 = tpu.memref_slice %arg3[%run_scoped3A, %dma_wait3A_1079] : memref<4x8736xf32, #tpu.memory_space<hbm>> -> memref<1x8736xf32, #tpu.memory_space<hbm>>
      %dma_wait3A_1081 = tpu.memref_squeeze %dma_wait3A_1080 : memref<1x8736xf32, #tpu.memory_space<hbm>> -> memref<8736xf32, #tpu.memory_space<hbm>>
      tpu.wait_dma2 semaphore(%run_scoped3A_1071 : memref<!tpu.dma_semaphore, #tpu.memory_space<semaphore_mem>>) src(%dma_wait3A_1081 : memref<8736xf32, #tpu.memory_space<hbm>>) dst(%arg6 : memref<8736xf32, #tpu.memory_space<vmem>>)
      tpu.yield
    }) : () -> ()
    %run_scoped3A_1 = arith.constant 1 : i32
    "tpu.region"() ({
      %run_scoped3A_1071 = tpu.sem_alloc : memref<!tpu.dma_semaphore, #tpu.memory_space<semaphore_mem>>
      %dma_start3A = arith.constant 0 : i32
      %dma_start3A_1072 = tpu.memref_slice %arg3[%run_scoped3A_1, %dma_start3A] : memref<4x8736xf32, #tpu.memory_space<hbm>> -> memref<1x8736xf32, #tpu.memory_space<hbm>>
      %dma_start3A_1073 = tpu.memref_squeeze %dma_start3A_1072 : memref<1x8736xf32, #tpu.memory_space<hbm>> -> memref<8736xf32, #tpu.memory_space<hbm>>
      %dma_start3A_1074 = arith.constant 0 : i32
      %dma_start3A_1075 = tpu.memref_slice %arg3[%run_scoped3A_1, %dma_start3A_1074] : memref<4x8736xf32, #tpu.memory_space<hbm>> -> memref<1x8736xf32, #tpu.memory_space<hbm>>
      %dma_start3A_1076 = tpu.memref_squeeze %dma_start3A_1075 : memref<1x8736xf32, #tpu.memory_space<hbm>> -> memref<8736xf32, #tpu.memory_space<hbm>>
      tpu.enqueue_dma source(%dma_start3A_1076 : memref<8736xf32, #tpu.memory_space<hbm>>) target(%arg7 : memref<8736xf32, #tpu.memory_space<vmem>>) target_semaphore(%run_scoped3A_1071 : memref<!tpu.dma_semaphore, #tpu.memory_space<semaphore_mem>>)
      %dma_wait3A = arith.constant 0 : i32
      %dma_wait3A_1077 = tpu.memref_slice %arg3[%run_scoped3A_1, %dma_wait3A] : memref<4x8736xf32, #tpu.memory_space<hbm>> -> memref<1x8736xf32, #tpu.memory_space<hbm>>
      %dma_wait3A_1078 = tpu.memref_squeeze %dma_wait3A_1077 : memref<1x8736xf32, #tpu.memory_space<hbm>> -> memref<8736xf32, #tpu.memory_space<hbm>>
      %dma_wait3A_1079 = arith.constant 0 : i32
      %dma_wait3A_1080 = tpu.memref_slice %arg3[%run_scoped3A_1, %dma_wait3A_1079] : memref<4x8736xf32, #tpu.memory_space<hbm>> -> memref<1x8736xf32, #tpu.memory_space<hbm>>
      %dma_wait3A_1081 = tpu.memref_squeeze %dma_wait3A_1080 : memref<1x8736xf32, #tpu.memory_space<hbm>> -> memref<8736xf32, #tpu.memory_space<hbm>>
      tpu.wait_dma2 semaphore(%run_scoped3A_1071 : memref<!tpu.dma_semaphore, #tpu.memory_space<semaphore_mem>>) src(%dma_wait3A_1081 : memref<8736xf32, #tpu.memory_space<hbm>>) dst(%arg7 : memref<8736xf32, #tpu.memory_space<vmem>>)
      tpu.yield
    }) : () -> ()
    %run_scoped3A_2 = arith.constant 2 : i32
    "tpu.region"() ({
      %run_scoped3A_1071 = tpu.sem_alloc : memref<!tpu.dma_semaphore, #tpu.memory_space<semaphore_mem>>
      %dma_start3A = arith.constant 0 : i32
      %dma_start3A_1072 = tpu.memref_slice %arg3[%run_scoped3A_2, %dma_start3A] : memref<4x8736xf32, #tpu.memory_space<hbm>> -> memref<1x8736xf32, #tpu.memory_space<hbm>>
      %dma_start3A_1073 = tpu.memref_squeeze %dma_start3A_1072 : memref<1x8736xf32, #tpu.memory_space<hbm>> -> memref<8736xf32, #tpu.memory_space<hbm>>
      %dma_start3A_1074 = arith.constant 0 : i32
      %dma_start3A_1075 = tpu.memref_slice %arg3[%run_scoped3A_2, %dma_start3A_1074] : memref<4x8736xf32, #tpu.memory_space<hbm>> -> memref<1x8736xf32, #tpu.memory_space<hbm>>
      %dma_start3A_1076 = tpu.memref_squeeze %dma_start3A_1075 : memref<1x8736xf32, #tpu.memory_space<hbm>> -> memref<8736xf32, #tpu.memory_space<hbm>>
      tpu.enqueue_dma source(%dma_start3A_1076 : memref<8736xf32, #tpu.memory_space<hbm>>) target(%arg8 : memref<8736xf32, #tpu.memory_space<vmem>>) target_semaphore(%run_scoped3A_1071 : memref<!tpu.dma_semaphore, #tpu.memory_space<semaphore_mem>>)
      %dma_wait3A = arith.constant 0 : i32
      %dma_wait3A_1077 = tpu.memref_slice %arg3[%run_scoped3A_2, %dma_wait3A] : memref<4x8736xf32, #tpu.memory_space<hbm>> -> memref<1x8736xf32, #tpu.memory_space<hbm>>
      %dma_wait3A_1078 = tpu.memref_squeeze %dma_wait3A_1077 : memref<1x8736xf32, #tpu.memory_space<hbm>> -> memref<8736xf32, #tpu.memory_space<hbm>>
      %dma_wait3A_1079 = arith.constant 0 : i32
      %dma_wait3A_1080 = tpu.memref_slice %arg3[%run_scoped3A_2, %dma_wait3A_1079] : memref<4x8736xf32, #tpu.memory_space<hbm>> -> memref<1x8736xf32, #tpu.memory_space<hbm>>
      %dma_wait3A_1081 = tpu.memref_squeeze %dma_wait3A_1080 : memref<1x8736xf32, #tpu.memory_space<hbm>> -> memref<8736xf32, #tpu.memory_space<hbm>>
      tpu.wait_dma2 semaphore(%run_scoped3A_1071 : memref<!tpu.dma_semaphore, #tpu.memory_space<semaphore_mem>>) src(%dma_wait3A_1081 : memref<8736xf32, #tpu.memory_space<hbm>>) dst(%arg8 : memref<8736xf32, #tpu.memory_space<vmem>>)
      tpu.yield
    }) : () -> ()
    %run_scoped3A_3 = arith.constant 3 : i32
    "tpu.region"() ({
      %run_scoped3A_1071 = tpu.sem_alloc : memref<!tpu.dma_semaphore, #tpu.memory_space<semaphore_mem>>
      %dma_start3A = arith.constant 0 : i32
      %dma_start3A_1072 = tpu.memref_slice %arg3[%run_scoped3A_3, %dma_start3A] : memref<4x8736xf32, #tpu.memory_space<hbm>> -> memref<1x8736xf32, #tpu.memory_space<hbm>>
      %dma_start3A_1073 = tpu.memref_squeeze %dma_start3A_1072 : memref<1x8736xf32, #tpu.memory_space<hbm>> -> memref<8736xf32, #tpu.memory_space<hbm>>
      %dma_start3A_1074 = arith.constant 0 : i32
      %dma_start3A_1075 = tpu.memref_slice %arg3[%run_scoped3A_3, %dma_start3A_1074] : memref<4x8736xf32, #tpu.memory_space<hbm>> -> memref<1x8736xf32, #tpu.memory_space<hbm>>
      %dma_start3A_1076 = tpu.memref_squeeze %dma_start3A_1075 : memref<1x8736xf32, #tpu.memory_space<hbm>> -> memref<8736xf32, #tpu.memory_space<hbm>>
      tpu.enqueue_dma source(%dma_start3A_1076 : memref<8736xf32, #tpu.memory_space<hbm>>) target(%arg9 : memref<8736xf32, #tpu.memory_space<vmem>>) target_semaphore(%run_scoped3A_1071 : memref<!tpu.dma_semaphore, #tpu.memory_space<semaphore_mem>>)
      %dma_wait3A = arith.constant 0 : i32
      %dma_wait3A_1077 = tpu.memref_slice %arg3[%run_scoped3A_3, %dma_wait3A] : memref<4x8736xf32, #tpu.memory_space<hbm>> -> memref<1x8736xf32, #tpu.memory_space<hbm>>
      %dma_wait3A_1078 = tpu.memref_squeeze %dma_wait3A_1077 : memref<1x8736xf32, #tpu.memory_space<hbm>> -> memref<8736xf32, #tpu.memory_space<hbm>>
      %dma_wait3A_1079 = arith.constant 0 : i32
      %dma_wait3A_1080 = tpu.memref_slice %arg3[%run_scoped3A_3, %dma_wait3A_1079] : memref<4x8736xf32, #tpu.memory_space<hbm>> -> memref<1x8736xf32, #tpu.memory_space<hbm>>
      %dma_wait3A_1081 = tpu.memref_squeeze %dma_wait3A_1080 : memref<1x8736xf32, #tpu.memory_space<hbm>> -> memref<8736xf32, #tpu.memory_space<hbm>>
      tpu.wait_dma2 semaphore(%run_scoped3A_1071 : memref<!tpu.dma_semaphore, #tpu.memory_space<semaphore_mem>>) src(%dma_wait3A_1081 : memref<8736xf32, #tpu.memory_space<hbm>>) dst(%arg9 : memref<8736xf32, #tpu.memory_space<vmem>>)
      tpu.yield
    }) : () -> ()
    %iota3A = tpu.iota {dimensions = array<i32: 0>} : vector<16xi32>
    %get3A = arith.constant 0 : i32
    %get3A_4 = arith.index_cast %get3A : i32 to index
    %get3A_5 = arith.constant 0 : index
    %get3A_6 = tpu.vector_load %arg5[%get3A_4, %get3A_5] {strides = array<i32>} : memref<4x16xf32, #tpu.memory_space<vmem>>, vector<1x16xf32>,
    %get3A_7 = vector.shape_cast %get3A_6 : vector<1x16xf32> to vector<16xf32>
    %get3A_8 = arith.constant 1 : i32
    %get3A_9 = arith.index_cast %get3A_8 : i32 to index
    %get3A_10 = arith.constant 0 : index
    %get3A_11 = tpu.vector_load %arg5[%get3A_9, %get3A_10] {strides = array<i32>} : memref<4x16xf32, #tpu.memory_space<vmem>>, vector<1x16xf32>,
    %get3A_12 = vector.shape_cast %get3A_11 : vector<1x16xf32> to vector<16xf32>
    %get3A_13 = arith.constant 2 : i32
    %get3A_14 = arith.index_cast %get3A_13 : i32 to index
    %get3A_15 = arith.constant 0 : index
    %get3A_16 = tpu.vector_load %arg5[%get3A_14, %get3A_15] {strides = array<i32>} : memref<4x16xf32, #tpu.memory_space<vmem>>, vector<1x16xf32>,
    %get3A_17 = vector.shape_cast %get3A_16 : vector<1x16xf32> to vector<16xf32>
    %get3A_18 = arith.constant 3 : i32
    %get3A_19 = arith.index_cast %get3A_18 : i32 to index
    %get3A_20 = arith.constant 0 : index
    %get3A_21 = tpu.vector_load %arg5[%get3A_19, %get3A_20] {strides = array<i32>} : memref<4x16xf32, #tpu.memory_space<vmem>>, vector<1x16xf32>,
    %get3A_22 = vector.shape_cast %get3A_21 : vector<1x16xf32> to vector<16xf32>
    %slice3A = vector.extract_strided_slice %get3A_7 {offsets = [0], sizes = [1], strides = [1]} : vector<16xf32> to vector<1xf32>
    %squeeze3A = vector.extract %slice3A[0] : f32 from vector<1xf32>
    %slice3A_23 = vector.extract_strided_slice %get3A_7 {offsets = [1], sizes = [1], strides = [1]} : vector<16xf32> to vector<1xf32>
    %squeeze3A_24 = vector.extract %slice3A_23[0] : f32 from vector<1xf32>
    %slice3A_25 = vector.extract_strided_slice %get3A_7 {offsets = [2], sizes = [1], strides = [1]} : vector<16xf32> to vector<1xf32>
    %squeeze3A_26 = vector.extract %slice3A_25[0] : f32 from vector<1xf32>
    %slice3A_27 = vector.extract_strided_slice %get3A_7 {offsets = [3], sizes = [1], strides = [1]} : vector<16xf32> to vector<1xf32>
    %squeeze3A_28 = vector.extract %slice3A_27[0] : f32 from vector<1xf32>
    %slice3A_29 = vector.extract_strided_slice %get3A_7 {offsets = [4], sizes = [1], strides = [1]} : vector<16xf32> to vector<1xf32>
    %squeeze3A_30 = vector.extract %slice3A_29[0] : f32 from vector<1xf32>
    %slice3A_31 = vector.extract_strided_slice %get3A_7 {offsets = [5], sizes = [1], strides = [1]} : vector<16xf32> to vector<1xf32>
    %squeeze3A_32 = vector.extract %slice3A_31[0] : f32 from vector<1xf32>
    %slice3A_33 = vector.extract_strided_slice %get3A_7 {offsets = [6], sizes = [1], strides = [1]} : vector<16xf32> to vector<1xf32>
    %squeeze3A_34 = vector.extract %slice3A_33[0] : f32 from vector<1xf32>
    %slice3A_35 = vector.extract_strided_slice %get3A_7 {offsets = [7], sizes = [1], strides = [1]} : vector<16xf32> to vector<1xf32>
    %squeeze3A_36 = vector.extract %slice3A_35[0] : f32 from vector<1xf32>
    %slice3A_37 = vector.extract_strided_slice %get3A_7 {offsets = [8], sizes = [1], strides = [1]} : vector<16xf32> to vector<1xf32>
    %squeeze3A_38 = vector.extract %slice3A_37[0] : f32 from vector<1xf32>
    %slice3A_39 = vector.extract_strided_slice %get3A_7 {offsets = [9], sizes = [1], strides = [1]} : vector<16xf32> to vector<1xf32>
    %squeeze3A_40 = vector.extract %slice3A_39[0] : f32 from vector<1xf32>
    %slice3A_41 = vector.extract_strided_slice %get3A_7 {offsets = [10], sizes = [1], strides = [1]} : vector<16xf32> to vector<1xf32>
    %squeeze3A_42 = vector.extract %slice3A_41[0] : f32 from vector<1xf32>
    %slice3A_43 = vector.extract_strided_slice %get3A_7 {offsets = [11], sizes = [1], strides = [1]} : vector<16xf32> to vector<1xf32>
    %squeeze3A_44 = vector.extract %slice3A_43[0] : f32 from vector<1xf32>
    %slice3A_45 = vector.extract_strided_slice %get3A_7 {offsets = [12], sizes = [1], strides = [1]} : vector<16xf32> to vector<1xf32>
    %squeeze3A_46 = vector.extract %slice3A_45[0] : f32 from vector<1xf32>
    %slice3A_47 = vector.extract_strided_slice %get3A_7 {offsets = [13], sizes = [1], strides = [1]} : vector<16xf32> to vector<1xf32>
    %squeeze3A_48 = vector.extract %slice3A_47[0] : f32 from vector<1xf32>
    %slice3A_49 = vector.extract_strided_slice %get3A_7 {offsets = [14], sizes = [1], strides = [1]} : vector<16xf32> to vector<1xf32>
    %squeeze3A_50 = vector.extract %slice3A_49[0] : f32 from vector<1xf32>
    %slice3A_51 = vector.extract_strided_slice %get3A_7 {offsets = [15], sizes = [1], strides = [1]} : vector<16xf32> to vector<1xf32>
    %squeeze3A_52 = vector.extract %slice3A_51[0] : f32 from vector<1xf32>
    %slice3A_53 = vector.extract_strided_slice %get3A_12 {offsets = [0], sizes = [1], strides = [1]} : vector<16xf32> to vector<1xf32>
    %squeeze3A_54 = vector.extract %slice3A_53[0] : f32 from vector<1xf32>
    %slice3A_55 = vector.extract_strided_slice %get3A_12 {offsets = [1], sizes = [1], strides = [1]} : vector<16xf32> to vector<1xf32>
    %squeeze3A_56 = vector.extract %slice3A_55[0] : f32 from vector<1xf32>
    %slice3A_57 = vector.extract_strided_slice %get3A_12 {offsets = [2], sizes = [1], strides = [1]} : vector<16xf32> to vector<1xf32>
    %squeeze3A_58 = vector.extract %slice3A_57[0] : f32 from vector<1xf32>
    %slice3A_59 = vector.extract_strided_slice %get3A_12 {offsets = [3], sizes = [1], strides = [1]} : vector<16xf32> to vector<1xf32>
    %squeeze3A_60 = vector.extract %slice3A_59[0] : f32 from vector<1xf32>
    %slice3A_61 = vector.extract_strided_slice %get3A_12 {offsets = [4], sizes = [1], strides = [1]} : vector<16xf32> to vector<1xf32>
    %squeeze3A_62 = vector.extract %slice3A_61[0] : f32 from vector<1xf32>
    %slice3A_63 = vector.extract_strided_slice %get3A_12 {offsets = [5], sizes = [1], strides = [1]} : vector<16xf32> to vector<1xf32>
    %squeeze3A_64 = vector.extract %slice3A_63[0] : f32 from vector<1xf32>
    %slice3A_65 = vector.extract_strided_slice %get3A_12 {offsets = [6], sizes = [1], strides = [1]} : vector<16xf32> to vector<1xf32>
    %squeeze3A_66 = vector.extract %slice3A_65[0] : f32 from vector<1xf32>
    %slice3A_67 = vector.extract_strided_slice %get3A_12 {offsets = [7], sizes = [1], strides = [1]} : vector<16xf32> to vector<1xf32>
    %squeeze3A_68 = vector.extract %slice3A_67[0] : f32 from vector<1xf32>
    %slice3A_69 = vector.extract_strided_slice %get3A_12 {offsets = [8], sizes = [1], strides = [1]} : vector<16xf32> to vector<1xf32>
    %squeeze3A_70 = vector.extract %slice3A_69[0] : f32 from vector<1xf32>
    %slice3A_71 = vector.extract_strided_slice %get3A_12 {offsets = [9], sizes = [1], strides = [1]} : vector<16xf32> to vector<1xf32>
    %squeeze3A_72 = vector.extract %slice3A_71[0] : f32 from vector<1xf32>
    %slice3A_73 = vector.extract_strided_slice %get3A_12 {offsets = [10], sizes = [1], strides = [1]} : vector<16xf32> to vector<1xf32>
    %squeeze3A_74 = vector.extract %slice3A_73[0] : f32 from vector<1xf32>
    %slice3A_75 = vector.extract_strided_slice %get3A_12 {offsets = [11], sizes = [1], strides = [1]} : vector<16xf32> to vector<1xf32>
    %squeeze3A_76 = vector.extract %slice3A_75[0] : f32 from vector<1xf32>
    %slice3A_77 = vector.extract_strided_slice %get3A_12 {offsets = [12], sizes = [1], strides = [1]} : vector<16xf32> to vector<1xf32>
    %squeeze3A_78 = vector.extract %slice3A_77[0] : f32 from vector<1xf32>
    %slice3A_79 = vector.extract_strided_slice %get3A_12 {offsets = [13], sizes = [1], strides = [1]} : vector<16xf32> to vector<1xf32>
    %squeeze3A_80 = vector.extract %slice3A_79[0] : f32 from vector<1xf32>
    %slice3A_81 = vector.extract_strided_slice %get3A_12 {offsets = [14], sizes = [1], strides = [1]} : vector<16xf32> to vector<1xf32>
    %squeeze3A_82 = vector.extract %slice3A_81[0] : f32 from vector<1xf32>
    %slice3A_83 = vector.extract_strided_slice %get3A_12 {offsets = [15], sizes = [1], strides = [1]} : vector<16xf32> to vector<1xf32>
    %squeeze3A_84 = vector.extract %slice3A_83[0] : f32 from vector<1xf32>
    %slice3A_85 = vector.extract_strided_slice %get3A_17 {offsets = [0], sizes = [1], strides = [1]} : vector<16xf32> to vector<1xf32>
    %squeeze3A_86 = vector.extract %slice3A_85[0] : f32 from vector<1xf32>
    %slice3A_87 = vector.extract_strided_slice %get3A_17 {offsets = [1], sizes = [1], strides = [1]} : vector<16xf32> to vector<1xf32>
    %squeeze3A_88 = vector.extract %slice3A_87[0] : f32 from vector<1xf32>
    %slice3A_89 = vector.extract_strided_slice %get3A_17 {offsets = [2], sizes = [1], strides = [1]} : vector<16xf32> to vector<1xf32>
    %squeeze3A_90 = vector.extract %slice3A_89[0] : f32 from vector<1xf32>
    %slice3A_91 = vector.extract_strided_slice %get3A_17 {offsets = [3], sizes = [1], strides = [1]} : vector<16xf32> to vector<1xf32>
    %squeeze3A_92 = vector.extract %slice3A_91[0] : f32 from vector<1xf32>
    %slice3A_93 = vector.extract_strided_slice %get3A_17 {offsets = [4], sizes = [1], strides = [1]} : vector<16xf32> to vector<1xf32>
    %squeeze3A_94 = vector.extract %slice3A_93[0] : f32 from vector<1xf32>
    %slice3A_95 = vector.extract_strided_slice %get3A_17 {offsets = [5], sizes = [1], strides = [1]} : vector<16xf32> to vector<1xf32>
    %squeeze3A_96 = vector.extract %slice3A_95[0] : f32 from vector<1xf32>
    %slice3A_97 = vector.extract_strided_slice %get3A_17 {offsets = [6], sizes = [1], strides = [1]} : vector<16xf32> to vector<1xf32>
    %squeeze3A_98 = vector.extract %slice3A_97[0] : f32 from vector<1xf32>
    %slice3A_99 = vector.extract_strided_slice %get3A_17 {offsets = [7], sizes = [1], strides = [1]} : vector<16xf32> to vector<1xf32>
    %squeeze3A_100 = vector.extract %slice3A_99[0] : f32 from vector<1xf32>
    %slice3A_101 = vector.extract_strided_slice %get3A_17 {offsets = [8], sizes = [1], strides = [1]} : vector<16xf32> to vector<1xf32>
    %squeeze3A_102 = vector.extract %slice3A_101[0] : f32 from vector<1xf32>
    %slice3A_103 = vector.extract_strided_slice %get3A_17 {offsets = [9], sizes = [1], strides = [1]} : vector<16xf32> to vector<1xf32>
    %squeeze3A_104 = vector.extract %slice3A_103[0] : f32 from vector<1xf32>
    %slice3A_105 = vector.extract_strided_slice %get3A_17 {offsets = [10], sizes = [1], strides = [1]} : vector<16xf32> to vector<1xf32>
    %squeeze3A_106 = vector.extract %slice3A_105[0] : f32 from vector<1xf32>
    %slice3A_107 = vector.extract_strided_slice %get3A_17 {offsets = [11], sizes = [1], strides = [1]} : vector<16xf32> to vector<1xf32>
    %squeeze3A_108 = vector.extract %slice3A_107[0] : f32 from vector<1xf32>
    %slice3A_109 = vector.extract_strided_slice %get3A_17 {offsets = [12], sizes = [1], strides = [1]} : vector<16xf32> to vector<1xf32>
    %squeeze3A_110 = vector.extract %slice3A_109[0] : f32 from vector<1xf32>
    %slice3A_111 = vector.extract_strided_slice %get3A_17 {offsets = [13], sizes = [1], strides = [1]} : vector<16xf32> to vector<1xf32>
    %squeeze3A_112 = vector.extract %slice3A_111[0] : f32 from vector<1xf32>
    %slice3A_113 = vector.extract_strided_slice %get3A_17 {offsets = [14], sizes = [1], strides = [1]} : vector<16xf32> to vector<1xf32>
    %squeeze3A_114 = vector.extract %slice3A_113[0] : f32 from vector<1xf32>
    %slice3A_115 = vector.extract_strided_slice %get3A_17 {offsets = [15], sizes = [1], strides = [1]} : vector<16xf32> to vector<1xf32>
    %squeeze3A_116 = vector.extract %slice3A_115[0] : f32 from vector<1xf32>
    %slice3A_117 = vector.extract_strided_slice %get3A_22 {offsets = [0], sizes = [1], strides = [1]} : vector<16xf32> to vector<1xf32>
    %squeeze3A_118 = vector.extract %slice3A_117[0] : f32 from vector<1xf32>
    %slice3A_119 = vector.extract_strided_slice %get3A_22 {offsets = [1], sizes = [1], strides = [1]} : vector<16xf32> to vector<1xf32>
    %squeeze3A_120 = vector.extract %slice3A_119[0] : f32 from vector<1xf32>
    %slice3A_121 = vector.extract_strided_slice %get3A_22 {offsets = [2], sizes = [1], strides = [1]} : vector<16xf32> to vector<1xf32>
    %squeeze3A_122 = vector.extract %slice3A_121[0] : f32 from vector<1xf32>
    %slice3A_123 = vector.extract_strided_slice %get3A_22 {offsets = [3], sizes = [1], strides = [1]} : vector<16xf32> to vector<1xf32>
    %squeeze3A_124 = vector.extract %slice3A_123[0] : f32 from vector<1xf32>
    %slice3A_125 = vector.extract_strided_slice %get3A_22 {offsets = [4], sizes = [1], strides = [1]} : vector<16xf32> to vector<1xf32>
    %squeeze3A_126 = vector.extract %slice3A_125[0] : f32 from vector<1xf32>
    %slice3A_127 = vector.extract_strided_slice %get3A_22 {offsets = [5], sizes = [1], strides = [1]} : vector<16xf32> to vector<1xf32>
    %squeeze3A_128 = vector.extract %slice3A_127[0] : f32 from vector<1xf32>
    %slice3A_129 = vector.extract_strided_slice %get3A_22 {offsets = [6], sizes = [1], strides = [1]} : vector<16xf32> to vector<1xf32>
    %squeeze3A_130 = vector.extract %slice3A_129[0] : f32 from vector<1xf32>
    %slice3A_131 = vector.extract_strided_slice %get3A_22 {offsets = [7], sizes = [1], strides = [1]} : vector<16xf32> to vector<1xf32>
    %squeeze3A_132 = vector.extract %slice3A_131[0] : f32 from vector<1xf32>
    %slice3A_133 = vector.extract_strided_slice %get3A_22 {offsets = [8], sizes = [1], strides = [1]} : vector<16xf32> to vector<1xf32>
    %squeeze3A_134 = vector.extract %slice3A_133[0] : f32 from vector<1xf32>
    %slice3A_135 = vector.extract_strided_slice %get3A_22 {offsets = [9], sizes = [1], strides = [1]} : vector<16xf32> to vector<1xf32>
    %squeeze3A_136 = vector.extract %slice3A_135[0] : f32 from vector<1xf32>
    %slice3A_137 = vector.extract_strided_slice %get3A_22 {offsets = [10], sizes = [1], strides = [1]} : vector<16xf32> to vector<1xf32>
    %squeeze3A_138 = vector.extract %slice3A_137[0] : f32 from vector<1xf32>
    %slice3A_139 = vector.extract_strided_slice %get3A_22 {offsets = [11], sizes = [1], strides = [1]} : vector<16xf32> to vector<1xf32>
    %squeeze3A_140 = vector.extract %slice3A_139[0] : f32 from vector<1xf32>
    %slice3A_141 = vector.extract_strided_slice %get3A_22 {offsets = [12], sizes = [1], strides = [1]} : vector<16xf32> to vector<1xf32>
    %squeeze3A_142 = vector.extract %slice3A_141[0] : f32 from vector<1xf32>
    %slice3A_143 = vector.extract_strided_slice %get3A_22 {offsets = [13], sizes = [1], strides = [1]} : vector<16xf32> to vector<1xf32>
    %squeeze3A_144 = vector.extract %slice3A_143[0] : f32 from vector<1xf32>
    %slice3A_145 = vector.extract_strided_slice %get3A_22 {offsets = [14], sizes = [1], strides = [1]} : vector<16xf32> to vector<1xf32>
    %squeeze3A_146 = vector.extract %slice3A_145[0] : f32 from vector<1xf32>
    %slice3A_147 = vector.extract_strided_slice %get3A_22 {offsets = [15], sizes = [1], strides = [1]} : vector<16xf32> to vector<1xf32>
    %squeeze3A_148 = vector.extract %slice3A_147[0] : f32 from vector<1xf32>
    %broadcast_in_dim3A = arith.constant -1.000000e+00 : f32
    %broadcast_in_dim3A_149 = vector.broadcast %broadcast_in_dim3A : f32 to vector<16xf32>
    %broadcast_in_dim3A_150 = arith.constant -1.000000e+00 : f32
    %broadcast_in_dim3A_151 = vector.broadcast %broadcast_in_dim3A_150 : f32 to vector<16xf32>
    %broadcast_in_dim3A_152 = arith.constant -1.000000e+00 : f32
    %broadcast_in_dim3A_153 = vector.broadcast %broadcast_in_dim3A_152 : f32 to vector<16xf32>
    %broadcast_in_dim3A_154 = arith.constant -1.000000e+00 : f32
    %broadcast_in_dim3A_155 = vector.broadcast %broadcast_in_dim3A_154 : f32 to vector<16xf32>
    %broadcast_in_dim3A_156 = arith.constant -1.000000e+00 : f32
    %broadcast_in_dim3A_157 = vector.broadcast %broadcast_in_dim3A_156 : f32 to vector<16xf32>
    %broadcast_in_dim3A_158 = arith.constant -1.000000e+00 : f32
    %broadcast_in_dim3A_159 = vector.broadcast %broadcast_in_dim3A_158 : f32 to vector<16xf32>
    %broadcast_in_dim3A_160 = arith.constant -1.000000e+00 : f32
    %broadcast_in_dim3A_161 = vector.broadcast %broadcast_in_dim3A_160 : f32 to vector<16xf32>
    %broadcast_in_dim3A_162 = arith.constant -1.000000e+00 : f32
    %broadcast_in_dim3A_163 = vector.broadcast %broadcast_in_dim3A_162 : f32 to vector<16xf32>
    %broadcast_in_dim3A_164 = arith.constant -1.000000e+00 : f32
    %broadcast_in_dim3A_165 = vector.broadcast %broadcast_in_dim3A_164 : f32 to vector<16xf32>
    %broadcast_in_dim3A_166 = arith.constant -1.000000e+00 : f32
    %broadcast_in_dim3A_167 = vector.broadcast %broadcast_in_dim3A_166 : f32 to vector<16xf32>
    %broadcast_in_dim3A_168 = arith.constant -1.000000e+00 : f32
    %broadcast_in_dim3A_169 = vector.broadcast %broadcast_in_dim3A_168 : f32 to vector<16xf32>
    %broadcast_in_dim3A_170 = arith.constant -1.000000e+00 : f32
    %broadcast_in_dim3A_171 = vector.broadcast %broadcast_in_dim3A_170 : f32 to vector<16xf32>
    %broadcast_in_dim3A_172 = arith.constant -1.000000e+00 : f32
    %broadcast_in_dim3A_173 = vector.broadcast %broadcast_in_dim3A_172 : f32 to vector<16xf32>
    %broadcast_in_dim3A_174 = arith.constant -1.000000e+00 : f32
    %broadcast_in_dim3A_175 = vector.broadcast %broadcast_in_dim3A_174 : f32 to vector<16xf32>
    %broadcast_in_dim3A_176 = arith.constant -1.000000e+00 : f32
    %broadcast_in_dim3A_177 = vector.broadcast %broadcast_in_dim3A_176 : f32 to vector<16xf32>
    %broadcast_in_dim3A_178 = arith.constant -1.000000e+00 : f32
    %broadcast_in_dim3A_179 = vector.broadcast %broadcast_in_dim3A_178 : f32 to vector<16xf32>
    %broadcast_in_dim3A_180 = arith.constant 0 : i32
    %broadcast_in_dim3A_181 = vector.broadcast %broadcast_in_dim3A_180 : i32 to vector<16xi32>
    %broadcast_in_dim3A_182 = arith.constant 0 : i32
    %broadcast_in_dim3A_183 = vector.broadcast %broadcast_in_dim3A_182 : i32 to vector<16xi32>
    %broadcast_in_dim3A_184 = arith.constant 0 : i32
    %broadcast_in_dim3A_185 = vector.broadcast %broadcast_in_dim3A_184 : i32 to vector<16xi32>
    %broadcast_in_dim3A_186 = arith.constant 0 : i32
    %broadcast_in_dim3A_187 = vector.broadcast %broadcast_in_dim3A_186 : i32 to vector<16xi32>
    %broadcast_in_dim3A_188 = arith.constant 0 : i32
    %broadcast_in_dim3A_189 = vector.broadcast %broadcast_in_dim3A_188 : i32 to vector<16xi32>
    %broadcast_in_dim3A_190 = arith.constant 0 : i32
    %broadcast_in_dim3A_191 = vector.broadcast %broadcast_in_dim3A_190 : i32 to vector<16xi32>
    %broadcast_in_dim3A_192 = arith.constant 0 : i32
    %broadcast_in_dim3A_193 = vector.broadcast %broadcast_in_dim3A_192 : i32 to vector<16xi32>
    %broadcast_in_dim3A_194 = arith.constant 0 : i32
    %broadcast_in_dim3A_195 = vector.broadcast %broadcast_in_dim3A_194 : i32 to vector<16xi32>
    %broadcast_in_dim3A_196 = arith.constant 0 : i32
    %broadcast_in_dim3A_197 = vector.broadcast %broadcast_in_dim3A_196 : i32 to vector<16xi32>
    %broadcast_in_dim3A_198 = arith.constant 0 : i32
    %broadcast_in_dim3A_199 = vector.broadcast %broadcast_in_dim3A_198 : i32 to vector<16xi32>
    %broadcast_in_dim3A_200 = arith.constant 0 : i32
    %broadcast_in_dim3A_201 = vector.broadcast %broadcast_in_dim3A_200 : i32 to vector<16xi32>
    %broadcast_in_dim3A_202 = arith.constant 0 : i32
    %broadcast_in_dim3A_203 = vector.broadcast %broadcast_in_dim3A_202 : i32 to vector<16xi32>
    %broadcast_in_dim3A_204 = arith.constant 0 : i32
    %broadcast_in_dim3A_205 = vector.broadcast %broadcast_in_dim3A_204 : i32 to vector<16xi32>
    %broadcast_in_dim3A_206 = arith.constant 0 : i32
    %broadcast_in_dim3A_207 = vector.broadcast %broadcast_in_dim3A_206 : i32 to vector<16xi32>
    %broadcast_in_dim3A_208 = arith.constant 0 : i32
    %broadcast_in_dim3A_209 = vector.broadcast %broadcast_in_dim3A_208 : i32 to vector<16xi32>
    %broadcast_in_dim3A_210 = arith.constant 0 : i32
    %broadcast_in_dim3A_211 = vector.broadcast %broadcast_in_dim3A_210 : i32 to vector<16xi32>
    %scan3A = arith.constant 0 : i32
    %scan3A_212 = arith.constant 546 : i32
    %scan3A_213 = arith.addi %scan3A, %scan3A_212 : i32
    %scan3A_214 = arith.constant 1 : i32
    %scan3A_215:32 = scf.for %scan3A_1071 = %scan3A to %scan3A_213 step %scan3A_214 iter_args(%scan3A_1072 = %broadcast_in_dim3A_149, %scan3A_1073 = %broadcast_in_dim3A_151, %scan3A_1074 = %broadcast_in_dim3A_153, %scan3A_1075 = %broadcast_in_dim3A_155, %scan3A_1076 = %broadcast_in_dim3A_157, %scan3A_1077 = %broadcast_in_dim3A_159, %scan3A_1078 = %broadcast_in_dim3A_161, %scan3A_1079 = %broadcast_in_dim3A_163, %scan3A_1080 = %broadcast_in_dim3A_165, %scan3A_1081 = %broadcast_in_dim3A_167, %scan3A_1082 = %broadcast_in_dim3A_169, %scan3A_1083 = %broadcast_in_dim3A_171, %scan3A_1084 = %broadcast_in_dim3A_173, %scan3A_1085 = %broadcast_in_dim3A_175, %scan3A_1086 = %broadcast_in_dim3A_177, %scan3A_1087 = %broadcast_in_dim3A_179, %scan3A_1088 = %broadcast_in_dim3A_181, %scan3A_1089 = %broadcast_in_dim3A_183, %scan3A_1090 = %broadcast_in_dim3A_185, %scan3A_1091 = %broadcast_in_dim3A_187, %scan3A_1092 = %broadcast_in_dim3A_189, %scan3A_1093 = %broadcast_in_dim3A_191, %scan3A_1094 = %broadcast_in_dim3A_193, %scan3A_1095 = %broadcast_in_dim3A_195, %scan3A_1096 = %broadcast_in_dim3A_197, %scan3A_1097 = %broadcast_in_dim3A_199, %scan3A_1098 = %broadcast_in_dim3A_201, %scan3A_1099 = %broadcast_in_dim3A_203, %scan3A_1100 = %broadcast_in_dim3A_205, %scan3A_1101 = %broadcast_in_dim3A_207, %scan3A_1102 = %broadcast_in_dim3A_209, %scan3A_1103 = %broadcast_in_dim3A_211) -> (vector<16xf32>, vector<16xf32>, vector<16xf32>, vector<16xf32>, vector<16xf32>, vector<16xf32>, vector<16xf32>, vector<16xf32>, vector<16xf32>, vector<16xf32>, vector<16xf32>, vector<16xf32>, vector<16xf32>, vector<16xf32>, vector<16xf32>, vector<16xf32>, vector<16xi32>, vector<16xi32>, vector<16xi32>, vector<16xi32>, vector<16xi32>, vector<16xi32>, vector<16xi32>, vector<16xi32>, vector<16xi32>, vector<16xi32>, vector<16xi32>, vector<16xi32>, vector<16xi32>, vector<16xi32>, vector<16xi32>, vector<16xi32>)  : i32 {
      %mul3A_1104 = arith.constant 16 : i32
      %mul3A_1105 = arith.muli %scan3A_1071, %mul3A_1104 : i32
      %get3A_1106 = arith.index_cast %mul3A_1105 : i32 to index
      %get3A_1107 = tpu.vector_load %arg6[%get3A_1106] {strides = array<i32>} : memref<8736xf32, #tpu.memory_space<vmem>>, vector<16xf32>,
      %get3A_1108 = vector.shape_cast %get3A_1107 : vector<16xf32> to vector<16xf32>
      %get3A_1109 = arith.index_cast %mul3A_1105 : i32 to index
      %get3A_1110 = tpu.vector_load %arg7[%get3A_1109] {strides = array<i32>} : memref<8736xf32, #tpu.memory_space<vmem>>, vector<16xf32>,
      %get3A_1111 = vector.shape_cast %get3A_1110 : vector<16xf32> to vector<16xf32>
      %get3A_1112 = arith.index_cast %mul3A_1105 : i32 to index
      %get3A_1113 = tpu.vector_load %arg8[%get3A_1112] {strides = array<i32>} : memref<8736xf32, #tpu.memory_space<vmem>>, vector<16xf32>,
      %get3A_1114 = vector.shape_cast %get3A_1113 : vector<16xf32> to vector<16xf32>
      %get3A_1115 = arith.index_cast %mul3A_1105 : i32 to index
      %get3A_1116 = tpu.vector_load %arg9[%get3A_1115] {strides = array<i32>} : memref<8736xf32, #tpu.memory_space<vmem>>, vector<16xf32>,
      %get3A_1117 = vector.shape_cast %get3A_1116 : vector<16xf32> to vector<16xf32>
      %sub3A = arith.subf %get3A_1114, %get3A_1108 : vector<16xf32>
      %sub3A_1118 = arith.subf %get3A_1117, %get3A_1111 : vector<16xf32>
      %mul3A_1119 = arith.mulf %sub3A, %sub3A_1118 : vector<16xf32>
      %broadcast_in_dim3A_1120 = arith.constant -1.000000e+00 : f32
      %broadcast_in_dim3A_1121 = vector.broadcast %broadcast_in_dim3A_1120 : f32 to vector<16xf32>
      %broadcast_in_dim3A_1122 = arith.constant 0 : i32
      %broadcast_in_dim3A_1123 = vector.broadcast %broadcast_in_dim3A_1122 : i32 to vector<16xi32>
      %add3A_1124 = vector.broadcast %mul3A_1105 : i32 to vector<16xi32>
      %add3A_1125 = arith.addi %add3A_1124, %iota3A : vector<16xi32>
      %min3A = vector.broadcast %squeeze3A_86 : f32 to vector<16xf32>
      %min3A_1126 = arith.minimumf %get3A_1114, %min3A : vector<16xf32>
      %max3A_1127 = vector.broadcast %squeeze3A : f32 to vector<16xf32>
      %max3A_1128 = arith.maximumf %get3A_1108, %max3A_1127 : vector<16xf32>
      %sub3A_1129 = arith.subf %min3A_1126, %max3A_1128 : vector<16xf32>
      %max3A_1130 = arith.constant 0.000000e+00 : f32
      %max3A_1131 = vector.broadcast %max3A_1130 : f32 to vector<16xf32>
      %max3A_1132 = arith.maximumf %sub3A_1129, %max3A_1131 : vector<16xf32>
      %min3A_1133 = vector.broadcast %squeeze3A_118 : f32 to vector<16xf32>
      %min3A_1134 = arith.minimumf %get3A_1117, %min3A_1133 : vector<16xf32>
      %max3A_1135 = vector.broadcast %squeeze3A_54 : f32 to vector<16xf32>
      %max3A_1136 = arith.maximumf %get3A_1111, %max3A_1135 : vector<16xf32>
      %sub3A_1137 = arith.subf %min3A_1134, %max3A_1136 : vector<16xf32>
      %max3A_1138 = arith.constant 0.000000e+00 : f32
      %max3A_1139 = vector.broadcast %max3A_1138 : f32 to vector<16xf32>
      %max3A_1140 = arith.maximumf %sub3A_1137, %max3A_1139 : vector<16xf32>
      %mul3A_1141 = arith.mulf %max3A_1132, %max3A_1140 : vector<16xf32>
      %sub3A_1142 = arith.subf %squeeze3A_86, %squeeze3A : f32
      %sub3A_1143 = arith.subf %squeeze3A_118, %squeeze3A_54 : f32
      %mul3A_1144 = arith.mulf %sub3A_1142, %sub3A_1143 : f32
      %add3A_1145 = vector.broadcast %mul3A_1144 : f32 to vector<16xf32>
      %add3A_1146 = arith.addf %add3A_1145, %mul3A_1119 : vector<16xf32>
      %sub3A_1147 = arith.subf %add3A_1146, %mul3A_1141 : vector<16xf32>
      %div3A = arith.divf %mul3A_1141, %sub3A_1147 : vector<16xf32>
      %gt3A_1148 = arith.cmpf ogt, %div3A, %broadcast_in_dim3A_1121 : vector<16xf32>
      %jit3A = arith.constant 0 : i32
      %broadcast_in_dim3A_1149 = vector.broadcast %jit3A : i32 to vector<16xi32>
      %select_n3A_1150 = arith.select %gt3A_1148, %broadcast_in_dim3A_1149, %broadcast_in_dim3A_1123 : vector<16xi1>, vector<16xi32>
      %select_n3A_1151 = arith.select %gt3A_1148, %div3A, %broadcast_in_dim3A_1121 : vector<16xi1>, vector<16xf32>
      %gt3A_1152 = arith.cmpf ogt, %div3A, %scan3A_1072 : vector<16xf32>
      %select_n3A_1153 = arith.select %gt3A_1152, %add3A_1125, %scan3A_1088 : vector<16xi1>, vector<16xi32>
      %select_n3A_1154 = arith.select %gt3A_1152, %div3A, %scan3A_1072 : vector<16xi1>, vector<16xf32>
      %min3A_1155 = vector.broadcast %squeeze3A_88 : f32 to vector<16xf32>
      %min3A_1156 = arith.minimumf %get3A_1114, %min3A_1155 : vector<16xf32>
      %max3A_1157 = vector.broadcast %squeeze3A_24 : f32 to vector<16xf32>
      %max3A_1158 = arith.maximumf %get3A_1108, %max3A_1157 : vector<16xf32>
      %sub3A_1159 = arith.subf %min3A_1156, %max3A_1158 : vector<16xf32>
      %max3A_1160 = arith.constant 0.000000e+00 : f32
      %max3A_1161 = vector.broadcast %max3A_1160 : f32 to vector<16xf32>
      %max3A_1162 = arith.maximumf %sub3A_1159, %max3A_1161 : vector<16xf32>
      %min3A_1163 = vector.broadcast %squeeze3A_120 : f32 to vector<16xf32>
      %min3A_1164 = arith.minimumf %get3A_1117, %min3A_1163 : vector<16xf32>
      %max3A_1165 = vector.broadcast %squeeze3A_56 : f32 to vector<16xf32>
      %max3A_1166 = arith.maximumf %get3A_1111, %max3A_1165 : vector<16xf32>
      %sub3A_1167 = arith.subf %min3A_1164, %max3A_1166 : vector<16xf32>
      %max3A_1168 = arith.constant 0.000000e+00 : f32
      %max3A_1169 = vector.broadcast %max3A_1168 : f32 to vector<16xf32>
      %max3A_1170 = arith.maximumf %sub3A_1167, %max3A_1169 : vector<16xf32>
      %mul3A_1171 = arith.mulf %max3A_1162, %max3A_1170 : vector<16xf32>
      %sub3A_1172 = arith.subf %squeeze3A_88, %squeeze3A_24 : f32
      %sub3A_1173 = arith.subf %squeeze3A_120, %squeeze3A_56 : f32
      %mul3A_1174 = arith.mulf %sub3A_1172, %sub3A_1173 : f32
      %add3A_1175 = vector.broadcast %mul3A_1174 : f32 to vector<16xf32>
      %add3A_1176 = arith.addf %add3A_1175, %mul3A_1119 : vector<16xf32>
      %sub3A_1177 = arith.subf %add3A_1176, %mul3A_1171 : vector<16xf32>
      %div3A_1178 = arith.divf %mul3A_1171, %sub3A_1177 : vector<16xf32>
      %gt3A_1179 = arith.cmpf ogt, %div3A_1178, %select_n3A_1151 : vector<16xf32>
      %jit3A_1180 = arith.constant 1 : i32
      %broadcast_in_dim3A_1181 = vector.broadcast %jit3A_1180 : i32 to vector<16xi32>
      %select_n3A_1182 = arith.select %gt3A_1179, %broadcast_in_dim3A_1181, %select_n3A_1150 : vector<16xi1>, vector<16xi32>
      %select_n3A_1183 = arith.select %gt3A_1179, %div3A_1178, %select_n3A_1151 : vector<16xi1>, vector<16xf32>
      %gt3A_1184 = arith.cmpf ogt, %div3A_1178, %scan3A_1073 : vector<16xf32>
      %select_n3A_1185 = arith.select %gt3A_1184, %add3A_1125, %scan3A_1089 : vector<16xi1>, vector<16xi32>
      %select_n3A_1186 = arith.select %gt3A_1184, %div3A_1178, %scan3A_1073 : vector<16xi1>, vector<16xf32>
      %min3A_1187 = vector.broadcast %squeeze3A_90 : f32 to vector<16xf32>
      %min3A_1188 = arith.minimumf %get3A_1114, %min3A_1187 : vector<16xf32>
      %max3A_1189 = vector.broadcast %squeeze3A_26 : f32 to vector<16xf32>
      %max3A_1190 = arith.maximumf %get3A_1108, %max3A_1189 : vector<16xf32>
      %sub3A_1191 = arith.subf %min3A_1188, %max3A_1190 : vector<16xf32>
      %max3A_1192 = arith.constant 0.000000e+00 : f32
      %max3A_1193 = vector.broadcast %max3A_1192 : f32 to vector<16xf32>
      %max3A_1194 = arith.maximumf %sub3A_1191, %max3A_1193 : vector<16xf32>
      %min3A_1195 = vector.broadcast %squeeze3A_122 : f32 to vector<16xf32>
      %min3A_1196 = arith.minimumf %get3A_1117, %min3A_1195 : vector<16xf32>
      %max3A_1197 = vector.broadcast %squeeze3A_58 : f32 to vector<16xf32>
      %max3A_1198 = arith.maximumf %get3A_1111, %max3A_1197 : vector<16xf32>
      %sub3A_1199 = arith.subf %min3A_1196, %max3A_1198 : vector<16xf32>
      %max3A_1200 = arith.constant 0.000000e+00 : f32
      %max3A_1201 = vector.broadcast %max3A_1200 : f32 to vector<16xf32>
      %max3A_1202 = arith.maximumf %sub3A_1199, %max3A_1201 : vector<16xf32>
      %mul3A_1203 = arith.mulf %max3A_1194, %max3A_1202 : vector<16xf32>
      %sub3A_1204 = arith.subf %squeeze3A_90, %squeeze3A_26 : f32
      %sub3A_1205 = arith.subf %squeeze3A_122, %squeeze3A_58 : f32
      %mul3A_1206 = arith.mulf %sub3A_1204, %sub3A_1205 : f32
      %add3A_1207 = vector.broadcast %mul3A_1206 : f32 to vector<16xf32>
      %add3A_1208 = arith.addf %add3A_1207, %mul3A_1119 : vector<16xf32>
      %sub3A_1209 = arith.subf %add3A_1208, %mul3A_1203 : vector<16xf32>
      %div3A_1210 = arith.divf %mul3A_1203, %sub3A_1209 : vector<16xf32>
      %gt3A_1211 = arith.cmpf ogt, %div3A_1210, %select_n3A_1183 : vector<16xf32>
      %jit3A_1212 = arith.constant 2 : i32
      %broadcast_in_dim3A_1213 = vector.broadcast %jit3A_1212 : i32 to vector<16xi32>
      %select_n3A_1214 = arith.select %gt3A_1211, %broadcast_in_dim3A_1213, %select_n3A_1182 : vector<16xi1>, vector<16xi32>
      %select_n3A_1215 = arith.select %gt3A_1211, %div3A_1210, %select_n3A_1183 : vector<16xi1>, vector<16xf32>
      %gt3A_1216 = arith.cmpf ogt, %div3A_1210, %scan3A_1074 : vector<16xf32>
      %select_n3A_1217 = arith.select %gt3A_1216, %add3A_1125, %scan3A_1090 : vector<16xi1>, vector<16xi32>
      %select_n3A_1218 = arith.select %gt3A_1216, %div3A_1210, %scan3A_1074 : vector<16xi1>, vector<16xf32>
      %min3A_1219 = vector.broadcast %squeeze3A_92 : f32 to vector<16xf32>
      %min3A_1220 = arith.minimumf %get3A_1114, %min3A_1219 : vector<16xf32>
      %max3A_1221 = vector.broadcast %squeeze3A_28 : f32 to vector<16xf32>
      %max3A_1222 = arith.maximumf %get3A_1108, %max3A_1221 : vector<16xf32>
      %sub3A_1223 = arith.subf %min3A_1220, %max3A_1222 : vector<16xf32>
      %max3A_1224 = arith.constant 0.000000e+00 : f32
      %max3A_1225 = vector.broadcast %max3A_1224 : f32 to vector<16xf32>
      %max3A_1226 = arith.maximumf %sub3A_1223, %max3A_1225 : vector<16xf32>
      %min3A_1227 = vector.broadcast %squeeze3A_124 : f32 to vector<16xf32>
      %min3A_1228 = arith.minimumf %get3A_1117, %min3A_1227 : vector<16xf32>
      %max3A_1229 = vector.broadcast %squeeze3A_60 : f32 to vector<16xf32>
      %max3A_1230 = arith.maximumf %get3A_1111, %max3A_1229 : vector<16xf32>
      %sub3A_1231 = arith.subf %min3A_1228, %max3A_1230 : vector<16xf32>
      %max3A_1232 = arith.constant 0.000000e+00 : f32
      %max3A_1233 = vector.broadcast %max3A_1232 : f32 to vector<16xf32>
      %max3A_1234 = arith.maximumf %sub3A_1231, %max3A_1233 : vector<16xf32>
      %mul3A_1235 = arith.mulf %max3A_1226, %max3A_1234 : vector<16xf32>
      %sub3A_1236 = arith.subf %squeeze3A_92, %squeeze3A_28 : f32
      %sub3A_1237 = arith.subf %squeeze3A_124, %squeeze3A_60 : f32
      %mul3A_1238 = arith.mulf %sub3A_1236, %sub3A_1237 : f32
      %add3A_1239 = vector.broadcast %mul3A_1238 : f32 to vector<16xf32>
      %add3A_1240 = arith.addf %add3A_1239, %mul3A_1119 : vector<16xf32>
      %sub3A_1241 = arith.subf %add3A_1240, %mul3A_1235 : vector<16xf32>
      %div3A_1242 = arith.divf %mul3A_1235, %sub3A_1241 : vector<16xf32>
      %gt3A_1243 = arith.cmpf ogt, %div3A_1242, %select_n3A_1215 : vector<16xf32>
      %jit3A_1244 = arith.constant 3 : i32
      %broadcast_in_dim3A_1245 = vector.broadcast %jit3A_1244 : i32 to vector<16xi32>
      %select_n3A_1246 = arith.select %gt3A_1243, %broadcast_in_dim3A_1245, %select_n3A_1214 : vector<16xi1>, vector<16xi32>
      %select_n3A_1247 = arith.select %gt3A_1243, %div3A_1242, %select_n3A_1215 : vector<16xi1>, vector<16xf32>
      %gt3A_1248 = arith.cmpf ogt, %div3A_1242, %scan3A_1075 : vector<16xf32>
      %select_n3A_1249 = arith.select %gt3A_1248, %add3A_1125, %scan3A_1091 : vector<16xi1>, vector<16xi32>
      %select_n3A_1250 = arith.select %gt3A_1248, %div3A_1242, %scan3A_1075 : vector<16xi1>, vector<16xf32>
      %min3A_1251 = vector.broadcast %squeeze3A_94 : f32 to vector<16xf32>
      %min3A_1252 = arith.minimumf %get3A_1114, %min3A_1251 : vector<16xf32>
      %max3A_1253 = vector.broadcast %squeeze3A_30 : f32 to vector<16xf32>
      %max3A_1254 = arith.maximumf %get3A_1108, %max3A_1253 : vector<16xf32>
      %sub3A_1255 = arith.subf %min3A_1252, %max3A_1254 : vector<16xf32>
      %max3A_1256 = arith.constant 0.000000e+00 : f32
      %max3A_1257 = vector.broadcast %max3A_1256 : f32 to vector<16xf32>
      %max3A_1258 = arith.maximumf %sub3A_1255, %max3A_1257 : vector<16xf32>
      %min3A_1259 = vector.broadcast %squeeze3A_126 : f32 to vector<16xf32>
      %min3A_1260 = arith.minimumf %get3A_1117, %min3A_1259 : vector<16xf32>
      %max3A_1261 = vector.broadcast %squeeze3A_62 : f32 to vector<16xf32>
      %max3A_1262 = arith.maximumf %get3A_1111, %max3A_1261 : vector<16xf32>
      %sub3A_1263 = arith.subf %min3A_1260, %max3A_1262 : vector<16xf32>
      %max3A_1264 = arith.constant 0.000000e+00 : f32
      %max3A_1265 = vector.broadcast %max3A_1264 : f32 to vector<16xf32>
      %max3A_1266 = arith.maximumf %sub3A_1263, %max3A_1265 : vector<16xf32>
      %mul3A_1267 = arith.mulf %max3A_1258, %max3A_1266 : vector<16xf32>
      %sub3A_1268 = arith.subf %squeeze3A_94, %squeeze3A_30 : f32
      %sub3A_1269 = arith.subf %squeeze3A_126, %squeeze3A_62 : f32
      %mul3A_1270 = arith.mulf %sub3A_1268, %sub3A_1269 : f32
      %add3A_1271 = vector.broadcast %mul3A_1270 : f32 to vector<16xf32>
      %add3A_1272 = arith.addf %add3A_1271, %mul3A_1119 : vector<16xf32>
      %sub3A_1273 = arith.subf %add3A_1272, %mul3A_1267 : vector<16xf32>
      %div3A_1274 = arith.divf %mul3A_1267, %sub3A_1273 : vector<16xf32>
      %gt3A_1275 = arith.cmpf ogt, %div3A_1274, %select_n3A_1247 : vector<16xf32>
      %jit3A_1276 = arith.constant 4 : i32
      %broadcast_in_dim3A_1277 = vector.broadcast %jit3A_1276 : i32 to vector<16xi32>
      %select_n3A_1278 = arith.select %gt3A_1275, %broadcast_in_dim3A_1277, %select_n3A_1246 : vector<16xi1>, vector<16xi32>
      %select_n3A_1279 = arith.select %gt3A_1275, %div3A_1274, %select_n3A_1247 : vector<16xi1>, vector<16xf32>
      %gt3A_1280 = arith.cmpf ogt, %div3A_1274, %scan3A_1076 : vector<16xf32>
      %select_n3A_1281 = arith.select %gt3A_1280, %add3A_1125, %scan3A_1092 : vector<16xi1>, vector<16xi32>
      %select_n3A_1282 = arith.select %gt3A_1280, %div3A_1274, %scan3A_1076 : vector<16xi1>, vector<16xf32>
      %min3A_1283 = vector.broadcast %squeeze3A_96 : f32 to vector<16xf32>
      %min3A_1284 = arith.minimumf %get3A_1114, %min3A_1283 : vector<16xf32>
      %max3A_1285 = vector.broadcast %squeeze3A_32 : f32 to vector<16xf32>
      %max3A_1286 = arith.maximumf %get3A_1108, %max3A_1285 : vector<16xf32>
      %sub3A_1287 = arith.subf %min3A_1284, %max3A_1286 : vector<16xf32>
      %max3A_1288 = arith.constant 0.000000e+00 : f32
      %max3A_1289 = vector.broadcast %max3A_1288 : f32 to vector<16xf32>
      %max3A_1290 = arith.maximumf %sub3A_1287, %max3A_1289 : vector<16xf32>
      %min3A_1291 = vector.broadcast %squeeze3A_128 : f32 to vector<16xf32>
      %min3A_1292 = arith.minimumf %get3A_1117, %min3A_1291 : vector<16xf32>
      %max3A_1293 = vector.broadcast %squeeze3A_64 : f32 to vector<16xf32>
      %max3A_1294 = arith.maximumf %get3A_1111, %max3A_1293 : vector<16xf32>
      %sub3A_1295 = arith.subf %min3A_1292, %max3A_1294 : vector<16xf32>
      %max3A_1296 = arith.constant 0.000000e+00 : f32
      %max3A_1297 = vector.broadcast %max3A_1296 : f32 to vector<16xf32>
      %max3A_1298 = arith.maximumf %sub3A_1295, %max3A_1297 : vector<16xf32>
      %mul3A_1299 = arith.mulf %max3A_1290, %max3A_1298 : vector<16xf32>
      %sub3A_1300 = arith.subf %squeeze3A_96, %squeeze3A_32 : f32
      %sub3A_1301 = arith.subf %squeeze3A_128, %squeeze3A_64 : f32
      %mul3A_1302 = arith.mulf %sub3A_1300, %sub3A_1301 : f32
      %add3A_1303 = vector.broadcast %mul3A_1302 : f32 to vector<16xf32>
      %add3A_1304 = arith.addf %add3A_1303, %mul3A_1119 : vector<16xf32>
      %sub3A_1305 = arith.subf %add3A_1304, %mul3A_1299 : vector<16xf32>
      %div3A_1306 = arith.divf %mul3A_1299, %sub3A_1305 : vector<16xf32>
      %gt3A_1307 = arith.cmpf ogt, %div3A_1306, %select_n3A_1279 : vector<16xf32>
      %jit3A_1308 = arith.constant 5 : i32
      %broadcast_in_dim3A_1309 = vector.broadcast %jit3A_1308 : i32 to vector<16xi32>
      %select_n3A_1310 = arith.select %gt3A_1307, %broadcast_in_dim3A_1309, %select_n3A_1278 : vector<16xi1>, vector<16xi32>
      %select_n3A_1311 = arith.select %gt3A_1307, %div3A_1306, %select_n3A_1279 : vector<16xi1>, vector<16xf32>
      %gt3A_1312 = arith.cmpf ogt, %div3A_1306, %scan3A_1077 : vector<16xf32>
      %select_n3A_1313 = arith.select %gt3A_1312, %add3A_1125, %scan3A_1093 : vector<16xi1>, vector<16xi32>
      %select_n3A_1314 = arith.select %gt3A_1312, %div3A_1306, %scan3A_1077 : vector<16xi1>, vector<16xf32>
      %min3A_1315 = vector.broadcast %squeeze3A_98 : f32 to vector<16xf32>
      %min3A_1316 = arith.minimumf %get3A_1114, %min3A_1315 : vector<16xf32>
      %max3A_1317 = vector.broadcast %squeeze3A_34 : f32 to vector<16xf32>
      %max3A_1318 = arith.maximumf %get3A_1108, %max3A_1317 : vector<16xf32>
      %sub3A_1319 = arith.subf %min3A_1316, %max3A_1318 : vector<16xf32>
      %max3A_1320 = arith.constant 0.000000e+00 : f32
      %max3A_1321 = vector.broadcast %max3A_1320 : f32 to vector<16xf32>
      %max3A_1322 = arith.maximumf %sub3A_1319, %max3A_1321 : vector<16xf32>
      %min3A_1323 = vector.broadcast %squeeze3A_130 : f32 to vector<16xf32>
      %min3A_1324 = arith.minimumf %get3A_1117, %min3A_1323 : vector<16xf32>
      %max3A_1325 = vector.broadcast %squeeze3A_66 : f32 to vector<16xf32>
      %max3A_1326 = arith.maximumf %get3A_1111, %max3A_1325 : vector<16xf32>
      %sub3A_1327 = arith.subf %min3A_1324, %max3A_1326 : vector<16xf32>
      %max3A_1328 = arith.constant 0.000000e+00 : f32
      %max3A_1329 = vector.broadcast %max3A_1328 : f32 to vector<16xf32>
      %max3A_1330 = arith.maximumf %sub3A_1327, %max3A_1329 : vector<16xf32>
      %mul3A_1331 = arith.mulf %max3A_1322, %max3A_1330 : vector<16xf32>
      %sub3A_1332 = arith.subf %squeeze3A_98, %squeeze3A_34 : f32
      %sub3A_1333 = arith.subf %squeeze3A_130, %squeeze3A_66 : f32
      %mul3A_1334 = arith.mulf %sub3A_1332, %sub3A_1333 : f32
      %add3A_1335 = vector.broadcast %mul3A_1334 : f32 to vector<16xf32>
      %add3A_1336 = arith.addf %add3A_1335, %mul3A_1119 : vector<16xf32>
      %sub3A_1337 = arith.subf %add3A_1336, %mul3A_1331 : vector<16xf32>
      %div3A_1338 = arith.divf %mul3A_1331, %sub3A_1337 : vector<16xf32>
      %gt3A_1339 = arith.cmpf ogt, %div3A_1338, %select_n3A_1311 : vector<16xf32>
      %jit3A_1340 = arith.constant 6 : i32
      %broadcast_in_dim3A_1341 = vector.broadcast %jit3A_1340 : i32 to vector<16xi32>
      %select_n3A_1342 = arith.select %gt3A_1339, %broadcast_in_dim3A_1341, %select_n3A_1310 : vector<16xi1>, vector<16xi32>
      %select_n3A_1343 = arith.select %gt3A_1339, %div3A_1338, %select_n3A_1311 : vector<16xi1>, vector<16xf32>
      %gt3A_1344 = arith.cmpf ogt, %div3A_1338, %scan3A_1078 : vector<16xf32>
      %select_n3A_1345 = arith.select %gt3A_1344, %add3A_1125, %scan3A_1094 : vector<16xi1>, vector<16xi32>
      %select_n3A_1346 = arith.select %gt3A_1344, %div3A_1338, %scan3A_1078 : vector<16xi1>, vector<16xf32>
      %min3A_1347 = vector.broadcast %squeeze3A_100 : f32 to vector<16xf32>
      %min3A_1348 = arith.minimumf %get3A_1114, %min3A_1347 : vector<16xf32>
      %max3A_1349 = vector.broadcast %squeeze3A_36 : f32 to vector<16xf32>
      %max3A_1350 = arith.maximumf %get3A_1108, %max3A_1349 : vector<16xf32>
      %sub3A_1351 = arith.subf %min3A_1348, %max3A_1350 : vector<16xf32>
      %max3A_1352 = arith.constant 0.000000e+00 : f32
      %max3A_1353 = vector.broadcast %max3A_1352 : f32 to vector<16xf32>
      %max3A_1354 = arith.maximumf %sub3A_1351, %max3A_1353 : vector<16xf32>
      %min3A_1355 = vector.broadcast %squeeze3A_132 : f32 to vector<16xf32>
      %min3A_1356 = arith.minimumf %get3A_1117, %min3A_1355 : vector<16xf32>
      %max3A_1357 = vector.broadcast %squeeze3A_68 : f32 to vector<16xf32>
      %max3A_1358 = arith.maximumf %get3A_1111, %max3A_1357 : vector<16xf32>
      %sub3A_1359 = arith.subf %min3A_1356, %max3A_1358 : vector<16xf32>
      %max3A_1360 = arith.constant 0.000000e+00 : f32
      %max3A_1361 = vector.broadcast %max3A_1360 : f32 to vector<16xf32>
      %max3A_1362 = arith.maximumf %sub3A_1359, %max3A_1361 : vector<16xf32>
      %mul3A_1363 = arith.mulf %max3A_1354, %max3A_1362 : vector<16xf32>
      %sub3A_1364 = arith.subf %squeeze3A_100, %squeeze3A_36 : f32
      %sub3A_1365 = arith.subf %squeeze3A_132, %squeeze3A_68 : f32
      %mul3A_1366 = arith.mulf %sub3A_1364, %sub3A_1365 : f32
      %add3A_1367 = vector.broadcast %mul3A_1366 : f32 to vector<16xf32>
      %add3A_1368 = arith.addf %add3A_1367, %mul3A_1119 : vector<16xf32>
      %sub3A_1369 = arith.subf %add3A_1368, %mul3A_1363 : vector<16xf32>
      %div3A_1370 = arith.divf %mul3A_1363, %sub3A_1369 : vector<16xf32>
      %gt3A_1371 = arith.cmpf ogt, %div3A_1370, %select_n3A_1343 : vector<16xf32>
      %jit3A_1372 = arith.constant 7 : i32
      %broadcast_in_dim3A_1373 = vector.broadcast %jit3A_1372 : i32 to vector<16xi32>
      %select_n3A_1374 = arith.select %gt3A_1371, %broadcast_in_dim3A_1373, %select_n3A_1342 : vector<16xi1>, vector<16xi32>
      %select_n3A_1375 = arith.select %gt3A_1371, %div3A_1370, %select_n3A_1343 : vector<16xi1>, vector<16xf32>
      %gt3A_1376 = arith.cmpf ogt, %div3A_1370, %scan3A_1079 : vector<16xf32>
      %select_n3A_1377 = arith.select %gt3A_1376, %add3A_1125, %scan3A_1095 : vector<16xi1>, vector<16xi32>
      %select_n3A_1378 = arith.select %gt3A_1376, %div3A_1370, %scan3A_1079 : vector<16xi1>, vector<16xf32>
      %min3A_1379 = vector.broadcast %squeeze3A_102 : f32 to vector<16xf32>
      %min3A_1380 = arith.minimumf %get3A_1114, %min3A_1379 : vector<16xf32>
      %max3A_1381 = vector.broadcast %squeeze3A_38 : f32 to vector<16xf32>
      %max3A_1382 = arith.maximumf %get3A_1108, %max3A_1381 : vector<16xf32>
      %sub3A_1383 = arith.subf %min3A_1380, %max3A_1382 : vector<16xf32>
      %max3A_1384 = arith.constant 0.000000e+00 : f32
      %max3A_1385 = vector.broadcast %max3A_1384 : f32 to vector<16xf32>
      %max3A_1386 = arith.maximumf %sub3A_1383, %max3A_1385 : vector<16xf32>
      %min3A_1387 = vector.broadcast %squeeze3A_134 : f32 to vector<16xf32>
      %min3A_1388 = arith.minimumf %get3A_1117, %min3A_1387 : vector<16xf32>
      %max3A_1389 = vector.broadcast %squeeze3A_70 : f32 to vector<16xf32>
      %max3A_1390 = arith.maximumf %get3A_1111, %max3A_1389 : vector<16xf32>
      %sub3A_1391 = arith.subf %min3A_1388, %max3A_1390 : vector<16xf32>
      %max3A_1392 = arith.constant 0.000000e+00 : f32
      %max3A_1393 = vector.broadcast %max3A_1392 : f32 to vector<16xf32>
      %max3A_1394 = arith.maximumf %sub3A_1391, %max3A_1393 : vector<16xf32>
      %mul3A_1395 = arith.mulf %max3A_1386, %max3A_1394 : vector<16xf32>
      %sub3A_1396 = arith.subf %squeeze3A_102, %squeeze3A_38 : f32
      %sub3A_1397 = arith.subf %squeeze3A_134, %squeeze3A_70 : f32
      %mul3A_1398 = arith.mulf %sub3A_1396, %sub3A_1397 : f32
      %add3A_1399 = vector.broadcast %mul3A_1398 : f32 to vector<16xf32>
      %add3A_1400 = arith.addf %add3A_1399, %mul3A_1119 : vector<16xf32>
      %sub3A_1401 = arith.subf %add3A_1400, %mul3A_1395 : vector<16xf32>
      %div3A_1402 = arith.divf %mul3A_1395, %sub3A_1401 : vector<16xf32>
      %gt3A_1403 = arith.cmpf ogt, %div3A_1402, %select_n3A_1375 : vector<16xf32>
      %jit3A_1404 = arith.constant 8 : i32
      %broadcast_in_dim3A_1405 = vector.broadcast %jit3A_1404 : i32 to vector<16xi32>
      %select_n3A_1406 = arith.select %gt3A_1403, %broadcast_in_dim3A_1405, %select_n3A_1374 : vector<16xi1>, vector<16xi32>
      %select_n3A_1407 = arith.select %gt3A_1403, %div3A_1402, %select_n3A_1375 : vector<16xi1>, vector<16xf32>
      %gt3A_1408 = arith.cmpf ogt, %div3A_1402, %scan3A_1080 : vector<16xf32>
      %select_n3A_1409 = arith.select %gt3A_1408, %add3A_1125, %scan3A_1096 : vector<16xi1>, vector<16xi32>
      %select_n3A_1410 = arith.select %gt3A_1408, %div3A_1402, %scan3A_1080 : vector<16xi1>, vector<16xf32>
      %min3A_1411 = vector.broadcast %squeeze3A_104 : f32 to vector<16xf32>
      %min3A_1412 = arith.minimumf %get3A_1114, %min3A_1411 : vector<16xf32>
      %max3A_1413 = vector.broadcast %squeeze3A_40 : f32 to vector<16xf32>
      %max3A_1414 = arith.maximumf %get3A_1108, %max3A_1413 : vector<16xf32>
      %sub3A_1415 = arith.subf %min3A_1412, %max3A_1414 : vector<16xf32>
      %max3A_1416 = arith.constant 0.000000e+00 : f32
      %max3A_1417 = vector.broadcast %max3A_1416 : f32 to vector<16xf32>
      %max3A_1418 = arith.maximumf %sub3A_1415, %max3A_1417 : vector<16xf32>
      %min3A_1419 = vector.broadcast %squeeze3A_136 : f32 to vector<16xf32>
      %min3A_1420 = arith.minimumf %get3A_1117, %min3A_1419 : vector<16xf32>
      %max3A_1421 = vector.broadcast %squeeze3A_72 : f32 to vector<16xf32>
      %max3A_1422 = arith.maximumf %get3A_1111, %max3A_1421 : vector<16xf32>
      %sub3A_1423 = arith.subf %min3A_1420, %max3A_1422 : vector<16xf32>
      %max3A_1424 = arith.constant 0.000000e+00 : f32
      %max3A_1425 = vector.broadcast %max3A_1424 : f32 to vector<16xf32>
      %max3A_1426 = arith.maximumf %sub3A_1423, %max3A_1425 : vector<16xf32>
      %mul3A_1427 = arith.mulf %max3A_1418, %max3A_1426 : vector<16xf32>
      %sub3A_1428 = arith.subf %squeeze3A_104, %squeeze3A_40 : f32
      %sub3A_1429 = arith.subf %squeeze3A_136, %squeeze3A_72 : f32
      %mul3A_1430 = arith.mulf %sub3A_1428, %sub3A_1429 : f32
      %add3A_1431 = vector.broadcast %mul3A_1430 : f32 to vector<16xf32>
      %add3A_1432 = arith.addf %add3A_1431, %mul3A_1119 : vector<16xf32>
      %sub3A_1433 = arith.subf %add3A_1432, %mul3A_1427 : vector<16xf32>
      %div3A_1434 = arith.divf %mul3A_1427, %sub3A_1433 : vector<16xf32>
      %gt3A_1435 = arith.cmpf ogt, %div3A_1434, %select_n3A_1407 : vector<16xf32>
      %jit3A_1436 = arith.constant 9 : i32
      %broadcast_in_dim3A_1437 = vector.broadcast %jit3A_1436 : i32 to vector<16xi32>
      %select_n3A_1438 = arith.select %gt3A_1435, %broadcast_in_dim3A_1437, %select_n3A_1406 : vector<16xi1>, vector<16xi32>
      %select_n3A_1439 = arith.select %gt3A_1435, %div3A_1434, %select_n3A_1407 : vector<16xi1>, vector<16xf32>
      %gt3A_1440 = arith.cmpf ogt, %div3A_1434, %scan3A_1081 : vector<16xf32>
      %select_n3A_1441 = arith.select %gt3A_1440, %add3A_1125, %scan3A_1097 : vector<16xi1>, vector<16xi32>
      %select_n3A_1442 = arith.select %gt3A_1440, %div3A_1434, %scan3A_1081 : vector<16xi1>, vector<16xf32>
      %min3A_1443 = vector.broadcast %squeeze3A_106 : f32 to vector<16xf32>
      %min3A_1444 = arith.minimumf %get3A_1114, %min3A_1443 : vector<16xf32>
      %max3A_1445 = vector.broadcast %squeeze3A_42 : f32 to vector<16xf32>
      %max3A_1446 = arith.maximumf %get3A_1108, %max3A_1445 : vector<16xf32>
      %sub3A_1447 = arith.subf %min3A_1444, %max3A_1446 : vector<16xf32>
      %max3A_1448 = arith.constant 0.000000e+00 : f32
      %max3A_1449 = vector.broadcast %max3A_1448 : f32 to vector<16xf32>
      %max3A_1450 = arith.maximumf %sub3A_1447, %max3A_1449 : vector<16xf32>
      %min3A_1451 = vector.broadcast %squeeze3A_138 : f32 to vector<16xf32>
      %min3A_1452 = arith.minimumf %get3A_1117, %min3A_1451 : vector<16xf32>
      %max3A_1453 = vector.broadcast %squeeze3A_74 : f32 to vector<16xf32>
      %max3A_1454 = arith.maximumf %get3A_1111, %max3A_1453 : vector<16xf32>
      %sub3A_1455 = arith.subf %min3A_1452, %max3A_1454 : vector<16xf32>
      %max3A_1456 = arith.constant 0.000000e+00 : f32
      %max3A_1457 = vector.broadcast %max3A_1456 : f32 to vector<16xf32>
      %max3A_1458 = arith.maximumf %sub3A_1455, %max3A_1457 : vector<16xf32>
      %mul3A_1459 = arith.mulf %max3A_1450, %max3A_1458 : vector<16xf32>
      %sub3A_1460 = arith.subf %squeeze3A_106, %squeeze3A_42 : f32
      %sub3A_1461 = arith.subf %squeeze3A_138, %squeeze3A_74 : f32
      %mul3A_1462 = arith.mulf %sub3A_1460, %sub3A_1461 : f32
      %add3A_1463 = vector.broadcast %mul3A_1462 : f32 to vector<16xf32>
      %add3A_1464 = arith.addf %add3A_1463, %mul3A_1119 : vector<16xf32>
      %sub3A_1465 = arith.subf %add3A_1464, %mul3A_1459 : vector<16xf32>
      %div3A_1466 = arith.divf %mul3A_1459, %sub3A_1465 : vector<16xf32>
      %gt3A_1467 = arith.cmpf ogt, %div3A_1466, %select_n3A_1439 : vector<16xf32>
      %jit3A_1468 = arith.constant 10 : i32
      %broadcast_in_dim3A_1469 = vector.broadcast %jit3A_1468 : i32 to vector<16xi32>
      %select_n3A_1470 = arith.select %gt3A_1467, %broadcast_in_dim3A_1469, %select_n3A_1438 : vector<16xi1>, vector<16xi32>
      %select_n3A_1471 = arith.select %gt3A_1467, %div3A_1466, %select_n3A_1439 : vector<16xi1>, vector<16xf32>
      %gt3A_1472 = arith.cmpf ogt, %div3A_1466, %scan3A_1082 : vector<16xf32>
      %select_n3A_1473 = arith.select %gt3A_1472, %add3A_1125, %scan3A_1098 : vector<16xi1>, vector<16xi32>
      %select_n3A_1474 = arith.select %gt3A_1472, %div3A_1466, %scan3A_1082 : vector<16xi1>, vector<16xf32>
      %min3A_1475 = vector.broadcast %squeeze3A_108 : f32 to vector<16xf32>
      %min3A_1476 = arith.minimumf %get3A_1114, %min3A_1475 : vector<16xf32>
      %max3A_1477 = vector.broadcast %squeeze3A_44 : f32 to vector<16xf32>
      %max3A_1478 = arith.maximumf %get3A_1108, %max3A_1477 : vector<16xf32>
      %sub3A_1479 = arith.subf %min3A_1476, %max3A_1478 : vector<16xf32>
      %max3A_1480 = arith.constant 0.000000e+00 : f32
      %max3A_1481 = vector.broadcast %max3A_1480 : f32 to vector<16xf32>
      %max3A_1482 = arith.maximumf %sub3A_1479, %max3A_1481 : vector<16xf32>
      %min3A_1483 = vector.broadcast %squeeze3A_140 : f32 to vector<16xf32>
      %min3A_1484 = arith.minimumf %get3A_1117, %min3A_1483 : vector<16xf32>
      %max3A_1485 = vector.broadcast %squeeze3A_76 : f32 to vector<16xf32>
      %max3A_1486 = arith.maximumf %get3A_1111, %max3A_1485 : vector<16xf32>
      %sub3A_1487 = arith.subf %min3A_1484, %max3A_1486 : vector<16xf32>
      %max3A_1488 = arith.constant 0.000000e+00 : f32
      %max3A_1489 = vector.broadcast %max3A_1488 : f32 to vector<16xf32>
      %max3A_1490 = arith.maximumf %sub3A_1487, %max3A_1489 : vector<16xf32>
      %mul3A_1491 = arith.mulf %max3A_1482, %max3A_1490 : vector<16xf32>
      %sub3A_1492 = arith.subf %squeeze3A_108, %squeeze3A_44 : f32
      %sub3A_1493 = arith.subf %squeeze3A_140, %squeeze3A_76 : f32
      %mul3A_1494 = arith.mulf %sub3A_1492, %sub3A_1493 : f32
      %add3A_1495 = vector.broadcast %mul3A_1494 : f32 to vector<16xf32>
      %add3A_1496 = arith.addf %add3A_1495, %mul3A_1119 : vector<16xf32>
      %sub3A_1497 = arith.subf %add3A_1496, %mul3A_1491 : vector<16xf32>
      %div3A_1498 = arith.divf %mul3A_1491, %sub3A_1497 : vector<16xf32>
      %gt3A_1499 = arith.cmpf ogt, %div3A_1498, %select_n3A_1471 : vector<16xf32>
      %jit3A_1500 = arith.constant 11 : i32
      %broadcast_in_dim3A_1501 = vector.broadcast %jit3A_1500 : i32 to vector<16xi32>
      %select_n3A_1502 = arith.select %gt3A_1499, %broadcast_in_dim3A_1501, %select_n3A_1470 : vector<16xi1>, vector<16xi32>
      %select_n3A_1503 = arith.select %gt3A_1499, %div3A_1498, %select_n3A_1471 : vector<16xi1>, vector<16xf32>
      %gt3A_1504 = arith.cmpf ogt, %div3A_1498, %scan3A_1083 : vector<16xf32>
      %select_n3A_1505 = arith.select %gt3A_1504, %add3A_1125, %scan3A_1099 : vector<16xi1>, vector<16xi32>
      %select_n3A_1506 = arith.select %gt3A_1504, %div3A_1498, %scan3A_1083 : vector<16xi1>, vector<16xf32>
      %min3A_1507 = vector.broadcast %squeeze3A_110 : f32 to vector<16xf32>
      %min3A_1508 = arith.minimumf %get3A_1114, %min3A_1507 : vector<16xf32>
      %max3A_1509 = vector.broadcast %squeeze3A_46 : f32 to vector<16xf32>
      %max3A_1510 = arith.maximumf %get3A_1108, %max3A_1509 : vector<16xf32>
      %sub3A_1511 = arith.subf %min3A_1508, %max3A_1510 : vector<16xf32>
      %max3A_1512 = arith.constant 0.000000e+00 : f32
      %max3A_1513 = vector.broadcast %max3A_1512 : f32 to vector<16xf32>
      %max3A_1514 = arith.maximumf %sub3A_1511, %max3A_1513 : vector<16xf32>
      %min3A_1515 = vector.broadcast %squeeze3A_142 : f32 to vector<16xf32>
      %min3A_1516 = arith.minimumf %get3A_1117, %min3A_1515 : vector<16xf32>
      %max3A_1517 = vector.broadcast %squeeze3A_78 : f32 to vector<16xf32>
      %max3A_1518 = arith.maximumf %get3A_1111, %max3A_1517 : vector<16xf32>
      %sub3A_1519 = arith.subf %min3A_1516, %max3A_1518 : vector<16xf32>
      %max3A_1520 = arith.constant 0.000000e+00 : f32
      %max3A_1521 = vector.broadcast %max3A_1520 : f32 to vector<16xf32>
      %max3A_1522 = arith.maximumf %sub3A_1519, %max3A_1521 : vector<16xf32>
      %mul3A_1523 = arith.mulf %max3A_1514, %max3A_1522 : vector<16xf32>
      %sub3A_1524 = arith.subf %squeeze3A_110, %squeeze3A_46 : f32
      %sub3A_1525 = arith.subf %squeeze3A_142, %squeeze3A_78 : f32
      %mul3A_1526 = arith.mulf %sub3A_1524, %sub3A_1525 : f32
      %add3A_1527 = vector.broadcast %mul3A_1526 : f32 to vector<16xf32>
      %add3A_1528 = arith.addf %add3A_1527, %mul3A_1119 : vector<16xf32>
      %sub3A_1529 = arith.subf %add3A_1528, %mul3A_1523 : vector<16xf32>
      %div3A_1530 = arith.divf %mul3A_1523, %sub3A_1529 : vector<16xf32>
      %gt3A_1531 = arith.cmpf ogt, %div3A_1530, %select_n3A_1503 : vector<16xf32>
      %jit3A_1532 = arith.constant 12 : i32
      %broadcast_in_dim3A_1533 = vector.broadcast %jit3A_1532 : i32 to vector<16xi32>
      %select_n3A_1534 = arith.select %gt3A_1531, %broadcast_in_dim3A_1533, %select_n3A_1502 : vector<16xi1>, vector<16xi32>
      %select_n3A_1535 = arith.select %gt3A_1531, %div3A_1530, %select_n3A_1503 : vector<16xi1>, vector<16xf32>
      %gt3A_1536 = arith.cmpf ogt, %div3A_1530, %scan3A_1084 : vector<16xf32>
      %select_n3A_1537 = arith.select %gt3A_1536, %add3A_1125, %scan3A_1100 : vector<16xi1>, vector<16xi32>
      %select_n3A_1538 = arith.select %gt3A_1536, %div3A_1530, %scan3A_1084 : vector<16xi1>, vector<16xf32>
      %min3A_1539 = vector.broadcast %squeeze3A_112 : f32 to vector<16xf32>
      %min3A_1540 = arith.minimumf %get3A_1114, %min3A_1539 : vector<16xf32>
      %max3A_1541 = vector.broadcast %squeeze3A_48 : f32 to vector<16xf32>
      %max3A_1542 = arith.maximumf %get3A_1108, %max3A_1541 : vector<16xf32>
      %sub3A_1543 = arith.subf %min3A_1540, %max3A_1542 : vector<16xf32>
      %max3A_1544 = arith.constant 0.000000e+00 : f32
      %max3A_1545 = vector.broadcast %max3A_1544 : f32 to vector<16xf32>
      %max3A_1546 = arith.maximumf %sub3A_1543, %max3A_1545 : vector<16xf32>
      %min3A_1547 = vector.broadcast %squeeze3A_144 : f32 to vector<16xf32>
      %min3A_1548 = arith.minimumf %get3A_1117, %min3A_1547 : vector<16xf32>
      %max3A_1549 = vector.broadcast %squeeze3A_80 : f32 to vector<16xf32>
      %max3A_1550 = arith.maximumf %get3A_1111, %max3A_1549 : vector<16xf32>
      %sub3A_1551 = arith.subf %min3A_1548, %max3A_1550 : vector<16xf32>
      %max3A_1552 = arith.constant 0.000000e+00 : f32
      %max3A_1553 = vector.broadcast %max3A_1552 : f32 to vector<16xf32>
      %max3A_1554 = arith.maximumf %sub3A_1551, %max3A_1553 : vector<16xf32>
      %mul3A_1555 = arith.mulf %max3A_1546, %max3A_1554 : vector<16xf32>
      %sub3A_1556 = arith.subf %squeeze3A_112, %squeeze3A_48 : f32
      %sub3A_1557 = arith.subf %squeeze3A_144, %squeeze3A_80 : f32
      %mul3A_1558 = arith.mulf %sub3A_1556, %sub3A_1557 : f32
      %add3A_1559 = vector.broadcast %mul3A_1558 : f32 to vector<16xf32>
      %add3A_1560 = arith.addf %add3A_1559, %mul3A_1119 : vector<16xf32>
      %sub3A_1561 = arith.subf %add3A_1560, %mul3A_1555 : vector<16xf32>
      %div3A_1562 = arith.divf %mul3A_1555, %sub3A_1561 : vector<16xf32>
      %gt3A_1563 = arith.cmpf ogt, %div3A_1562, %select_n3A_1535 : vector<16xf32>
      %jit3A_1564 = arith.constant 13 : i32
      %broadcast_in_dim3A_1565 = vector.broadcast %jit3A_1564 : i32 to vector<16xi32>
      %select_n3A_1566 = arith.select %gt3A_1563, %broadcast_in_dim3A_1565, %select_n3A_1534 : vector<16xi1>, vector<16xi32>
      %select_n3A_1567 = arith.select %gt3A_1563, %div3A_1562, %select_n3A_1535 : vector<16xi1>, vector<16xf32>
      %gt3A_1568 = arith.cmpf ogt, %div3A_1562, %scan3A_1085 : vector<16xf32>
      %select_n3A_1569 = arith.select %gt3A_1568, %add3A_1125, %scan3A_1101 : vector<16xi1>, vector<16xi32>
      %select_n3A_1570 = arith.select %gt3A_1568, %div3A_1562, %scan3A_1085 : vector<16xi1>, vector<16xf32>
      %min3A_1571 = vector.broadcast %squeeze3A_114 : f32 to vector<16xf32>
      %min3A_1572 = arith.minimumf %get3A_1114, %min3A_1571 : vector<16xf32>
      %max3A_1573 = vector.broadcast %squeeze3A_50 : f32 to vector<16xf32>
      %max3A_1574 = arith.maximumf %get3A_1108, %max3A_1573 : vector<16xf32>
      %sub3A_1575 = arith.subf %min3A_1572, %max3A_1574 : vector<16xf32>
      %max3A_1576 = arith.constant 0.000000e+00 : f32
      %max3A_1577 = vector.broadcast %max3A_1576 : f32 to vector<16xf32>
      %max3A_1578 = arith.maximumf %sub3A_1575, %max3A_1577 : vector<16xf32>
      %min3A_1579 = vector.broadcast %squeeze3A_146 : f32 to vector<16xf32>
      %min3A_1580 = arith.minimumf %get3A_1117, %min3A_1579 : vector<16xf32>
      %max3A_1581 = vector.broadcast %squeeze3A_82 : f32 to vector<16xf32>
      %max3A_1582 = arith.maximumf %get3A_1111, %max3A_1581 : vector<16xf32>
      %sub3A_1583 = arith.subf %min3A_1580, %max3A_1582 : vector<16xf32>
      %max3A_1584 = arith.constant 0.000000e+00 : f32
      %max3A_1585 = vector.broadcast %max3A_1584 : f32 to vector<16xf32>
      %max3A_1586 = arith.maximumf %sub3A_1583, %max3A_1585 : vector<16xf32>
      %mul3A_1587 = arith.mulf %max3A_1578, %max3A_1586 : vector<16xf32>
      %sub3A_1588 = arith.subf %squeeze3A_114, %squeeze3A_50 : f32
      %sub3A_1589 = arith.subf %squeeze3A_146, %squeeze3A_82 : f32
      %mul3A_1590 = arith.mulf %sub3A_1588, %sub3A_1589 : f32
      %add3A_1591 = vector.broadcast %mul3A_1590 : f32 to vector<16xf32>
      %add3A_1592 = arith.addf %add3A_1591, %mul3A_1119 : vector<16xf32>
      %sub3A_1593 = arith.subf %add3A_1592, %mul3A_1587 : vector<16xf32>
      %div3A_1594 = arith.divf %mul3A_1587, %sub3A_1593 : vector<16xf32>
      %gt3A_1595 = arith.cmpf ogt, %div3A_1594, %select_n3A_1567 : vector<16xf32>
      %jit3A_1596 = arith.constant 14 : i32
      %broadcast_in_dim3A_1597 = vector.broadcast %jit3A_1596 : i32 to vector<16xi32>
      %select_n3A_1598 = arith.select %gt3A_1595, %broadcast_in_dim3A_1597, %select_n3A_1566 : vector<16xi1>, vector<16xi32>
      %select_n3A_1599 = arith.select %gt3A_1595, %div3A_1594, %select_n3A_1567 : vector<16xi1>, vector<16xf32>
      %gt3A_1600 = arith.cmpf ogt, %div3A_1594, %scan3A_1086 : vector<16xf32>
      %select_n3A_1601 = arith.select %gt3A_1600, %add3A_1125, %scan3A_1102 : vector<16xi1>, vector<16xi32>
      %select_n3A_1602 = arith.select %gt3A_1600, %div3A_1594, %scan3A_1086 : vector<16xi1>, vector<16xf32>
      %min3A_1603 = vector.broadcast %squeeze3A_116 : f32 to vector<16xf32>
      %min3A_1604 = arith.minimumf %get3A_1114, %min3A_1603 : vector<16xf32>
      %max3A_1605 = vector.broadcast %squeeze3A_52 : f32 to vector<16xf32>
      %max3A_1606 = arith.maximumf %get3A_1108, %max3A_1605 : vector<16xf32>
      %sub3A_1607 = arith.subf %min3A_1604, %max3A_1606 : vector<16xf32>
      %max3A_1608 = arith.constant 0.000000e+00 : f32
      %max3A_1609 = vector.broadcast %max3A_1608 : f32 to vector<16xf32>
      %max3A_1610 = arith.maximumf %sub3A_1607, %max3A_1609 : vector<16xf32>
      %min3A_1611 = vector.broadcast %squeeze3A_148 : f32 to vector<16xf32>
      %min3A_1612 = arith.minimumf %get3A_1117, %min3A_1611 : vector<16xf32>
      %max3A_1613 = vector.broadcast %squeeze3A_84 : f32 to vector<16xf32>
      %max3A_1614 = arith.maximumf %get3A_1111, %max3A_1613 : vector<16xf32>
      %sub3A_1615 = arith.subf %min3A_1612, %max3A_1614 : vector<16xf32>
      %max3A_1616 = arith.constant 0.000000e+00 : f32
      %max3A_1617 = vector.broadcast %max3A_1616 : f32 to vector<16xf32>
      %max3A_1618 = arith.maximumf %sub3A_1615, %max3A_1617 : vector<16xf32>
      %mul3A_1619 = arith.mulf %max3A_1610, %max3A_1618 : vector<16xf32>
      %sub3A_1620 = arith.subf %squeeze3A_116, %squeeze3A_52 : f32
      %sub3A_1621 = arith.subf %squeeze3A_148, %squeeze3A_84 : f32
      %mul3A_1622 = arith.mulf %sub3A_1620, %sub3A_1621 : f32
      %add3A_1623 = vector.broadcast %mul3A_1622 : f32 to vector<16xf32>
      %add3A_1624 = arith.addf %add3A_1623, %mul3A_1119 : vector<16xf32>
      %sub3A_1625 = arith.subf %add3A_1624, %mul3A_1619 : vector<16xf32>
      %div3A_1626 = arith.divf %mul3A_1619, %sub3A_1625 : vector<16xf32>
      %gt3A_1627 = arith.cmpf ogt, %div3A_1626, %select_n3A_1599 : vector<16xf32>
      %jit3A_1628 = arith.constant 15 : i32
      %broadcast_in_dim3A_1629 = vector.broadcast %jit3A_1628 : i32 to vector<16xi32>
      %select_n3A_1630 = arith.select %gt3A_1627, %broadcast_in_dim3A_1629, %select_n3A_1598 : vector<16xi1>, vector<16xi32>
      %select_n3A_1631 = arith.select %gt3A_1627, %div3A_1626, %select_n3A_1599 : vector<16xi1>, vector<16xf32>
      %gt3A_1632 = arith.cmpf ogt, %div3A_1626, %scan3A_1087 : vector<16xf32>
      %select_n3A_1633 = arith.select %gt3A_1632, %add3A_1125, %scan3A_1103 : vector<16xi1>, vector<16xi32>
      %select_n3A_1634 = arith.select %gt3A_1632, %div3A_1626, %scan3A_1087 : vector<16xi1>, vector<16xf32>
      %swap3A = arith.index_cast %mul3A_1105 : i32 to index
      %swap3A_1635 = tpu.vector_load %arg10[%swap3A] {strides = array<i32>} : memref<8736xf32, #tpu.memory_space<vmem>>, vector<16xf32>,
      %swap3A_1636 = vector.shape_cast %swap3A_1635 : vector<16xf32> to vector<16xf32>
      %swap3A_1637 = vector.shape_cast %select_n3A_1631 : vector<16xf32> to vector<16xf32>
      tpu.vector_store %arg10[%swap3A], %swap3A_1637 {strides = array<i32>} : memref<8736xf32, #tpu.memory_space<vmem>>, vector<16xf32>,
      %swap3A_1638 = arith.index_cast %mul3A_1105 : i32 to index
      %swap3A_1639 = tpu.vector_load %arg11[%swap3A_1638] {strides = array<i32>} : memref<8736xi32, #tpu.memory_space<vmem>>, vector<16xi32>,
      %swap3A_1640 = vector.shape_cast %swap3A_1639 : vector<16xi32> to vector<16xi32>
      %swap3A_1641 = vector.shape_cast %select_n3A_1630 : vector<16xi32> to vector<16xi32>
      tpu.vector_store %arg11[%swap3A_1638], %swap3A_1641 {strides = array<i32>} : memref<8736xi32, #tpu.memory_space<vmem>>, vector<16xi32>,
      scf.yield %select_n3A_1154, %select_n3A_1186, %select_n3A_1218, %select_n3A_1250, %select_n3A_1282, %select_n3A_1314, %select_n3A_1346, %select_n3A_1378, %select_n3A_1410, %select_n3A_1442, %select_n3A_1474, %select_n3A_1506, %select_n3A_1538, %select_n3A_1570, %select_n3A_1602, %select_n3A_1634, %select_n3A_1153, %select_n3A_1185, %select_n3A_1217, %select_n3A_1249, %select_n3A_1281, %select_n3A_1313, %select_n3A_1345, %select_n3A_1377, %select_n3A_1409, %select_n3A_1441, %select_n3A_1473, %select_n3A_1505, %select_n3A_1537, %select_n3A_1569, %select_n3A_1601, %select_n3A_1633 : vector<16xf32>, vector<16xf32>, vector<16xf32>, vector<16xf32>, vector<16xf32>, vector<16xf32>, vector<16xf32>, vector<16xf32>, vector<16xf32>, vector<16xf32>, vector<16xf32>, vector<16xf32>, vector<16xf32>, vector<16xf32>, vector<16xf32>, vector<16xf32>, vector<16xi32>, vector<16xi32>, vector<16xi32>, vector<16xi32>, vector<16xi32>, vector<16xi32>, vector<16xi32>, vector<16xi32>, vector<16xi32>, vector<16xi32>, vector<16xi32>, vector<16xi32>, vector<16xi32>, vector<16xi32>, vector<16xi32>, vector<16xi32>
    }
    %scan3A_216 = arith.constant 546 : i32
    %add3A_217 = arith.constant 8 : i32
    %add3A_218 = vector.broadcast %add3A_217 : i32 to vector<16xi32>
    %add3A_219 = arith.addi %iota3A, %add3A_218 : vector<16xi32>
    %and3A = arith.constant 15 : i32
    %and3A_220 = vector.broadcast %and3A : i32 to vector<16xi32>
    %and3A_221 = arith.andi %add3A_219, %and3A_220 : vector<16xi32>
    %broadcast_in_dim3A_222 = vector.shape_cast %and3A_221 : vector<16xi32> to vector<16x1xi32>
    %gather3A = vector.shape_cast %broadcast_in_dim3A_222 : vector<16x1xi32> to vector<16xi32>
    %gather3A_223 = tpu.dynamic_gather %scan3A_215#0[%gather3A] in [0] : vector<16xf32>, vector<16xi32> -> vector<16xf32>
    %broadcast_in_dim3A_224 = vector.shape_cast %and3A_221 : vector<16xi32> to vector<16x1xi32>
    %gather3A_225 = vector.shape_cast %broadcast_in_dim3A_224 : vector<16x1xi32> to vector<16xi32>
    %gather3A_226 = tpu.dynamic_gather %scan3A_215#16[%gather3A_225] in [0] : vector<16xi32>, vector<16xi32> -> vector<16xi32>
    %gt3A = arith.cmpf ogt, %gather3A_223, %scan3A_215#0 : vector<16xf32>
    %eq3A = arith.cmpf oeq, %gather3A_223, %scan3A_215#0 : vector<16xf32>
    %lt3A = arith.cmpi slt, %gather3A_226, %scan3A_215#16 : vector<16xi32>
    %and3A_227 = arith.andi %eq3A, %lt3A : vector<16xi1>
    %or3A = arith.ori %gt3A, %and3A_227 : vector<16xi1>
    %select_n3A = arith.select %or3A, %gather3A_226, %scan3A_215#16 : vector<16xi1>, vector<16xi32>
    %max3A = arith.maximumf %scan3A_215#0, %gather3A_223 : vector<16xf32>
    %broadcast_in_dim3A_228 = vector.shape_cast %and3A_221 : vector<16xi32> to vector<16x1xi32>
    %gather3A_229 = vector.shape_cast %broadcast_in_dim3A_228 : vector<16x1xi32> to vector<16xi32>
    %gather3A_230 = tpu.dynamic_gather %scan3A_215#1[%gather3A_229] in [0] : vector<16xf32>, vector<16xi32> -> vector<16xf32>
    %broadcast_in_dim3A_231 = vector.shape_cast %and3A_221 : vector<16xi32> to vector<16x1xi32>
    %gather3A_232 = vector.shape_cast %broadcast_in_dim3A_231 : vector<16x1xi32> to vector<16xi32>
    %gather3A_233 = tpu.dynamic_gather %scan3A_215#17[%gather3A_232] in [0] : vector<16xi32>, vector<16xi32> -> vector<16xi32>
    %gt3A_234 = arith.cmpf ogt, %gather3A_230, %scan3A_215#1 : vector<16xf32>
    %eq3A_235 = arith.cmpf oeq, %gather3A_230, %scan3A_215#1 : vector<16xf32>
    %lt3A_236 = arith.cmpi slt, %gather3A_233, %scan3A_215#17 : vector<16xi32>
    %and3A_237 = arith.andi %eq3A_235, %lt3A_236 : vector<16xi1>
    %or3A_238 = arith.ori %gt3A_234, %and3A_237 : vector<16xi1>
    %select_n3A_239 = arith.select %or3A_238, %gather3A_233, %scan3A_215#17 : vector<16xi1>, vector<16xi32>
    %max3A_240 = arith.maximumf %scan3A_215#1, %gather3A_230 : vector<16xf32>
    %broadcast_in_dim3A_241 = vector.shape_cast %and3A_221 : vector<16xi32> to vector<16x1xi32>
    %gather3A_242 = vector.shape_cast %broadcast_in_dim3A_241 : vector<16x1xi32> to vector<16xi32>
    %gather3A_243 = tpu.dynamic_gather %scan3A_215#2[%gather3A_242] in [0] : vector<16xf32>, vector<16xi32> -> vector<16xf32>
    %broadcast_in_dim3A_244 = vector.shape_cast %and3A_221 : vector<16xi32> to vector<16x1xi32>
    %gather3A_245 = vector.shape_cast %broadcast_in_dim3A_244 : vector<16x1xi32> to vector<16xi32>
    %gather3A_246 = tpu.dynamic_gather %scan3A_215#18[%gather3A_245] in [0] : vector<16xi32>, vector<16xi32> -> vector<16xi32>
    %gt3A_247 = arith.cmpf ogt, %gather3A_243, %scan3A_215#2 : vector<16xf32>
    %eq3A_248 = arith.cmpf oeq, %gather3A_243, %scan3A_215#2 : vector<16xf32>
    %lt3A_249 = arith.cmpi slt, %gather3A_246, %scan3A_215#18 : vector<16xi32>
    %and3A_250 = arith.andi %eq3A_248, %lt3A_249 : vector<16xi1>
    %or3A_251 = arith.ori %gt3A_247, %and3A_250 : vector<16xi1>
    %select_n3A_252 = arith.select %or3A_251, %gather3A_246, %scan3A_215#18 : vector<16xi1>, vector<16xi32>
    %max3A_253 = arith.maximumf %scan3A_215#2, %gather3A_243 : vector<16xf32>
    %broadcast_in_dim3A_254 = vector.shape_cast %and3A_221 : vector<16xi32> to vector<16x1xi32>
    %gather3A_255 = vector.shape_cast %broadcast_in_dim3A_254 : vector<16x1xi32> to vector<16xi32>
    %gather3A_256 = tpu.dynamic_gather %scan3A_215#3[%gather3A_255] in [0] : vector<16xf32>, vector<16xi32> -> vector<16xf32>
    %broadcast_in_dim3A_257 = vector.shape_cast %and3A_221 : vector<16xi32> to vector<16x1xi32>
    %gather3A_258 = vector.shape_cast %broadcast_in_dim3A_257 : vector<16x1xi32> to vector<16xi32>
    %gather3A_259 = tpu.dynamic_gather %scan3A_215#19[%gather3A_258] in [0] : vector<16xi32>, vector<16xi32> -> vector<16xi32>
    %gt3A_260 = arith.cmpf ogt, %gather3A_256, %scan3A_215#3 : vector<16xf32>
    %eq3A_261 = arith.cmpf oeq, %gather3A_256, %scan3A_215#3 : vector<16xf32>
    %lt3A_262 = arith.cmpi slt, %gather3A_259, %scan3A_215#19 : vector<16xi32>
    %and3A_263 = arith.andi %eq3A_261, %lt3A_262 : vector<16xi1>
    %or3A_264 = arith.ori %gt3A_260, %and3A_263 : vector<16xi1>
    %select_n3A_265 = arith.select %or3A_264, %gather3A_259, %scan3A_215#19 : vector<16xi1>, vector<16xi32>
    %max3A_266 = arith.maximumf %scan3A_215#3, %gather3A_256 : vector<16xf32>
    %broadcast_in_dim3A_267 = vector.shape_cast %and3A_221 : vector<16xi32> to vector<16x1xi32>
    %gather3A_268 = vector.shape_cast %broadcast_in_dim3A_267 : vector<16x1xi32> to vector<16xi32>
    %gather3A_269 = tpu.dynamic_gather %scan3A_215#4[%gather3A_268] in [0] : vector<16xf32>, vector<16xi32> -> vector<16xf32>
    %broadcast_in_dim3A_270 = vector.shape_cast %and3A_221 : vector<16xi32> to vector<16x1xi32>
    %gather3A_271 = vector.shape_cast %broadcast_in_dim3A_270 : vector<16x1xi32> to vector<16xi32>
    %gather3A_272 = tpu.dynamic_gather %scan3A_215#20[%gather3A_271] in [0] : vector<16xi32>, vector<16xi32> -> vector<16xi32>
    %gt3A_273 = arith.cmpf ogt, %gather3A_269, %scan3A_215#4 : vector<16xf32>
    %eq3A_274 = arith.cmpf oeq, %gather3A_269, %scan3A_215#4 : vector<16xf32>
    %lt3A_275 = arith.cmpi slt, %gather3A_272, %scan3A_215#20 : vector<16xi32>
    %and3A_276 = arith.andi %eq3A_274, %lt3A_275 : vector<16xi1>
    %or3A_277 = arith.ori %gt3A_273, %and3A_276 : vector<16xi1>
    %select_n3A_278 = arith.select %or3A_277, %gather3A_272, %scan3A_215#20 : vector<16xi1>, vector<16xi32>
    %max3A_279 = arith.maximumf %scan3A_215#4, %gather3A_269 : vector<16xf32>
    %broadcast_in_dim3A_280 = vector.shape_cast %and3A_221 : vector<16xi32> to vector<16x1xi32>
    %gather3A_281 = vector.shape_cast %broadcast_in_dim3A_280 : vector<16x1xi32> to vector<16xi32>
    %gather3A_282 = tpu.dynamic_gather %scan3A_215#5[%gather3A_281] in [0] : vector<16xf32>, vector<16xi32> -> vector<16xf32>
    %broadcast_in_dim3A_283 = vector.shape_cast %and3A_221 : vector<16xi32> to vector<16x1xi32>
    %gather3A_284 = vector.shape_cast %broadcast_in_dim3A_283 : vector<16x1xi32> to vector<16xi32>
    %gather3A_285 = tpu.dynamic_gather %scan3A_215#21[%gather3A_284] in [0] : vector<16xi32>, vector<16xi32> -> vector<16xi32>
    %gt3A_286 = arith.cmpf ogt, %gather3A_282, %scan3A_215#5 : vector<16xf32>
    %eq3A_287 = arith.cmpf oeq, %gather3A_282, %scan3A_215#5 : vector<16xf32>
    %lt3A_288 = arith.cmpi slt, %gather3A_285, %scan3A_215#21 : vector<16xi32>
    %and3A_289 = arith.andi %eq3A_287, %lt3A_288 : vector<16xi1>
    %or3A_290 = arith.ori %gt3A_286, %and3A_289 : vector<16xi1>
    %select_n3A_291 = arith.select %or3A_290, %gather3A_285, %scan3A_215#21 : vector<16xi1>, vector<16xi32>
    %max3A_292 = arith.maximumf %scan3A_215#5, %gather3A_282 : vector<16xf32>
    %broadcast_in_dim3A_293 = vector.shape_cast %and3A_221 : vector<16xi32> to vector<16x1xi32>
    %gather3A_294 = vector.shape_cast %broadcast_in_dim3A_293 : vector<16x1xi32> to vector<16xi32>
    %gather3A_295 = tpu.dynamic_gather %scan3A_215#6[%gather3A_294] in [0] : vector<16xf32>, vector<16xi32> -> vector<16xf32>
    %broadcast_in_dim3A_296 = vector.shape_cast %and3A_221 : vector<16xi32> to vector<16x1xi32>
    %gather3A_297 = vector.shape_cast %broadcast_in_dim3A_296 : vector<16x1xi32> to vector<16xi32>
    %gather3A_298 = tpu.dynamic_gather %scan3A_215#22[%gather3A_297] in [0] : vector<16xi32>, vector<16xi32> -> vector<16xi32>
    %gt3A_299 = arith.cmpf ogt, %gather3A_295, %scan3A_215#6 : vector<16xf32>
    %eq3A_300 = arith.cmpf oeq, %gather3A_295, %scan3A_215#6 : vector<16xf32>
    %lt3A_301 = arith.cmpi slt, %gather3A_298, %scan3A_215#22 : vector<16xi32>
    %and3A_302 = arith.andi %eq3A_300, %lt3A_301 : vector<16xi1>
    %or3A_303 = arith.ori %gt3A_299, %and3A_302 : vector<16xi1>
    %select_n3A_304 = arith.select %or3A_303, %gather3A_298, %scan3A_215#22 : vector<16xi1>, vector<16xi32>
    %max3A_305 = arith.maximumf %scan3A_215#6, %gather3A_295 : vector<16xf32>
    %broadcast_in_dim3A_306 = vector.shape_cast %and3A_221 : vector<16xi32> to vector<16x1xi32>
    %gather3A_307 = vector.shape_cast %broadcast_in_dim3A_306 : vector<16x1xi32> to vector<16xi32>
    %gather3A_308 = tpu.dynamic_gather %scan3A_215#7[%gather3A_307] in [0] : vector<16xf32>, vector<16xi32> -> vector<16xf32>
    %broadcast_in_dim3A_309 = vector.shape_cast %and3A_221 : vector<16xi32> to vector<16x1xi32>
    %gather3A_310 = vector.shape_cast %broadcast_in_dim3A_309 : vector<16x1xi32> to vector<16xi32>
    %gather3A_311 = tpu.dynamic_gather %scan3A_215#23[%gather3A_310] in [0] : vector<16xi32>, vector<16xi32> -> vector<16xi32>
    %gt3A_312 = arith.cmpf ogt, %gather3A_308, %scan3A_215#7 : vector<16xf32>
    %eq3A_313 = arith.cmpf oeq, %gather3A_308, %scan3A_215#7 : vector<16xf32>
    %lt3A_314 = arith.cmpi slt, %gather3A_311, %scan3A_215#23 : vector<16xi32>
    %and3A_315 = arith.andi %eq3A_313, %lt3A_314 : vector<16xi1>
    %or3A_316 = arith.ori %gt3A_312, %and3A_315 : vector<16xi1>
    %select_n3A_317 = arith.select %or3A_316, %gather3A_311, %scan3A_215#23 : vector<16xi1>, vector<16xi32>
    %max3A_318 = arith.maximumf %scan3A_215#7, %gather3A_308 : vector<16xf32>
    %broadcast_in_dim3A_319 = vector.shape_cast %and3A_221 : vector<16xi32> to vector<16x1xi32>
    %gather3A_320 = vector.shape_cast %broadcast_in_dim3A_319 : vector<16x1xi32> to vector<16xi32>
    %gather3A_321 = tpu.dynamic_gather %scan3A_215#8[%gather3A_320] in [0] : vector<16xf32>, vector<16xi32> -> vector<16xf32>
    %broadcast_in_dim3A_322 = vector.shape_cast %and3A_221 : vector<16xi32> to vector<16x1xi32>
    %gather3A_323 = vector.shape_cast %broadcast_in_dim3A_322 : vector<16x1xi32> to vector<16xi32>
    %gather3A_324 = tpu.dynamic_gather %scan3A_215#24[%gather3A_323] in [0] : vector<16xi32>, vector<16xi32> -> vector<16xi32>
    %gt3A_325 = arith.cmpf ogt, %gather3A_321, %scan3A_215#8 : vector<16xf32>
    %eq3A_326 = arith.cmpf oeq, %gather3A_321, %scan3A_215#8 : vector<16xf32>
    %lt3A_327 = arith.cmpi slt, %gather3A_324, %scan3A_215#24 : vector<16xi32>
    %and3A_328 = arith.andi %eq3A_326, %lt3A_327 : vector<16xi1>
    %or3A_329 = arith.ori %gt3A_325, %and3A_328 : vector<16xi1>
    %select_n3A_330 = arith.select %or3A_329, %gather3A_324, %scan3A_215#24 : vector<16xi1>, vector<16xi32>
    %max3A_331 = arith.maximumf %scan3A_215#8, %gather3A_321 : vector<16xf32>
    %broadcast_in_dim3A_332 = vector.shape_cast %and3A_221 : vector<16xi32> to vector<16x1xi32>
    %gather3A_333 = vector.shape_cast %broadcast_in_dim3A_332 : vector<16x1xi32> to vector<16xi32>
    %gather3A_334 = tpu.dynamic_gather %scan3A_215#9[%gather3A_333] in [0] : vector<16xf32>, vector<16xi32> -> vector<16xf32>
    %broadcast_in_dim3A_335 = vector.shape_cast %and3A_221 : vector<16xi32> to vector<16x1xi32>
    %gather3A_336 = vector.shape_cast %broadcast_in_dim3A_335 : vector<16x1xi32> to vector<16xi32>
    %gather3A_337 = tpu.dynamic_gather %scan3A_215#25[%gather3A_336] in [0] : vector<16xi32>, vector<16xi32> -> vector<16xi32>
    %gt3A_338 = arith.cmpf ogt, %gather3A_334, %scan3A_215#9 : vector<16xf32>
    %eq3A_339 = arith.cmpf oeq, %gather3A_334, %scan3A_215#9 : vector<16xf32>
    %lt3A_340 = arith.cmpi slt, %gather3A_337, %scan3A_215#25 : vector<16xi32>
    %and3A_341 = arith.andi %eq3A_339, %lt3A_340 : vector<16xi1>
    %or3A_342 = arith.ori %gt3A_338, %and3A_341 : vector<16xi1>
    %select_n3A_343 = arith.select %or3A_342, %gather3A_337, %scan3A_215#25 : vector<16xi1>, vector<16xi32>
    %max3A_344 = arith.maximumf %scan3A_215#9, %gather3A_334 : vector<16xf32>
    %broadcast_in_dim3A_345 = vector.shape_cast %and3A_221 : vector<16xi32> to vector<16x1xi32>
    %gather3A_346 = vector.shape_cast %broadcast_in_dim3A_345 : vector<16x1xi32> to vector<16xi32>
    %gather3A_347 = tpu.dynamic_gather %scan3A_215#10[%gather3A_346] in [0] : vector<16xf32>, vector<16xi32> -> vector<16xf32>
    %broadcast_in_dim3A_348 = vector.shape_cast %and3A_221 : vector<16xi32> to vector<16x1xi32>
    %gather3A_349 = vector.shape_cast %broadcast_in_dim3A_348 : vector<16x1xi32> to vector<16xi32>
    %gather3A_350 = tpu.dynamic_gather %scan3A_215#26[%gather3A_349] in [0] : vector<16xi32>, vector<16xi32> -> vector<16xi32>
    %gt3A_351 = arith.cmpf ogt, %gather3A_347, %scan3A_215#10 : vector<16xf32>
    %eq3A_352 = arith.cmpf oeq, %gather3A_347, %scan3A_215#10 : vector<16xf32>
    %lt3A_353 = arith.cmpi slt, %gather3A_350, %scan3A_215#26 : vector<16xi32>
    %and3A_354 = arith.andi %eq3A_352, %lt3A_353 : vector<16xi1>
    %or3A_355 = arith.ori %gt3A_351, %and3A_354 : vector<16xi1>
    %select_n3A_356 = arith.select %or3A_355, %gather3A_350, %scan3A_215#26 : vector<16xi1>, vector<16xi32>
    %max3A_357 = arith.maximumf %scan3A_215#10, %gather3A_347 : vector<16xf32>
    %broadcast_in_dim3A_358 = vector.shape_cast %and3A_221 : vector<16xi32> to vector<16x1xi32>
    %gather3A_359 = vector.shape_cast %broadcast_in_dim3A_358 : vector<16x1xi32> to vector<16xi32>
    %gather3A_360 = tpu.dynamic_gather %scan3A_215#11[%gather3A_359] in [0] : vector<16xf32>, vector<16xi32> -> vector<16xf32>
    %broadcast_in_dim3A_361 = vector.shape_cast %and3A_221 : vector<16xi32> to vector<16x1xi32>
    %gather3A_362 = vector.shape_cast %broadcast_in_dim3A_361 : vector<16x1xi32> to vector<16xi32>
    %gather3A_363 = tpu.dynamic_gather %scan3A_215#27[%gather3A_362] in [0] : vector<16xi32>, vector<16xi32> -> vector<16xi32>
    %gt3A_364 = arith.cmpf ogt, %gather3A_360, %scan3A_215#11 : vector<16xf32>
    %eq3A_365 = arith.cmpf oeq, %gather3A_360, %scan3A_215#11 : vector<16xf32>
    %lt3A_366 = arith.cmpi slt, %gather3A_363, %scan3A_215#27 : vector<16xi32>
    %and3A_367 = arith.andi %eq3A_365, %lt3A_366 : vector<16xi1>
    %or3A_368 = arith.ori %gt3A_364, %and3A_367 : vector<16xi1>
    %select_n3A_369 = arith.select %or3A_368, %gather3A_363, %scan3A_215#27 : vector<16xi1>, vector<16xi32>
    %max3A_370 = arith.maximumf %scan3A_215#11, %gather3A_360 : vector<16xf32>
    %broadcast_in_dim3A_371 = vector.shape_cast %and3A_221 : vector<16xi32> to vector<16x1xi32>
    %gather3A_372 = vector.shape_cast %broadcast_in_dim3A_371 : vector<16x1xi32> to vector<16xi32>
    %gather3A_373 = tpu.dynamic_gather %scan3A_215#12[%gather3A_372] in [0] : vector<16xf32>, vector<16xi32> -> vector<16xf32>
    %broadcast_in_dim3A_374 = vector.shape_cast %and3A_221 : vector<16xi32> to vector<16x1xi32>
    %gather3A_375 = vector.shape_cast %broadcast_in_dim3A_374 : vector<16x1xi32> to vector<16xi32>
    %gather3A_376 = tpu.dynamic_gather %scan3A_215#28[%gather3A_375] in [0] : vector<16xi32>, vector<16xi32> -> vector<16xi32>
    %gt3A_377 = arith.cmpf ogt, %gather3A_373, %scan3A_215#12 : vector<16xf32>
    %eq3A_378 = arith.cmpf oeq, %gather3A_373, %scan3A_215#12 : vector<16xf32>
    %lt3A_379 = arith.cmpi slt, %gather3A_376, %scan3A_215#28 : vector<16xi32>
    %and3A_380 = arith.andi %eq3A_378, %lt3A_379 : vector<16xi1>
    %or3A_381 = arith.ori %gt3A_377, %and3A_380 : vector<16xi1>
    %select_n3A_382 = arith.select %or3A_381, %gather3A_376, %scan3A_215#28 : vector<16xi1>, vector<16xi32>
    %max3A_383 = arith.maximumf %scan3A_215#12, %gather3A_373 : vector<16xf32>
    %broadcast_in_dim3A_384 = vector.shape_cast %and3A_221 : vector<16xi32> to vector<16x1xi32>
    %gather3A_385 = vector.shape_cast %broadcast_in_dim3A_384 : vector<16x1xi32> to vector<16xi32>
    %gather3A_386 = tpu.dynamic_gather %scan3A_215#13[%gather3A_385] in [0] : vector<16xf32>, vector<16xi32> -> vector<16xf32>
    %broadcast_in_dim3A_387 = vector.shape_cast %and3A_221 : vector<16xi32> to vector<16x1xi32>
    %gather3A_388 = vector.shape_cast %broadcast_in_dim3A_387 : vector<16x1xi32> to vector<16xi32>
    %gather3A_389 = tpu.dynamic_gather %scan3A_215#29[%gather3A_388] in [0] : vector<16xi32>, vector<16xi32> -> vector<16xi32>
    %gt3A_390 = arith.cmpf ogt, %gather3A_386, %scan3A_215#13 : vector<16xf32>
    %eq3A_391 = arith.cmpf oeq, %gather3A_386, %scan3A_215#13 : vector<16xf32>
    %lt3A_392 = arith.cmpi slt, %gather3A_389, %scan3A_215#29 : vector<16xi32>
    %and3A_393 = arith.andi %eq3A_391, %lt3A_392 : vector<16xi1>
    %or3A_394 = arith.ori %gt3A_390, %and3A_393 : vector<16xi1>
    %select_n3A_395 = arith.select %or3A_394, %gather3A_389, %scan3A_215#29 : vector<16xi1>, vector<16xi32>
    %max3A_396 = arith.maximumf %scan3A_215#13, %gather3A_386 : vector<16xf32>
    %broadcast_in_dim3A_397 = vector.shape_cast %and3A_221 : vector<16xi32> to vector<16x1xi32>
    %gather3A_398 = vector.shape_cast %broadcast_in_dim3A_397 : vector<16x1xi32> to vector<16xi32>
    %gather3A_399 = tpu.dynamic_gather %scan3A_215#14[%gather3A_398] in [0] : vector<16xf32>, vector<16xi32> -> vector<16xf32>
    %broadcast_in_dim3A_400 = vector.shape_cast %and3A_221 : vector<16xi32> to vector<16x1xi32>
    %gather3A_401 = vector.shape_cast %broadcast_in_dim3A_400 : vector<16x1xi32> to vector<16xi32>
    %gather3A_402 = tpu.dynamic_gather %scan3A_215#30[%gather3A_401] in [0] : vector<16xi32>, vector<16xi32> -> vector<16xi32>
    %gt3A_403 = arith.cmpf ogt, %gather3A_399, %scan3A_215#14 : vector<16xf32>
    %eq3A_404 = arith.cmpf oeq, %gather3A_399, %scan3A_215#14 : vector<16xf32>
    %lt3A_405 = arith.cmpi slt, %gather3A_402, %scan3A_215#30 : vector<16xi32>
    %and3A_406 = arith.andi %eq3A_404, %lt3A_405 : vector<16xi1>
    %or3A_407 = arith.ori %gt3A_403, %and3A_406 : vector<16xi1>
    %select_n3A_408 = arith.select %or3A_407, %gather3A_402, %scan3A_215#30 : vector<16xi1>, vector<16xi32>
    %max3A_409 = arith.maximumf %scan3A_215#14, %gather3A_399 : vector<16xf32>
    %broadcast_in_dim3A_410 = vector.shape_cast %and3A_221 : vector<16xi32> to vector<16x1xi32>
    %gather3A_411 = vector.shape_cast %broadcast_in_dim3A_410 : vector<16x1xi32> to vector<16xi32>
    %gather3A_412 = tpu.dynamic_gather %scan3A_215#15[%gather3A_411] in [0] : vector<16xf32>, vector<16xi32> -> vector<16xf32>
    %broadcast_in_dim3A_413 = vector.shape_cast %and3A_221 : vector<16xi32> to vector<16x1xi32>
    %gather3A_414 = vector.shape_cast %broadcast_in_dim3A_413 : vector<16x1xi32> to vector<16xi32>
    %gather3A_415 = tpu.dynamic_gather %scan3A_215#31[%gather3A_414] in [0] : vector<16xi32>, vector<16xi32> -> vector<16xi32>
    %gt3A_416 = arith.cmpf ogt, %gather3A_412, %scan3A_215#15 : vector<16xf32>
    %eq3A_417 = arith.cmpf oeq, %gather3A_412, %scan3A_215#15 : vector<16xf32>
    %lt3A_418 = arith.cmpi slt, %gather3A_415, %scan3A_215#31 : vector<16xi32>
    %and3A_419 = arith.andi %eq3A_417, %lt3A_418 : vector<16xi1>
    %or3A_420 = arith.ori %gt3A_416, %and3A_419 : vector<16xi1>
    %select_n3A_421 = arith.select %or3A_420, %gather3A_415, %scan3A_215#31 : vector<16xi1>, vector<16xi32>
    %max3A_422 = arith.maximumf %scan3A_215#15, %gather3A_412 : vector<16xf32>
    %add3A_423 = arith.constant 4 : i32
    %add3A_424 = vector.broadcast %add3A_423 : i32 to vector<16xi32>
    %add3A_425 = arith.addi %iota3A, %add3A_424 : vector<16xi32>
    %and3A_426 = arith.constant 15 : i32
    %and3A_427 = vector.broadcast %and3A_426 : i32 to vector<16xi32>
    %and3A_428 = arith.andi %add3A_425, %and3A_427 : vector<16xi32>
    %broadcast_in_dim3A_429 = vector.shape_cast %and3A_428 : vector<16xi32> to vector<16x1xi32>
    %gather3A_430 = vector.shape_cast %broadcast_in_dim3A_429 : vector<16x1xi32> to vector<16xi32>
    %gather3A_431 = tpu.dynamic_gather %max3A[%gather3A_430] in [0] : vector<16xf32>, vector<16xi32> -> vector<16xf32>
    %broadcast_in_dim3A_432 = vector.shape_cast %and3A_428 : vector<16xi32> to vector<16x1xi32>
    %gather3A_433 = vector.shape_cast %broadcast_in_dim3A_432 : vector<16x1xi32> to vector<16xi32>
    %gather3A_434 = tpu.dynamic_gather %select_n3A[%gather3A_433] in [0] : vector<16xi32>, vector<16xi32> -> vector<16xi32>
    %gt3A_435 = arith.cmpf ogt, %gather3A_431, %max3A : vector<16xf32>
    %eq3A_436 = arith.cmpf oeq, %gather3A_431, %max3A : vector<16xf32>
    %lt3A_437 = arith.cmpi slt, %gather3A_434, %select_n3A : vector<16xi32>
    %and3A_438 = arith.andi %eq3A_436, %lt3A_437 : vector<16xi1>
    %or3A_439 = arith.ori %gt3A_435, %and3A_438 : vector<16xi1>
    %select_n3A_440 = arith.select %or3A_439, %gather3A_434, %select_n3A : vector<16xi1>, vector<16xi32>
    %max3A_441 = arith.maximumf %max3A, %gather3A_431 : vector<16xf32>
    %broadcast_in_dim3A_442 = vector.shape_cast %and3A_428 : vector<16xi32> to vector<16x1xi32>
    %gather3A_443 = vector.shape_cast %broadcast_in_dim3A_442 : vector<16x1xi32> to vector<16xi32>
    %gather3A_444 = tpu.dynamic_gather %max3A_240[%gather3A_443] in [0] : vector<16xf32>, vector<16xi32> -> vector<16xf32>
    %broadcast_in_dim3A_445 = vector.shape_cast %and3A_428 : vector<16xi32> to vector<16x1xi32>
    %gather3A_446 = vector.shape_cast %broadcast_in_dim3A_445 : vector<16x1xi32> to vector<16xi32>
    %gather3A_447 = tpu.dynamic_gather %select_n3A_239[%gather3A_446] in [0] : vector<16xi32>, vector<16xi32> -> vector<16xi32>
    %gt3A_448 = arith.cmpf ogt, %gather3A_444, %max3A_240 : vector<16xf32>
    %eq3A_449 = arith.cmpf oeq, %gather3A_444, %max3A_240 : vector<16xf32>
    %lt3A_450 = arith.cmpi slt, %gather3A_447, %select_n3A_239 : vector<16xi32>
    %and3A_451 = arith.andi %eq3A_449, %lt3A_450 : vector<16xi1>
    %or3A_452 = arith.ori %gt3A_448, %and3A_451 : vector<16xi1>
    %select_n3A_453 = arith.select %or3A_452, %gather3A_447, %select_n3A_239 : vector<16xi1>, vector<16xi32>
    %max3A_454 = arith.maximumf %max3A_240, %gather3A_444 : vector<16xf32>
    %broadcast_in_dim3A_455 = vector.shape_cast %and3A_428 : vector<16xi32> to vector<16x1xi32>
    %gather3A_456 = vector.shape_cast %broadcast_in_dim3A_455 : vector<16x1xi32> to vector<16xi32>
    %gather3A_457 = tpu.dynamic_gather %max3A_253[%gather3A_456] in [0] : vector<16xf32>, vector<16xi32> -> vector<16xf32>
    %broadcast_in_dim3A_458 = vector.shape_cast %and3A_428 : vector<16xi32> to vector<16x1xi32>
    %gather3A_459 = vector.shape_cast %broadcast_in_dim3A_458 : vector<16x1xi32> to vector<16xi32>
    %gather3A_460 = tpu.dynamic_gather %select_n3A_252[%gather3A_459] in [0] : vector<16xi32>, vector<16xi32> -> vector<16xi32>
    %gt3A_461 = arith.cmpf ogt, %gather3A_457, %max3A_253 : vector<16xf32>
    %eq3A_462 = arith.cmpf oeq, %gather3A_457, %max3A_253 : vector<16xf32>
    %lt3A_463 = arith.cmpi slt, %gather3A_460, %select_n3A_252 : vector<16xi32>
    %and3A_464 = arith.andi %eq3A_462, %lt3A_463 : vector<16xi1>
    %or3A_465 = arith.ori %gt3A_461, %and3A_464 : vector<16xi1>
    %select_n3A_466 = arith.select %or3A_465, %gather3A_460, %select_n3A_252 : vector<16xi1>, vector<16xi32>
    %max3A_467 = arith.maximumf %max3A_253, %gather3A_457 : vector<16xf32>
    %broadcast_in_dim3A_468 = vector.shape_cast %and3A_428 : vector<16xi32> to vector<16x1xi32>
    %gather3A_469 = vector.shape_cast %broadcast_in_dim3A_468 : vector<16x1xi32> to vector<16xi32>
    %gather3A_470 = tpu.dynamic_gather %max3A_266[%gather3A_469] in [0] : vector<16xf32>, vector<16xi32> -> vector<16xf32>
    %broadcast_in_dim3A_471 = vector.shape_cast %and3A_428 : vector<16xi32> to vector<16x1xi32>
    %gather3A_472 = vector.shape_cast %broadcast_in_dim3A_471 : vector<16x1xi32> to vector<16xi32>
    %gather3A_473 = tpu.dynamic_gather %select_n3A_265[%gather3A_472] in [0] : vector<16xi32>, vector<16xi32> -> vector<16xi32>
    %gt3A_474 = arith.cmpf ogt, %gather3A_470, %max3A_266 : vector<16xf32>
    %eq3A_475 = arith.cmpf oeq, %gather3A_470, %max3A_266 : vector<16xf32>
    %lt3A_476 = arith.cmpi slt, %gather3A_473, %select_n3A_265 : vector<16xi32>
    %and3A_477 = arith.andi %eq3A_475, %lt3A_476 : vector<16xi1>
    %or3A_478 = arith.ori %gt3A_474, %and3A_477 : vector<16xi1>
    %select_n3A_479 = arith.select %or3A_478, %gather3A_473, %select_n3A_265 : vector<16xi1>, vector<16xi32>
    %max3A_480 = arith.maximumf %max3A_266, %gather3A_470 : vector<16xf32>
    %broadcast_in_dim3A_481 = vector.shape_cast %and3A_428 : vector<16xi32> to vector<16x1xi32>
    %gather3A_482 = vector.shape_cast %broadcast_in_dim3A_481 : vector<16x1xi32> to vector<16xi32>
    %gather3A_483 = tpu.dynamic_gather %max3A_279[%gather3A_482] in [0] : vector<16xf32>, vector<16xi32> -> vector<16xf32>
    %broadcast_in_dim3A_484 = vector.shape_cast %and3A_428 : vector<16xi32> to vector<16x1xi32>
    %gather3A_485 = vector.shape_cast %broadcast_in_dim3A_484 : vector<16x1xi32> to vector<16xi32>
    %gather3A_486 = tpu.dynamic_gather %select_n3A_278[%gather3A_485] in [0] : vector<16xi32>, vector<16xi32> -> vector<16xi32>
    %gt3A_487 = arith.cmpf ogt, %gather3A_483, %max3A_279 : vector<16xf32>
    %eq3A_488 = arith.cmpf oeq, %gather3A_483, %max3A_279 : vector<16xf32>
    %lt3A_489 = arith.cmpi slt, %gather3A_486, %select_n3A_278 : vector<16xi32>
    %and3A_490 = arith.andi %eq3A_488, %lt3A_489 : vector<16xi1>
    %or3A_491 = arith.ori %gt3A_487, %and3A_490 : vector<16xi1>
    %select_n3A_492 = arith.select %or3A_491, %gather3A_486, %select_n3A_278 : vector<16xi1>, vector<16xi32>
    %max3A_493 = arith.maximumf %max3A_279, %gather3A_483 : vector<16xf32>
    %broadcast_in_dim3A_494 = vector.shape_cast %and3A_428 : vector<16xi32> to vector<16x1xi32>
    %gather3A_495 = vector.shape_cast %broadcast_in_dim3A_494 : vector<16x1xi32> to vector<16xi32>
    %gather3A_496 = tpu.dynamic_gather %max3A_292[%gather3A_495] in [0] : vector<16xf32>, vector<16xi32> -> vector<16xf32>
    %broadcast_in_dim3A_497 = vector.shape_cast %and3A_428 : vector<16xi32> to vector<16x1xi32>
    %gather3A_498 = vector.shape_cast %broadcast_in_dim3A_497 : vector<16x1xi32> to vector<16xi32>
    %gather3A_499 = tpu.dynamic_gather %select_n3A_291[%gather3A_498] in [0] : vector<16xi32>, vector<16xi32> -> vector<16xi32>
    %gt3A_500 = arith.cmpf ogt, %gather3A_496, %max3A_292 : vector<16xf32>
    %eq3A_501 = arith.cmpf oeq, %gather3A_496, %max3A_292 : vector<16xf32>
    %lt3A_502 = arith.cmpi slt, %gather3A_499, %select_n3A_291 : vector<16xi32>
    %and3A_503 = arith.andi %eq3A_501, %lt3A_502 : vector<16xi1>
    %or3A_504 = arith.ori %gt3A_500, %and3A_503 : vector<16xi1>
    %select_n3A_505 = arith.select %or3A_504, %gather3A_499, %select_n3A_291 : vector<16xi1>, vector<16xi32>
    %max3A_506 = arith.maximumf %max3A_292, %gather3A_496 : vector<16xf32>
    %broadcast_in_dim3A_507 = vector.shape_cast %and3A_428 : vector<16xi32> to vector<16x1xi32>
    %gather3A_508 = vector.shape_cast %broadcast_in_dim3A_507 : vector<16x1xi32> to vector<16xi32>
    %gather3A_509 = tpu.dynamic_gather %max3A_305[%gather3A_508] in [0] : vector<16xf32>, vector<16xi32> -> vector<16xf32>
    %broadcast_in_dim3A_510 = vector.shape_cast %and3A_428 : vector<16xi32> to vector<16x1xi32>
    %gather3A_511 = vector.shape_cast %broadcast_in_dim3A_510 : vector<16x1xi32> to vector<16xi32>
    %gather3A_512 = tpu.dynamic_gather %select_n3A_304[%gather3A_511] in [0] : vector<16xi32>, vector<16xi32> -> vector<16xi32>
    %gt3A_513 = arith.cmpf ogt, %gather3A_509, %max3A_305 : vector<16xf32>
    %eq3A_514 = arith.cmpf oeq, %gather3A_509, %max3A_305 : vector<16xf32>
    %lt3A_515 = arith.cmpi slt, %gather3A_512, %select_n3A_304 : vector<16xi32>
    %and3A_516 = arith.andi %eq3A_514, %lt3A_515 : vector<16xi1>
    %or3A_517 = arith.ori %gt3A_513, %and3A_516 : vector<16xi1>
    %select_n3A_518 = arith.select %or3A_517, %gather3A_512, %select_n3A_304 : vector<16xi1>, vector<16xi32>
    %max3A_519 = arith.maximumf %max3A_305, %gather3A_509 : vector<16xf32>
    %broadcast_in_dim3A_520 = vector.shape_cast %and3A_428 : vector<16xi32> to vector<16x1xi32>
    %gather3A_521 = vector.shape_cast %broadcast_in_dim3A_520 : vector<16x1xi32> to vector<16xi32>
    %gather3A_522 = tpu.dynamic_gather %max3A_318[%gather3A_521] in [0] : vector<16xf32>, vector<16xi32> -> vector<16xf32>
    %broadcast_in_dim3A_523 = vector.shape_cast %and3A_428 : vector<16xi32> to vector<16x1xi32>
    %gather3A_524 = vector.shape_cast %broadcast_in_dim3A_523 : vector<16x1xi32> to vector<16xi32>
    %gather3A_525 = tpu.dynamic_gather %select_n3A_317[%gather3A_524] in [0] : vector<16xi32>, vector<16xi32> -> vector<16xi32>
    %gt3A_526 = arith.cmpf ogt, %gather3A_522, %max3A_318 : vector<16xf32>
    %eq3A_527 = arith.cmpf oeq, %gather3A_522, %max3A_318 : vector<16xf32>
    %lt3A_528 = arith.cmpi slt, %gather3A_525, %select_n3A_317 : vector<16xi32>
    %and3A_529 = arith.andi %eq3A_527, %lt3A_528 : vector<16xi1>
    %or3A_530 = arith.ori %gt3A_526, %and3A_529 : vector<16xi1>
    %select_n3A_531 = arith.select %or3A_530, %gather3A_525, %select_n3A_317 : vector<16xi1>, vector<16xi32>
    %max3A_532 = arith.maximumf %max3A_318, %gather3A_522 : vector<16xf32>
    %broadcast_in_dim3A_533 = vector.shape_cast %and3A_428 : vector<16xi32> to vector<16x1xi32>
    %gather3A_534 = vector.shape_cast %broadcast_in_dim3A_533 : vector<16x1xi32> to vector<16xi32>
    %gather3A_535 = tpu.dynamic_gather %max3A_331[%gather3A_534] in [0] : vector<16xf32>, vector<16xi32> -> vector<16xf32>
    %broadcast_in_dim3A_536 = vector.shape_cast %and3A_428 : vector<16xi32> to vector<16x1xi32>
    %gather3A_537 = vector.shape_cast %broadcast_in_dim3A_536 : vector<16x1xi32> to vector<16xi32>
    %gather3A_538 = tpu.dynamic_gather %select_n3A_330[%gather3A_537] in [0] : vector<16xi32>, vector<16xi32> -> vector<16xi32>
    %gt3A_539 = arith.cmpf ogt, %gather3A_535, %max3A_331 : vector<16xf32>
    %eq3A_540 = arith.cmpf oeq, %gather3A_535, %max3A_331 : vector<16xf32>
    %lt3A_541 = arith.cmpi slt, %gather3A_538, %select_n3A_330 : vector<16xi32>
    %and3A_542 = arith.andi %eq3A_540, %lt3A_541 : vector<16xi1>
    %or3A_543 = arith.ori %gt3A_539, %and3A_542 : vector<16xi1>
    %select_n3A_544 = arith.select %or3A_543, %gather3A_538, %select_n3A_330 : vector<16xi1>, vector<16xi32>
    %max3A_545 = arith.maximumf %max3A_331, %gather3A_535 : vector<16xf32>
    %broadcast_in_dim3A_546 = vector.shape_cast %and3A_428 : vector<16xi32> to vector<16x1xi32>
    %gather3A_547 = vector.shape_cast %broadcast_in_dim3A_546 : vector<16x1xi32> to vector<16xi32>
    %gather3A_548 = tpu.dynamic_gather %max3A_344[%gather3A_547] in [0] : vector<16xf32>, vector<16xi32> -> vector<16xf32>
    %broadcast_in_dim3A_549 = vector.shape_cast %and3A_428 : vector<16xi32> to vector<16x1xi32>
    %gather3A_550 = vector.shape_cast %broadcast_in_dim3A_549 : vector<16x1xi32> to vector<16xi32>
    %gather3A_551 = tpu.dynamic_gather %select_n3A_343[%gather3A_550] in [0] : vector<16xi32>, vector<16xi32> -> vector<16xi32>
    %gt3A_552 = arith.cmpf ogt, %gather3A_548, %max3A_344 : vector<16xf32>
    %eq3A_553 = arith.cmpf oeq, %gather3A_548, %max3A_344 : vector<16xf32>
    %lt3A_554 = arith.cmpi slt, %gather3A_551, %select_n3A_343 : vector<16xi32>
    %and3A_555 = arith.andi %eq3A_553, %lt3A_554 : vector<16xi1>
    %or3A_556 = arith.ori %gt3A_552, %and3A_555 : vector<16xi1>
    %select_n3A_557 = arith.select %or3A_556, %gather3A_551, %select_n3A_343 : vector<16xi1>, vector<16xi32>
    %max3A_558 = arith.maximumf %max3A_344, %gather3A_548 : vector<16xf32>
    %broadcast_in_dim3A_559 = vector.shape_cast %and3A_428 : vector<16xi32> to vector<16x1xi32>
    %gather3A_560 = vector.shape_cast %broadcast_in_dim3A_559 : vector<16x1xi32> to vector<16xi32>
    %gather3A_561 = tpu.dynamic_gather %max3A_357[%gather3A_560] in [0] : vector<16xf32>, vector<16xi32> -> vector<16xf32>
    %broadcast_in_dim3A_562 = vector.shape_cast %and3A_428 : vector<16xi32> to vector<16x1xi32>
    %gather3A_563 = vector.shape_cast %broadcast_in_dim3A_562 : vector<16x1xi32> to vector<16xi32>
    %gather3A_564 = tpu.dynamic_gather %select_n3A_356[%gather3A_563] in [0] : vector<16xi32>, vector<16xi32> -> vector<16xi32>
    %gt3A_565 = arith.cmpf ogt, %gather3A_561, %max3A_357 : vector<16xf32>
    %eq3A_566 = arith.cmpf oeq, %gather3A_561, %max3A_357 : vector<16xf32>
    %lt3A_567 = arith.cmpi slt, %gather3A_564, %select_n3A_356 : vector<16xi32>
    %and3A_568 = arith.andi %eq3A_566, %lt3A_567 : vector<16xi1>
    %or3A_569 = arith.ori %gt3A_565, %and3A_568 : vector<16xi1>
    %select_n3A_570 = arith.select %or3A_569, %gather3A_564, %select_n3A_356 : vector<16xi1>, vector<16xi32>
    %max3A_571 = arith.maximumf %max3A_357, %gather3A_561 : vector<16xf32>
    %broadcast_in_dim3A_572 = vector.shape_cast %and3A_428 : vector<16xi32> to vector<16x1xi32>
    %gather3A_573 = vector.shape_cast %broadcast_in_dim3A_572 : vector<16x1xi32> to vector<16xi32>
    %gather3A_574 = tpu.dynamic_gather %max3A_370[%gather3A_573] in [0] : vector<16xf32>, vector<16xi32> -> vector<16xf32>
    %broadcast_in_dim3A_575 = vector.shape_cast %and3A_428 : vector<16xi32> to vector<16x1xi32>
    %gather3A_576 = vector.shape_cast %broadcast_in_dim3A_575 : vector<16x1xi32> to vector<16xi32>
    %gather3A_577 = tpu.dynamic_gather %select_n3A_369[%gather3A_576] in [0] : vector<16xi32>, vector<16xi32> -> vector<16xi32>
    %gt3A_578 = arith.cmpf ogt, %gather3A_574, %max3A_370 : vector<16xf32>
    %eq3A_579 = arith.cmpf oeq, %gather3A_574, %max3A_370 : vector<16xf32>
    %lt3A_580 = arith.cmpi slt, %gather3A_577, %select_n3A_369 : vector<16xi32>
    %and3A_581 = arith.andi %eq3A_579, %lt3A_580 : vector<16xi1>
    %or3A_582 = arith.ori %gt3A_578, %and3A_581 : vector<16xi1>
    %select_n3A_583 = arith.select %or3A_582, %gather3A_577, %select_n3A_369 : vector<16xi1>, vector<16xi32>
    %max3A_584 = arith.maximumf %max3A_370, %gather3A_574 : vector<16xf32>
    %broadcast_in_dim3A_585 = vector.shape_cast %and3A_428 : vector<16xi32> to vector<16x1xi32>
    %gather3A_586 = vector.shape_cast %broadcast_in_dim3A_585 : vector<16x1xi32> to vector<16xi32>
    %gather3A_587 = tpu.dynamic_gather %max3A_383[%gather3A_586] in [0] : vector<16xf32>, vector<16xi32> -> vector<16xf32>
    %broadcast_in_dim3A_588 = vector.shape_cast %and3A_428 : vector<16xi32> to vector<16x1xi32>
    %gather3A_589 = vector.shape_cast %broadcast_in_dim3A_588 : vector<16x1xi32> to vector<16xi32>
    %gather3A_590 = tpu.dynamic_gather %select_n3A_382[%gather3A_589] in [0] : vector<16xi32>, vector<16xi32> -> vector<16xi32>
    %gt3A_591 = arith.cmpf ogt, %gather3A_587, %max3A_383 : vector<16xf32>
    %eq3A_592 = arith.cmpf oeq, %gather3A_587, %max3A_383 : vector<16xf32>
    %lt3A_593 = arith.cmpi slt, %gather3A_590, %select_n3A_382 : vector<16xi32>
    %and3A_594 = arith.andi %eq3A_592, %lt3A_593 : vector<16xi1>
    %or3A_595 = arith.ori %gt3A_591, %and3A_594 : vector<16xi1>
    %select_n3A_596 = arith.select %or3A_595, %gather3A_590, %select_n3A_382 : vector<16xi1>, vector<16xi32>
    %max3A_597 = arith.maximumf %max3A_383, %gather3A_587 : vector<16xf32>
    %broadcast_in_dim3A_598 = vector.shape_cast %and3A_428 : vector<16xi32> to vector<16x1xi32>
    %gather3A_599 = vector.shape_cast %broadcast_in_dim3A_598 : vector<16x1xi32> to vector<16xi32>
    %gather3A_600 = tpu.dynamic_gather %max3A_396[%gather3A_599] in [0] : vector<16xf32>, vector<16xi32> -> vector<16xf32>
    %broadcast_in_dim3A_601 = vector.shape_cast %and3A_428 : vector<16xi32> to vector<16x1xi32>
    %gather3A_602 = vector.shape_cast %broadcast_in_dim3A_601 : vector<16x1xi32> to vector<16xi32>
    %gather3A_603 = tpu.dynamic_gather %select_n3A_395[%gather3A_602] in [0] : vector<16xi32>, vector<16xi32> -> vector<16xi32>
    %gt3A_604 = arith.cmpf ogt, %gather3A_600, %max3A_396 : vector<16xf32>
    %eq3A_605 = arith.cmpf oeq, %gather3A_600, %max3A_396 : vector<16xf32>
    %lt3A_606 = arith.cmpi slt, %gather3A_603, %select_n3A_395 : vector<16xi32>
    %and3A_607 = arith.andi %eq3A_605, %lt3A_606 : vector<16xi1>
    %or3A_608 = arith.ori %gt3A_604, %and3A_607 : vector<16xi1>
    %select_n3A_609 = arith.select %or3A_608, %gather3A_603, %select_n3A_395 : vector<16xi1>, vector<16xi32>
    %max3A_610 = arith.maximumf %max3A_396, %gather3A_600 : vector<16xf32>
    %broadcast_in_dim3A_611 = vector.shape_cast %and3A_428 : vector<16xi32> to vector<16x1xi32>
    %gather3A_612 = vector.shape_cast %broadcast_in_dim3A_611 : vector<16x1xi32> to vector<16xi32>
    %gather3A_613 = tpu.dynamic_gather %max3A_409[%gather3A_612] in [0] : vector<16xf32>, vector<16xi32> -> vector<16xf32>
    %broadcast_in_dim3A_614 = vector.shape_cast %and3A_428 : vector<16xi32> to vector<16x1xi32>
    %gather3A_615 = vector.shape_cast %broadcast_in_dim3A_614 : vector<16x1xi32> to vector<16xi32>
    %gather3A_616 = tpu.dynamic_gather %select_n3A_408[%gather3A_615] in [0] : vector<16xi32>, vector<16xi32> -> vector<16xi32>
    %gt3A_617 = arith.cmpf ogt, %gather3A_613, %max3A_409 : vector<16xf32>
    %eq3A_618 = arith.cmpf oeq, %gather3A_613, %max3A_409 : vector<16xf32>
    %lt3A_619 = arith.cmpi slt, %gather3A_616, %select_n3A_408 : vector<16xi32>
    %and3A_620 = arith.andi %eq3A_618, %lt3A_619 : vector<16xi1>
    %or3A_621 = arith.ori %gt3A_617, %and3A_620 : vector<16xi1>
    %select_n3A_622 = arith.select %or3A_621, %gather3A_616, %select_n3A_408 : vector<16xi1>, vector<16xi32>
    %max3A_623 = arith.maximumf %max3A_409, %gather3A_613 : vector<16xf32>
    %broadcast_in_dim3A_624 = vector.shape_cast %and3A_428 : vector<16xi32> to vector<16x1xi32>
    %gather3A_625 = vector.shape_cast %broadcast_in_dim3A_624 : vector<16x1xi32> to vector<16xi32>
    %gather3A_626 = tpu.dynamic_gather %max3A_422[%gather3A_625] in [0] : vector<16xf32>, vector<16xi32> -> vector<16xf32>
    %broadcast_in_dim3A_627 = vector.shape_cast %and3A_428 : vector<16xi32> to vector<16x1xi32>
    %gather3A_628 = vector.shape_cast %broadcast_in_dim3A_627 : vector<16x1xi32> to vector<16xi32>
    %gather3A_629 = tpu.dynamic_gather %select_n3A_421[%gather3A_628] in [0] : vector<16xi32>, vector<16xi32> -> vector<16xi32>
    %gt3A_630 = arith.cmpf ogt, %gather3A_626, %max3A_422 : vector<16xf32>
    %eq3A_631 = arith.cmpf oeq, %gather3A_626, %max3A_422 : vector<16xf32>
    %lt3A_632 = arith.cmpi slt, %gather3A_629, %select_n3A_421 : vector<16xi32>
    %and3A_633 = arith.andi %eq3A_631, %lt3A_632 : vector<16xi1>
    %or3A_634 = arith.ori %gt3A_630, %and3A_633 : vector<16xi1>
    %select_n3A_635 = arith.select %or3A_634, %gather3A_629, %select_n3A_421 : vector<16xi1>, vector<16xi32>
    %max3A_636 = arith.maximumf %max3A_422, %gather3A_626 : vector<16xf32>
    %add3A_637 = arith.constant 2 : i32
    %add3A_638 = vector.broadcast %add3A_637 : i32 to vector<16xi32>
    %add3A_639 = arith.addi %iota3A, %add3A_638 : vector<16xi32>
    %and3A_640 = arith.constant 15 : i32
    %and3A_641 = vector.broadcast %and3A_640 : i32 to vector<16xi32>
    %and3A_642 = arith.andi %add3A_639, %and3A_641 : vector<16xi32>
    %broadcast_in_dim3A_643 = vector.shape_cast %and3A_642 : vector<16xi32> to vector<16x1xi32>
    %gather3A_644 = vector.shape_cast %broadcast_in_dim3A_643 : vector<16x1xi32> to vector<16xi32>
    %gather3A_645 = tpu.dynamic_gather %max3A_441[%gather3A_644] in [0] : vector<16xf32>, vector<16xi32> -> vector<16xf32>
    %broadcast_in_dim3A_646 = vector.shape_cast %and3A_642 : vector<16xi32> to vector<16x1xi32>
    %gather3A_647 = vector.shape_cast %broadcast_in_dim3A_646 : vector<16x1xi32> to vector<16xi32>
    %gather3A_648 = tpu.dynamic_gather %select_n3A_440[%gather3A_647] in [0] : vector<16xi32>, vector<16xi32> -> vector<16xi32>
    %gt3A_649 = arith.cmpf ogt, %gather3A_645, %max3A_441 : vector<16xf32>
    %eq3A_650 = arith.cmpf oeq, %gather3A_645, %max3A_441 : vector<16xf32>
    %lt3A_651 = arith.cmpi slt, %gather3A_648, %select_n3A_440 : vector<16xi32>
    %and3A_652 = arith.andi %eq3A_650, %lt3A_651 : vector<16xi1>
    %or3A_653 = arith.ori %gt3A_649, %and3A_652 : vector<16xi1>
    %select_n3A_654 = arith.select %or3A_653, %gather3A_648, %select_n3A_440 : vector<16xi1>, vector<16xi32>
    %max3A_655 = arith.maximumf %max3A_441, %gather3A_645 : vector<16xf32>
    %broadcast_in_dim3A_656 = vector.shape_cast %and3A_642 : vector<16xi32> to vector<16x1xi32>
    %gather3A_657 = vector.shape_cast %broadcast_in_dim3A_656 : vector<16x1xi32> to vector<16xi32>
    %gather3A_658 = tpu.dynamic_gather %max3A_454[%gather3A_657] in [0] : vector<16xf32>, vector<16xi32> -> vector<16xf32>
    %broadcast_in_dim3A_659 = vector.shape_cast %and3A_642 : vector<16xi32> to vector<16x1xi32>
    %gather3A_660 = vector.shape_cast %broadcast_in_dim3A_659 : vector<16x1xi32> to vector<16xi32>
    %gather3A_661 = tpu.dynamic_gather %select_n3A_453[%gather3A_660] in [0] : vector<16xi32>, vector<16xi32> -> vector<16xi32>
    %gt3A_662 = arith.cmpf ogt, %gather3A_658, %max3A_454 : vector<16xf32>
    %eq3A_663 = arith.cmpf oeq, %gather3A_658, %max3A_454 : vector<16xf32>
    %lt3A_664 = arith.cmpi slt, %gather3A_661, %select_n3A_453 : vector<16xi32>
    %and3A_665 = arith.andi %eq3A_663, %lt3A_664 : vector<16xi1>
    %or3A_666 = arith.ori %gt3A_662, %and3A_665 : vector<16xi1>
    %select_n3A_667 = arith.select %or3A_666, %gather3A_661, %select_n3A_453 : vector<16xi1>, vector<16xi32>
    %max3A_668 = arith.maximumf %max3A_454, %gather3A_658 : vector<16xf32>
    %broadcast_in_dim3A_669 = vector.shape_cast %and3A_642 : vector<16xi32> to vector<16x1xi32>
    %gather3A_670 = vector.shape_cast %broadcast_in_dim3A_669 : vector<16x1xi32> to vector<16xi32>
    %gather3A_671 = tpu.dynamic_gather %max3A_467[%gather3A_670] in [0] : vector<16xf32>, vector<16xi32> -> vector<16xf32>
    %broadcast_in_dim3A_672 = vector.shape_cast %and3A_642 : vector<16xi32> to vector<16x1xi32>
    %gather3A_673 = vector.shape_cast %broadcast_in_dim3A_672 : vector<16x1xi32> to vector<16xi32>
    %gather3A_674 = tpu.dynamic_gather %select_n3A_466[%gather3A_673] in [0] : vector<16xi32>, vector<16xi32> -> vector<16xi32>
    %gt3A_675 = arith.cmpf ogt, %gather3A_671, %max3A_467 : vector<16xf32>
    %eq3A_676 = arith.cmpf oeq, %gather3A_671, %max3A_467 : vector<16xf32>
    %lt3A_677 = arith.cmpi slt, %gather3A_674, %select_n3A_466 : vector<16xi32>
    %and3A_678 = arith.andi %eq3A_676, %lt3A_677 : vector<16xi1>
    %or3A_679 = arith.ori %gt3A_675, %and3A_678 : vector<16xi1>
    %select_n3A_680 = arith.select %or3A_679, %gather3A_674, %select_n3A_466 : vector<16xi1>, vector<16xi32>
    %max3A_681 = arith.maximumf %max3A_467, %gather3A_671 : vector<16xf32>
    %broadcast_in_dim3A_682 = vector.shape_cast %and3A_642 : vector<16xi32> to vector<16x1xi32>
    %gather3A_683 = vector.shape_cast %broadcast_in_dim3A_682 : vector<16x1xi32> to vector<16xi32>
    %gather3A_684 = tpu.dynamic_gather %max3A_480[%gather3A_683] in [0] : vector<16xf32>, vector<16xi32> -> vector<16xf32>
    %broadcast_in_dim3A_685 = vector.shape_cast %and3A_642 : vector<16xi32> to vector<16x1xi32>
    %gather3A_686 = vector.shape_cast %broadcast_in_dim3A_685 : vector<16x1xi32> to vector<16xi32>
    %gather3A_687 = tpu.dynamic_gather %select_n3A_479[%gather3A_686] in [0] : vector<16xi32>, vector<16xi32> -> vector<16xi32>
    %gt3A_688 = arith.cmpf ogt, %gather3A_684, %max3A_480 : vector<16xf32>
    %eq3A_689 = arith.cmpf oeq, %gather3A_684, %max3A_480 : vector<16xf32>
    %lt3A_690 = arith.cmpi slt, %gather3A_687, %select_n3A_479 : vector<16xi32>
    %and3A_691 = arith.andi %eq3A_689, %lt3A_690 : vector<16xi1>
    %or3A_692 = arith.ori %gt3A_688, %and3A_691 : vector<16xi1>
    %select_n3A_693 = arith.select %or3A_692, %gather3A_687, %select_n3A_479 : vector<16xi1>, vector<16xi32>
    %max3A_694 = arith.maximumf %max3A_480, %gather3A_684 : vector<16xf32>
    %broadcast_in_dim3A_695 = vector.shape_cast %and3A_642 : vector<16xi32> to vector<16x1xi32>
    %gather3A_696 = vector.shape_cast %broadcast_in_dim3A_695 : vector<16x1xi32> to vector<16xi32>
    %gather3A_697 = tpu.dynamic_gather %max3A_493[%gather3A_696] in [0] : vector<16xf32>, vector<16xi32> -> vector<16xf32>
    %broadcast_in_dim3A_698 = vector.shape_cast %and3A_642 : vector<16xi32> to vector<16x1xi32>
    %gather3A_699 = vector.shape_cast %broadcast_in_dim3A_698 : vector<16x1xi32> to vector<16xi32>
    %gather3A_700 = tpu.dynamic_gather %select_n3A_492[%gather3A_699] in [0] : vector<16xi32>, vector<16xi32> -> vector<16xi32>
    %gt3A_701 = arith.cmpf ogt, %gather3A_697, %max3A_493 : vector<16xf32>
    %eq3A_702 = arith.cmpf oeq, %gather3A_697, %max3A_493 : vector<16xf32>
    %lt3A_703 = arith.cmpi slt, %gather3A_700, %select_n3A_492 : vector<16xi32>
    %and3A_704 = arith.andi %eq3A_702, %lt3A_703 : vector<16xi1>
    %or3A_705 = arith.ori %gt3A_701, %and3A_704 : vector<16xi1>
    %select_n3A_706 = arith.select %or3A_705, %gather3A_700, %select_n3A_492 : vector<16xi1>, vector<16xi32>
    %max3A_707 = arith.maximumf %max3A_493, %gather3A_697 : vector<16xf32>
    %broadcast_in_dim3A_708 = vector.shape_cast %and3A_642 : vector<16xi32> to vector<16x1xi32>
    %gather3A_709 = vector.shape_cast %broadcast_in_dim3A_708 : vector<16x1xi32> to vector<16xi32>
    %gather3A_710 = tpu.dynamic_gather %max3A_506[%gather3A_709] in [0] : vector<16xf32>, vector<16xi32> -> vector<16xf32>
    %broadcast_in_dim3A_711 = vector.shape_cast %and3A_642 : vector<16xi32> to vector<16x1xi32>
    %gather3A_712 = vector.shape_cast %broadcast_in_dim3A_711 : vector<16x1xi32> to vector<16xi32>
    %gather3A_713 = tpu.dynamic_gather %select_n3A_505[%gather3A_712] in [0] : vector<16xi32>, vector<16xi32> -> vector<16xi32>
    %gt3A_714 = arith.cmpf ogt, %gather3A_710, %max3A_506 : vector<16xf32>
    %eq3A_715 = arith.cmpf oeq, %gather3A_710, %max3A_506 : vector<16xf32>
    %lt3A_716 = arith.cmpi slt, %gather3A_713, %select_n3A_505 : vector<16xi32>
    %and3A_717 = arith.andi %eq3A_715, %lt3A_716 : vector<16xi1>
    %or3A_718 = arith.ori %gt3A_714, %and3A_717 : vector<16xi1>
    %select_n3A_719 = arith.select %or3A_718, %gather3A_713, %select_n3A_505 : vector<16xi1>, vector<16xi32>
    %max3A_720 = arith.maximumf %max3A_506, %gather3A_710 : vector<16xf32>
    %broadcast_in_dim3A_721 = vector.shape_cast %and3A_642 : vector<16xi32> to vector<16x1xi32>
    %gather3A_722 = vector.shape_cast %broadcast_in_dim3A_721 : vector<16x1xi32> to vector<16xi32>
    %gather3A_723 = tpu.dynamic_gather %max3A_519[%gather3A_722] in [0] : vector<16xf32>, vector<16xi32> -> vector<16xf32>
    %broadcast_in_dim3A_724 = vector.shape_cast %and3A_642 : vector<16xi32> to vector<16x1xi32>
    %gather3A_725 = vector.shape_cast %broadcast_in_dim3A_724 : vector<16x1xi32> to vector<16xi32>
    %gather3A_726 = tpu.dynamic_gather %select_n3A_518[%gather3A_725] in [0] : vector<16xi32>, vector<16xi32> -> vector<16xi32>
    %gt3A_727 = arith.cmpf ogt, %gather3A_723, %max3A_519 : vector<16xf32>
    %eq3A_728 = arith.cmpf oeq, %gather3A_723, %max3A_519 : vector<16xf32>
    %lt3A_729 = arith.cmpi slt, %gather3A_726, %select_n3A_518 : vector<16xi32>
    %and3A_730 = arith.andi %eq3A_728, %lt3A_729 : vector<16xi1>
    %or3A_731 = arith.ori %gt3A_727, %and3A_730 : vector<16xi1>
    %select_n3A_732 = arith.select %or3A_731, %gather3A_726, %select_n3A_518 : vector<16xi1>, vector<16xi32>
    %max3A_733 = arith.maximumf %max3A_519, %gather3A_723 : vector<16xf32>
    %broadcast_in_dim3A_734 = vector.shape_cast %and3A_642 : vector<16xi32> to vector<16x1xi32>
    %gather3A_735 = vector.shape_cast %broadcast_in_dim3A_734 : vector<16x1xi32> to vector<16xi32>
    %gather3A_736 = tpu.dynamic_gather %max3A_532[%gather3A_735] in [0] : vector<16xf32>, vector<16xi32> -> vector<16xf32>
    %broadcast_in_dim3A_737 = vector.shape_cast %and3A_642 : vector<16xi32> to vector<16x1xi32>
    %gather3A_738 = vector.shape_cast %broadcast_in_dim3A_737 : vector<16x1xi32> to vector<16xi32>
    %gather3A_739 = tpu.dynamic_gather %select_n3A_531[%gather3A_738] in [0] : vector<16xi32>, vector<16xi32> -> vector<16xi32>
    %gt3A_740 = arith.cmpf ogt, %gather3A_736, %max3A_532 : vector<16xf32>
    %eq3A_741 = arith.cmpf oeq, %gather3A_736, %max3A_532 : vector<16xf32>
    %lt3A_742 = arith.cmpi slt, %gather3A_739, %select_n3A_531 : vector<16xi32>
    %and3A_743 = arith.andi %eq3A_741, %lt3A_742 : vector<16xi1>
    %or3A_744 = arith.ori %gt3A_740, %and3A_743 : vector<16xi1>
    %select_n3A_745 = arith.select %or3A_744, %gather3A_739, %select_n3A_531 : vector<16xi1>, vector<16xi32>
    %max3A_746 = arith.maximumf %max3A_532, %gather3A_736 : vector<16xf32>
    %broadcast_in_dim3A_747 = vector.shape_cast %and3A_642 : vector<16xi32> to vector<16x1xi32>
    %gather3A_748 = vector.shape_cast %broadcast_in_dim3A_747 : vector<16x1xi32> to vector<16xi32>
    %gather3A_749 = tpu.dynamic_gather %max3A_545[%gather3A_748] in [0] : vector<16xf32>, vector<16xi32> -> vector<16xf32>
    %broadcast_in_dim3A_750 = vector.shape_cast %and3A_642 : vector<16xi32> to vector<16x1xi32>
    %gather3A_751 = vector.shape_cast %broadcast_in_dim3A_750 : vector<16x1xi32> to vector<16xi32>
    %gather3A_752 = tpu.dynamic_gather %select_n3A_544[%gather3A_751] in [0] : vector<16xi32>, vector<16xi32> -> vector<16xi32>
    %gt3A_753 = arith.cmpf ogt, %gather3A_749, %max3A_545 : vector<16xf32>
    %eq3A_754 = arith.cmpf oeq, %gather3A_749, %max3A_545 : vector<16xf32>
    %lt3A_755 = arith.cmpi slt, %gather3A_752, %select_n3A_544 : vector<16xi32>
    %and3A_756 = arith.andi %eq3A_754, %lt3A_755 : vector<16xi1>
    %or3A_757 = arith.ori %gt3A_753, %and3A_756 : vector<16xi1>
    %select_n3A_758 = arith.select %or3A_757, %gather3A_752, %select_n3A_544 : vector<16xi1>, vector<16xi32>
    %max3A_759 = arith.maximumf %max3A_545, %gather3A_749 : vector<16xf32>
    %broadcast_in_dim3A_760 = vector.shape_cast %and3A_642 : vector<16xi32> to vector<16x1xi32>
    %gather3A_761 = vector.shape_cast %broadcast_in_dim3A_760 : vector<16x1xi32> to vector<16xi32>
    %gather3A_762 = tpu.dynamic_gather %max3A_558[%gather3A_761] in [0] : vector<16xf32>, vector<16xi32> -> vector<16xf32>
    %broadcast_in_dim3A_763 = vector.shape_cast %and3A_642 : vector<16xi32> to vector<16x1xi32>
    %gather3A_764 = vector.shape_cast %broadcast_in_dim3A_763 : vector<16x1xi32> to vector<16xi32>
    %gather3A_765 = tpu.dynamic_gather %select_n3A_557[%gather3A_764] in [0] : vector<16xi32>, vector<16xi32> -> vector<16xi32>
    %gt3A_766 = arith.cmpf ogt, %gather3A_762, %max3A_558 : vector<16xf32>
    %eq3A_767 = arith.cmpf oeq, %gather3A_762, %max3A_558 : vector<16xf32>
    %lt3A_768 = arith.cmpi slt, %gather3A_765, %select_n3A_557 : vector<16xi32>
    %and3A_769 = arith.andi %eq3A_767, %lt3A_768 : vector<16xi1>
    %or3A_770 = arith.ori %gt3A_766, %and3A_769 : vector<16xi1>
    %select_n3A_771 = arith.select %or3A_770, %gather3A_765, %select_n3A_557 : vector<16xi1>, vector<16xi32>
    %max3A_772 = arith.maximumf %max3A_558, %gather3A_762 : vector<16xf32>
    %broadcast_in_dim3A_773 = vector.shape_cast %and3A_642 : vector<16xi32> to vector<16x1xi32>
    %gather3A_774 = vector.shape_cast %broadcast_in_dim3A_773 : vector<16x1xi32> to vector<16xi32>
    %gather3A_775 = tpu.dynamic_gather %max3A_571[%gather3A_774] in [0] : vector<16xf32>, vector<16xi32> -> vector<16xf32>
    %broadcast_in_dim3A_776 = vector.shape_cast %and3A_642 : vector<16xi32> to vector<16x1xi32>
    %gather3A_777 = vector.shape_cast %broadcast_in_dim3A_776 : vector<16x1xi32> to vector<16xi32>
    %gather3A_778 = tpu.dynamic_gather %select_n3A_570[%gather3A_777] in [0] : vector<16xi32>, vector<16xi32> -> vector<16xi32>
    %gt3A_779 = arith.cmpf ogt, %gather3A_775, %max3A_571 : vector<16xf32>
    %eq3A_780 = arith.cmpf oeq, %gather3A_775, %max3A_571 : vector<16xf32>
    %lt3A_781 = arith.cmpi slt, %gather3A_778, %select_n3A_570 : vector<16xi32>
    %and3A_782 = arith.andi %eq3A_780, %lt3A_781 : vector<16xi1>
    %or3A_783 = arith.ori %gt3A_779, %and3A_782 : vector<16xi1>
    %select_n3A_784 = arith.select %or3A_783, %gather3A_778, %select_n3A_570 : vector<16xi1>, vector<16xi32>
    %max3A_785 = arith.maximumf %max3A_571, %gather3A_775 : vector<16xf32>
    %broadcast_in_dim3A_786 = vector.shape_cast %and3A_642 : vector<16xi32> to vector<16x1xi32>
    %gather3A_787 = vector.shape_cast %broadcast_in_dim3A_786 : vector<16x1xi32> to vector<16xi32>
    %gather3A_788 = tpu.dynamic_gather %max3A_584[%gather3A_787] in [0] : vector<16xf32>, vector<16xi32> -> vector<16xf32>
    %broadcast_in_dim3A_789 = vector.shape_cast %and3A_642 : vector<16xi32> to vector<16x1xi32>
    %gather3A_790 = vector.shape_cast %broadcast_in_dim3A_789 : vector<16x1xi32> to vector<16xi32>
    %gather3A_791 = tpu.dynamic_gather %select_n3A_583[%gather3A_790] in [0] : vector<16xi32>, vector<16xi32> -> vector<16xi32>
    %gt3A_792 = arith.cmpf ogt, %gather3A_788, %max3A_584 : vector<16xf32>
    %eq3A_793 = arith.cmpf oeq, %gather3A_788, %max3A_584 : vector<16xf32>
    %lt3A_794 = arith.cmpi slt, %gather3A_791, %select_n3A_583 : vector<16xi32>
    %and3A_795 = arith.andi %eq3A_793, %lt3A_794 : vector<16xi1>
    %or3A_796 = arith.ori %gt3A_792, %and3A_795 : vector<16xi1>
    %select_n3A_797 = arith.select %or3A_796, %gather3A_791, %select_n3A_583 : vector<16xi1>, vector<16xi32>
    %max3A_798 = arith.maximumf %max3A_584, %gather3A_788 : vector<16xf32>
    %broadcast_in_dim3A_799 = vector.shape_cast %and3A_642 : vector<16xi32> to vector<16x1xi32>
    %gather3A_800 = vector.shape_cast %broadcast_in_dim3A_799 : vector<16x1xi32> to vector<16xi32>
    %gather3A_801 = tpu.dynamic_gather %max3A_597[%gather3A_800] in [0] : vector<16xf32>, vector<16xi32> -> vector<16xf32>
    %broadcast_in_dim3A_802 = vector.shape_cast %and3A_642 : vector<16xi32> to vector<16x1xi32>
    %gather3A_803 = vector.shape_cast %broadcast_in_dim3A_802 : vector<16x1xi32> to vector<16xi32>
    %gather3A_804 = tpu.dynamic_gather %select_n3A_596[%gather3A_803] in [0] : vector<16xi32>, vector<16xi32> -> vector<16xi32>
    %gt3A_805 = arith.cmpf ogt, %gather3A_801, %max3A_597 : vector<16xf32>
    %eq3A_806 = arith.cmpf oeq, %gather3A_801, %max3A_597 : vector<16xf32>
    %lt3A_807 = arith.cmpi slt, %gather3A_804, %select_n3A_596 : vector<16xi32>
    %and3A_808 = arith.andi %eq3A_806, %lt3A_807 : vector<16xi1>
    %or3A_809 = arith.ori %gt3A_805, %and3A_808 : vector<16xi1>
    %select_n3A_810 = arith.select %or3A_809, %gather3A_804, %select_n3A_596 : vector<16xi1>, vector<16xi32>
    %max3A_811 = arith.maximumf %max3A_597, %gather3A_801 : vector<16xf32>
    %broadcast_in_dim3A_812 = vector.shape_cast %and3A_642 : vector<16xi32> to vector<16x1xi32>
    %gather3A_813 = vector.shape_cast %broadcast_in_dim3A_812 : vector<16x1xi32> to vector<16xi32>
    %gather3A_814 = tpu.dynamic_gather %max3A_610[%gather3A_813] in [0] : vector<16xf32>, vector<16xi32> -> vector<16xf32>
    %broadcast_in_dim3A_815 = vector.shape_cast %and3A_642 : vector<16xi32> to vector<16x1xi32>
    %gather3A_816 = vector.shape_cast %broadcast_in_dim3A_815 : vector<16x1xi32> to vector<16xi32>
    %gather3A_817 = tpu.dynamic_gather %select_n3A_609[%gather3A_816] in [0] : vector<16xi32>, vector<16xi32> -> vector<16xi32>
    %gt3A_818 = arith.cmpf ogt, %gather3A_814, %max3A_610 : vector<16xf32>
    %eq3A_819 = arith.cmpf oeq, %gather3A_814, %max3A_610 : vector<16xf32>
    %lt3A_820 = arith.cmpi slt, %gather3A_817, %select_n3A_609 : vector<16xi32>
    %and3A_821 = arith.andi %eq3A_819, %lt3A_820 : vector<16xi1>
    %or3A_822 = arith.ori %gt3A_818, %and3A_821 : vector<16xi1>
    %select_n3A_823 = arith.select %or3A_822, %gather3A_817, %select_n3A_609 : vector<16xi1>, vector<16xi32>
    %max3A_824 = arith.maximumf %max3A_610, %gather3A_814 : vector<16xf32>
    %broadcast_in_dim3A_825 = vector.shape_cast %and3A_642 : vector<16xi32> to vector<16x1xi32>
    %gather3A_826 = vector.shape_cast %broadcast_in_dim3A_825 : vector<16x1xi32> to vector<16xi32>
    %gather3A_827 = tpu.dynamic_gather %max3A_623[%gather3A_826] in [0] : vector<16xf32>, vector<16xi32> -> vector<16xf32>
    %broadcast_in_dim3A_828 = vector.shape_cast %and3A_642 : vector<16xi32> to vector<16x1xi32>
    %gather3A_829 = vector.shape_cast %broadcast_in_dim3A_828 : vector<16x1xi32> to vector<16xi32>
    %gather3A_830 = tpu.dynamic_gather %select_n3A_622[%gather3A_829] in [0] : vector<16xi32>, vector<16xi32> -> vector<16xi32>
    %gt3A_831 = arith.cmpf ogt, %gather3A_827, %max3A_623 : vector<16xf32>
    %eq3A_832 = arith.cmpf oeq, %gather3A_827, %max3A_623 : vector<16xf32>
    %lt3A_833 = arith.cmpi slt, %gather3A_830, %select_n3A_622 : vector<16xi32>
    %and3A_834 = arith.andi %eq3A_832, %lt3A_833 : vector<16xi1>
    %or3A_835 = arith.ori %gt3A_831, %and3A_834 : vector<16xi1>
    %select_n3A_836 = arith.select %or3A_835, %gather3A_830, %select_n3A_622 : vector<16xi1>, vector<16xi32>
    %max3A_837 = arith.maximumf %max3A_623, %gather3A_827 : vector<16xf32>
    %broadcast_in_dim3A_838 = vector.shape_cast %and3A_642 : vector<16xi32> to vector<16x1xi32>
    %gather3A_839 = vector.shape_cast %broadcast_in_dim3A_838 : vector<16x1xi32> to vector<16xi32>
    %gather3A_840 = tpu.dynamic_gather %max3A_636[%gather3A_839] in [0] : vector<16xf32>, vector<16xi32> -> vector<16xf32>
    %broadcast_in_dim3A_841 = vector.shape_cast %and3A_642 : vector<16xi32> to vector<16x1xi32>
    %gather3A_842 = vector.shape_cast %broadcast_in_dim3A_841 : vector<16x1xi32> to vector<16xi32>
    %gather3A_843 = tpu.dynamic_gather %select_n3A_635[%gather3A_842] in [0] : vector<16xi32>, vector<16xi32> -> vector<16xi32>
    %gt3A_844 = arith.cmpf ogt, %gather3A_840, %max3A_636 : vector<16xf32>
    %eq3A_845 = arith.cmpf oeq, %gather3A_840, %max3A_636 : vector<16xf32>
    %lt3A_846 = arith.cmpi slt, %gather3A_843, %select_n3A_635 : vector<16xi32>
    %and3A_847 = arith.andi %eq3A_845, %lt3A_846 : vector<16xi1>
    %or3A_848 = arith.ori %gt3A_844, %and3A_847 : vector<16xi1>
    %select_n3A_849 = arith.select %or3A_848, %gather3A_843, %select_n3A_635 : vector<16xi1>, vector<16xi32>
    %max3A_850 = arith.maximumf %max3A_636, %gather3A_840 : vector<16xf32>
    %add3A_851 = arith.constant 1 : i32
    %add3A_852 = vector.broadcast %add3A_851 : i32 to vector<16xi32>
    %add3A_853 = arith.addi %iota3A, %add3A_852 : vector<16xi32>
    %and3A_854 = arith.constant 15 : i32
    %and3A_855 = vector.broadcast %and3A_854 : i32 to vector<16xi32>
    %and3A_856 = arith.andi %add3A_853, %and3A_855 : vector<16xi32>
    %broadcast_in_dim3A_857 = vector.shape_cast %and3A_856 : vector<16xi32> to vector<16x1xi32>
    %gather3A_858 = vector.shape_cast %broadcast_in_dim3A_857 : vector<16x1xi32> to vector<16xi32>
    %gather3A_859 = tpu.dynamic_gather %max3A_655[%gather3A_858] in [0] : vector<16xf32>, vector<16xi32> -> vector<16xf32>
    %broadcast_in_dim3A_860 = vector.shape_cast %and3A_856 : vector<16xi32> to vector<16x1xi32>
    %gather3A_861 = vector.shape_cast %broadcast_in_dim3A_860 : vector<16x1xi32> to vector<16xi32>
    %gather3A_862 = tpu.dynamic_gather %select_n3A_654[%gather3A_861] in [0] : vector<16xi32>, vector<16xi32> -> vector<16xi32>
    %gt3A_863 = arith.cmpf ogt, %gather3A_859, %max3A_655 : vector<16xf32>
    %eq3A_864 = arith.cmpf oeq, %gather3A_859, %max3A_655 : vector<16xf32>
    %lt3A_865 = arith.cmpi slt, %gather3A_862, %select_n3A_654 : vector<16xi32>
    %and3A_866 = arith.andi %eq3A_864, %lt3A_865 : vector<16xi1>
    %or3A_867 = arith.ori %gt3A_863, %and3A_866 : vector<16xi1>
    %select_n3A_868 = arith.select %or3A_867, %gather3A_862, %select_n3A_654 : vector<16xi1>, vector<16xi32>
    %max3A_869 = arith.maximumf %max3A_655, %gather3A_859 : vector<16xf32>
    %broadcast_in_dim3A_870 = vector.shape_cast %and3A_856 : vector<16xi32> to vector<16x1xi32>
    %gather3A_871 = vector.shape_cast %broadcast_in_dim3A_870 : vector<16x1xi32> to vector<16xi32>
    %gather3A_872 = tpu.dynamic_gather %max3A_668[%gather3A_871] in [0] : vector<16xf32>, vector<16xi32> -> vector<16xf32>
    %broadcast_in_dim3A_873 = vector.shape_cast %and3A_856 : vector<16xi32> to vector<16x1xi32>
    %gather3A_874 = vector.shape_cast %broadcast_in_dim3A_873 : vector<16x1xi32> to vector<16xi32>
    %gather3A_875 = tpu.dynamic_gather %select_n3A_667[%gather3A_874] in [0] : vector<16xi32>, vector<16xi32> -> vector<16xi32>
    %gt3A_876 = arith.cmpf ogt, %gather3A_872, %max3A_668 : vector<16xf32>
    %eq3A_877 = arith.cmpf oeq, %gather3A_872, %max3A_668 : vector<16xf32>
    %lt3A_878 = arith.cmpi slt, %gather3A_875, %select_n3A_667 : vector<16xi32>
    %and3A_879 = arith.andi %eq3A_877, %lt3A_878 : vector<16xi1>
    %or3A_880 = arith.ori %gt3A_876, %and3A_879 : vector<16xi1>
    %select_n3A_881 = arith.select %or3A_880, %gather3A_875, %select_n3A_667 : vector<16xi1>, vector<16xi32>
    %max3A_882 = arith.maximumf %max3A_668, %gather3A_872 : vector<16xf32>
    %broadcast_in_dim3A_883 = vector.shape_cast %and3A_856 : vector<16xi32> to vector<16x1xi32>
    %gather3A_884 = vector.shape_cast %broadcast_in_dim3A_883 : vector<16x1xi32> to vector<16xi32>
    %gather3A_885 = tpu.dynamic_gather %max3A_681[%gather3A_884] in [0] : vector<16xf32>, vector<16xi32> -> vector<16xf32>
    %broadcast_in_dim3A_886 = vector.shape_cast %and3A_856 : vector<16xi32> to vector<16x1xi32>
    %gather3A_887 = vector.shape_cast %broadcast_in_dim3A_886 : vector<16x1xi32> to vector<16xi32>
    %gather3A_888 = tpu.dynamic_gather %select_n3A_680[%gather3A_887] in [0] : vector<16xi32>, vector<16xi32> -> vector<16xi32>
    %gt3A_889 = arith.cmpf ogt, %gather3A_885, %max3A_681 : vector<16xf32>
    %eq3A_890 = arith.cmpf oeq, %gather3A_885, %max3A_681 : vector<16xf32>
    %lt3A_891 = arith.cmpi slt, %gather3A_888, %select_n3A_680 : vector<16xi32>
    %and3A_892 = arith.andi %eq3A_890, %lt3A_891 : vector<16xi1>
    %or3A_893 = arith.ori %gt3A_889, %and3A_892 : vector<16xi1>
    %select_n3A_894 = arith.select %or3A_893, %gather3A_888, %select_n3A_680 : vector<16xi1>, vector<16xi32>
    %max3A_895 = arith.maximumf %max3A_681, %gather3A_885 : vector<16xf32>
    %broadcast_in_dim3A_896 = vector.shape_cast %and3A_856 : vector<16xi32> to vector<16x1xi32>
    %gather3A_897 = vector.shape_cast %broadcast_in_dim3A_896 : vector<16x1xi32> to vector<16xi32>
    %gather3A_898 = tpu.dynamic_gather %max3A_694[%gather3A_897] in [0] : vector<16xf32>, vector<16xi32> -> vector<16xf32>
    %broadcast_in_dim3A_899 = vector.shape_cast %and3A_856 : vector<16xi32> to vector<16x1xi32>
    %gather3A_900 = vector.shape_cast %broadcast_in_dim3A_899 : vector<16x1xi32> to vector<16xi32>
    %gather3A_901 = tpu.dynamic_gather %select_n3A_693[%gather3A_900] in [0] : vector<16xi32>, vector<16xi32> -> vector<16xi32>
    %gt3A_902 = arith.cmpf ogt, %gather3A_898, %max3A_694 : vector<16xf32>
    %eq3A_903 = arith.cmpf oeq, %gather3A_898, %max3A_694 : vector<16xf32>
    %lt3A_904 = arith.cmpi slt, %gather3A_901, %select_n3A_693 : vector<16xi32>
    %and3A_905 = arith.andi %eq3A_903, %lt3A_904 : vector<16xi1>
    %or3A_906 = arith.ori %gt3A_902, %and3A_905 : vector<16xi1>
    %select_n3A_907 = arith.select %or3A_906, %gather3A_901, %select_n3A_693 : vector<16xi1>, vector<16xi32>
    %max3A_908 = arith.maximumf %max3A_694, %gather3A_898 : vector<16xf32>
    %broadcast_in_dim3A_909 = vector.shape_cast %and3A_856 : vector<16xi32> to vector<16x1xi32>
    %gather3A_910 = vector.shape_cast %broadcast_in_dim3A_909 : vector<16x1xi32> to vector<16xi32>
    %gather3A_911 = tpu.dynamic_gather %max3A_707[%gather3A_910] in [0] : vector<16xf32>, vector<16xi32> -> vector<16xf32>
    %broadcast_in_dim3A_912 = vector.shape_cast %and3A_856 : vector<16xi32> to vector<16x1xi32>
    %gather3A_913 = vector.shape_cast %broadcast_in_dim3A_912 : vector<16x1xi32> to vector<16xi32>
    %gather3A_914 = tpu.dynamic_gather %select_n3A_706[%gather3A_913] in [0] : vector<16xi32>, vector<16xi32> -> vector<16xi32>
    %gt3A_915 = arith.cmpf ogt, %gather3A_911, %max3A_707 : vector<16xf32>
    %eq3A_916 = arith.cmpf oeq, %gather3A_911, %max3A_707 : vector<16xf32>
    %lt3A_917 = arith.cmpi slt, %gather3A_914, %select_n3A_706 : vector<16xi32>
    %and3A_918 = arith.andi %eq3A_916, %lt3A_917 : vector<16xi1>
    %or3A_919 = arith.ori %gt3A_915, %and3A_918 : vector<16xi1>
    %select_n3A_920 = arith.select %or3A_919, %gather3A_914, %select_n3A_706 : vector<16xi1>, vector<16xi32>
    %max3A_921 = arith.maximumf %max3A_707, %gather3A_911 : vector<16xf32>
    %broadcast_in_dim3A_922 = vector.shape_cast %and3A_856 : vector<16xi32> to vector<16x1xi32>
    %gather3A_923 = vector.shape_cast %broadcast_in_dim3A_922 : vector<16x1xi32> to vector<16xi32>
    %gather3A_924 = tpu.dynamic_gather %max3A_720[%gather3A_923] in [0] : vector<16xf32>, vector<16xi32> -> vector<16xf32>
    %broadcast_in_dim3A_925 = vector.shape_cast %and3A_856 : vector<16xi32> to vector<16x1xi32>
    %gather3A_926 = vector.shape_cast %broadcast_in_dim3A_925 : vector<16x1xi32> to vector<16xi32>
    %gather3A_927 = tpu.dynamic_gather %select_n3A_719[%gather3A_926] in [0] : vector<16xi32>, vector<16xi32> -> vector<16xi32>
    %gt3A_928 = arith.cmpf ogt, %gather3A_924, %max3A_720 : vector<16xf32>
    %eq3A_929 = arith.cmpf oeq, %gather3A_924, %max3A_720 : vector<16xf32>
    %lt3A_930 = arith.cmpi slt, %gather3A_927, %select_n3A_719 : vector<16xi32>
    %and3A_931 = arith.andi %eq3A_929, %lt3A_930 : vector<16xi1>
    %or3A_932 = arith.ori %gt3A_928, %and3A_931 : vector<16xi1>
    %select_n3A_933 = arith.select %or3A_932, %gather3A_927, %select_n3A_719 : vector<16xi1>, vector<16xi32>
    %max3A_934 = arith.maximumf %max3A_720, %gather3A_924 : vector<16xf32>
    %broadcast_in_dim3A_935 = vector.shape_cast %and3A_856 : vector<16xi32> to vector<16x1xi32>
    %gather3A_936 = vector.shape_cast %broadcast_in_dim3A_935 : vector<16x1xi32> to vector<16xi32>
    %gather3A_937 = tpu.dynamic_gather %max3A_733[%gather3A_936] in [0] : vector<16xf32>, vector<16xi32> -> vector<16xf32>
    %broadcast_in_dim3A_938 = vector.shape_cast %and3A_856 : vector<16xi32> to vector<16x1xi32>
    %gather3A_939 = vector.shape_cast %broadcast_in_dim3A_938 : vector<16x1xi32> to vector<16xi32>
    %gather3A_940 = tpu.dynamic_gather %select_n3A_732[%gather3A_939] in [0] : vector<16xi32>, vector<16xi32> -> vector<16xi32>
    %gt3A_941 = arith.cmpf ogt, %gather3A_937, %max3A_733 : vector<16xf32>
    %eq3A_942 = arith.cmpf oeq, %gather3A_937, %max3A_733 : vector<16xf32>
    %lt3A_943 = arith.cmpi slt, %gather3A_940, %select_n3A_732 : vector<16xi32>
    %and3A_944 = arith.andi %eq3A_942, %lt3A_943 : vector<16xi1>
    %or3A_945 = arith.ori %gt3A_941, %and3A_944 : vector<16xi1>
    %select_n3A_946 = arith.select %or3A_945, %gather3A_940, %select_n3A_732 : vector<16xi1>, vector<16xi32>
    %max3A_947 = arith.maximumf %max3A_733, %gather3A_937 : vector<16xf32>
    %broadcast_in_dim3A_948 = vector.shape_cast %and3A_856 : vector<16xi32> to vector<16x1xi32>
    %gather3A_949 = vector.shape_cast %broadcast_in_dim3A_948 : vector<16x1xi32> to vector<16xi32>
    %gather3A_950 = tpu.dynamic_gather %max3A_746[%gather3A_949] in [0] : vector<16xf32>, vector<16xi32> -> vector<16xf32>
    %broadcast_in_dim3A_951 = vector.shape_cast %and3A_856 : vector<16xi32> to vector<16x1xi32>
    %gather3A_952 = vector.shape_cast %broadcast_in_dim3A_951 : vector<16x1xi32> to vector<16xi32>
    %gather3A_953 = tpu.dynamic_gather %select_n3A_745[%gather3A_952] in [0] : vector<16xi32>, vector<16xi32> -> vector<16xi32>
    %gt3A_954 = arith.cmpf ogt, %gather3A_950, %max3A_746 : vector<16xf32>
    %eq3A_955 = arith.cmpf oeq, %gather3A_950, %max3A_746 : vector<16xf32>
    %lt3A_956 = arith.cmpi slt, %gather3A_953, %select_n3A_745 : vector<16xi32>
    %and3A_957 = arith.andi %eq3A_955, %lt3A_956 : vector<16xi1>
    %or3A_958 = arith.ori %gt3A_954, %and3A_957 : vector<16xi1>
    %select_n3A_959 = arith.select %or3A_958, %gather3A_953, %select_n3A_745 : vector<16xi1>, vector<16xi32>
    %max3A_960 = arith.maximumf %max3A_746, %gather3A_950 : vector<16xf32>
    %broadcast_in_dim3A_961 = vector.shape_cast %and3A_856 : vector<16xi32> to vector<16x1xi32>
    %gather3A_962 = vector.shape_cast %broadcast_in_dim3A_961 : vector<16x1xi32> to vector<16xi32>
    %gather3A_963 = tpu.dynamic_gather %max3A_759[%gather3A_962] in [0] : vector<16xf32>, vector<16xi32> -> vector<16xf32>
    %broadcast_in_dim3A_964 = vector.shape_cast %and3A_856 : vector<16xi32> to vector<16x1xi32>
    %gather3A_965 = vector.shape_cast %broadcast_in_dim3A_964 : vector<16x1xi32> to vector<16xi32>
    %gather3A_966 = tpu.dynamic_gather %select_n3A_758[%gather3A_965] in [0] : vector<16xi32>, vector<16xi32> -> vector<16xi32>
    %gt3A_967 = arith.cmpf ogt, %gather3A_963, %max3A_759 : vector<16xf32>
    %eq3A_968 = arith.cmpf oeq, %gather3A_963, %max3A_759 : vector<16xf32>
    %lt3A_969 = arith.cmpi slt, %gather3A_966, %select_n3A_758 : vector<16xi32>
    %and3A_970 = arith.andi %eq3A_968, %lt3A_969 : vector<16xi1>
    %or3A_971 = arith.ori %gt3A_967, %and3A_970 : vector<16xi1>
    %select_n3A_972 = arith.select %or3A_971, %gather3A_966, %select_n3A_758 : vector<16xi1>, vector<16xi32>
    %max3A_973 = arith.maximumf %max3A_759, %gather3A_963 : vector<16xf32>
    %broadcast_in_dim3A_974 = vector.shape_cast %and3A_856 : vector<16xi32> to vector<16x1xi32>
    %gather3A_975 = vector.shape_cast %broadcast_in_dim3A_974 : vector<16x1xi32> to vector<16xi32>
    %gather3A_976 = tpu.dynamic_gather %max3A_772[%gather3A_975] in [0] : vector<16xf32>, vector<16xi32> -> vector<16xf32>
    %broadcast_in_dim3A_977 = vector.shape_cast %and3A_856 : vector<16xi32> to vector<16x1xi32>
    %gather3A_978 = vector.shape_cast %broadcast_in_dim3A_977 : vector<16x1xi32> to vector<16xi32>
    %gather3A_979 = tpu.dynamic_gather %select_n3A_771[%gather3A_978] in [0] : vector<16xi32>, vector<16xi32> -> vector<16xi32>
    %gt3A_980 = arith.cmpf ogt, %gather3A_976, %max3A_772 : vector<16xf32>
    %eq3A_981 = arith.cmpf oeq, %gather3A_976, %max3A_772 : vector<16xf32>
    %lt3A_982 = arith.cmpi slt, %gather3A_979, %select_n3A_771 : vector<16xi32>
    %and3A_983 = arith.andi %eq3A_981, %lt3A_982 : vector<16xi1>
    %or3A_984 = arith.ori %gt3A_980, %and3A_983 : vector<16xi1>
    %select_n3A_985 = arith.select %or3A_984, %gather3A_979, %select_n3A_771 : vector<16xi1>, vector<16xi32>
    %max3A_986 = arith.maximumf %max3A_772, %gather3A_976 : vector<16xf32>
    %broadcast_in_dim3A_987 = vector.shape_cast %and3A_856 : vector<16xi32> to vector<16x1xi32>
    %gather3A_988 = vector.shape_cast %broadcast_in_dim3A_987 : vector<16x1xi32> to vector<16xi32>
    %gather3A_989 = tpu.dynamic_gather %max3A_785[%gather3A_988] in [0] : vector<16xf32>, vector<16xi32> -> vector<16xf32>
    %broadcast_in_dim3A_990 = vector.shape_cast %and3A_856 : vector<16xi32> to vector<16x1xi32>
    %gather3A_991 = vector.shape_cast %broadcast_in_dim3A_990 : vector<16x1xi32> to vector<16xi32>
    %gather3A_992 = tpu.dynamic_gather %select_n3A_784[%gather3A_991] in [0] : vector<16xi32>, vector<16xi32> -> vector<16xi32>
    %gt3A_993 = arith.cmpf ogt, %gather3A_989, %max3A_785 : vector<16xf32>
    %eq3A_994 = arith.cmpf oeq, %gather3A_989, %max3A_785 : vector<16xf32>
    %lt3A_995 = arith.cmpi slt, %gather3A_992, %select_n3A_784 : vector<16xi32>
    %and3A_996 = arith.andi %eq3A_994, %lt3A_995 : vector<16xi1>
    %or3A_997 = arith.ori %gt3A_993, %and3A_996 : vector<16xi1>
    %select_n3A_998 = arith.select %or3A_997, %gather3A_992, %select_n3A_784 : vector<16xi1>, vector<16xi32>
    %max3A_999 = arith.maximumf %max3A_785, %gather3A_989 : vector<16xf32>
    %broadcast_in_dim3A_1000 = vector.shape_cast %and3A_856 : vector<16xi32> to vector<16x1xi32>
    %gather3A_1001 = vector.shape_cast %broadcast_in_dim3A_1000 : vector<16x1xi32> to vector<16xi32>
    %gather3A_1002 = tpu.dynamic_gather %max3A_798[%gather3A_1001] in [0] : vector<16xf32>, vector<16xi32> -> vector<16xf32>
    %broadcast_in_dim3A_1003 = vector.shape_cast %and3A_856 : vector<16xi32> to vector<16x1xi32>
    %gather3A_1004 = vector.shape_cast %broadcast_in_dim3A_1003 : vector<16x1xi32> to vector<16xi32>
    %gather3A_1005 = tpu.dynamic_gather %select_n3A_797[%gather3A_1004] in [0] : vector<16xi32>, vector<16xi32> -> vector<16xi32>
    %gt3A_1006 = arith.cmpf ogt, %gather3A_1002, %max3A_798 : vector<16xf32>
    %eq3A_1007 = arith.cmpf oeq, %gather3A_1002, %max3A_798 : vector<16xf32>
    %lt3A_1008 = arith.cmpi slt, %gather3A_1005, %select_n3A_797 : vector<16xi32>
    %and3A_1009 = arith.andi %eq3A_1007, %lt3A_1008 : vector<16xi1>
    %or3A_1010 = arith.ori %gt3A_1006, %and3A_1009 : vector<16xi1>
    %select_n3A_1011 = arith.select %or3A_1010, %gather3A_1005, %select_n3A_797 : vector<16xi1>, vector<16xi32>
    %max3A_1012 = arith.maximumf %max3A_798, %gather3A_1002 : vector<16xf32>
    %broadcast_in_dim3A_1013 = vector.shape_cast %and3A_856 : vector<16xi32> to vector<16x1xi32>
    %gather3A_1014 = vector.shape_cast %broadcast_in_dim3A_1013 : vector<16x1xi32> to vector<16xi32>
    %gather3A_1015 = tpu.dynamic_gather %max3A_811[%gather3A_1014] in [0] : vector<16xf32>, vector<16xi32> -> vector<16xf32>
    %broadcast_in_dim3A_1016 = vector.shape_cast %and3A_856 : vector<16xi32> to vector<16x1xi32>
    %gather3A_1017 = vector.shape_cast %broadcast_in_dim3A_1016 : vector<16x1xi32> to vector<16xi32>
    %gather3A_1018 = tpu.dynamic_gather %select_n3A_810[%gather3A_1017] in [0] : vector<16xi32>, vector<16xi32> -> vector<16xi32>
    %gt3A_1019 = arith.cmpf ogt, %gather3A_1015, %max3A_811 : vector<16xf32>
    %eq3A_1020 = arith.cmpf oeq, %gather3A_1015, %max3A_811 : vector<16xf32>
    %lt3A_1021 = arith.cmpi slt, %gather3A_1018, %select_n3A_810 : vector<16xi32>
    %and3A_1022 = arith.andi %eq3A_1020, %lt3A_1021 : vector<16xi1>
    %or3A_1023 = arith.ori %gt3A_1019, %and3A_1022 : vector<16xi1>
    %select_n3A_1024 = arith.select %or3A_1023, %gather3A_1018, %select_n3A_810 : vector<16xi1>, vector<16xi32>
    %max3A_1025 = arith.maximumf %max3A_811, %gather3A_1015 : vector<16xf32>
    %broadcast_in_dim3A_1026 = vector.shape_cast %and3A_856 : vector<16xi32> to vector<16x1xi32>
    %gather3A_1027 = vector.shape_cast %broadcast_in_dim3A_1026 : vector<16x1xi32> to vector<16xi32>
    %gather3A_1028 = tpu.dynamic_gather %max3A_824[%gather3A_1027] in [0] : vector<16xf32>, vector<16xi32> -> vector<16xf32>
    %broadcast_in_dim3A_1029 = vector.shape_cast %and3A_856 : vector<16xi32> to vector<16x1xi32>
    %gather3A_1030 = vector.shape_cast %broadcast_in_dim3A_1029 : vector<16x1xi32> to vector<16xi32>
    %gather3A_1031 = tpu.dynamic_gather %select_n3A_823[%gather3A_1030] in [0] : vector<16xi32>, vector<16xi32> -> vector<16xi32>
    %gt3A_1032 = arith.cmpf ogt, %gather3A_1028, %max3A_824 : vector<16xf32>
    %eq3A_1033 = arith.cmpf oeq, %gather3A_1028, %max3A_824 : vector<16xf32>
    %lt3A_1034 = arith.cmpi slt, %gather3A_1031, %select_n3A_823 : vector<16xi32>
    %and3A_1035 = arith.andi %eq3A_1033, %lt3A_1034 : vector<16xi1>
    %or3A_1036 = arith.ori %gt3A_1032, %and3A_1035 : vector<16xi1>
    %select_n3A_1037 = arith.select %or3A_1036, %gather3A_1031, %select_n3A_823 : vector<16xi1>, vector<16xi32>
    %max3A_1038 = arith.maximumf %max3A_824, %gather3A_1028 : vector<16xf32>
    %broadcast_in_dim3A_1039 = vector.shape_cast %and3A_856 : vector<16xi32> to vector<16x1xi32>
    %gather3A_1040 = vector.shape_cast %broadcast_in_dim3A_1039 : vector<16x1xi32> to vector<16xi32>
    %gather3A_1041 = tpu.dynamic_gather %max3A_837[%gather3A_1040] in [0] : vector<16xf32>, vector<16xi32> -> vector<16xf32>
    %broadcast_in_dim3A_1042 = vector.shape_cast %and3A_856 : vector<16xi32> to vector<16x1xi32>
    %gather3A_1043 = vector.shape_cast %broadcast_in_dim3A_1042 : vector<16x1xi32> to vector<16xi32>
    %gather3A_1044 = tpu.dynamic_gather %select_n3A_836[%gather3A_1043] in [0] : vector<16xi32>, vector<16xi32> -> vector<16xi32>
    %gt3A_1045 = arith.cmpf ogt, %gather3A_1041, %max3A_837 : vector<16xf32>
    %eq3A_1046 = arith.cmpf oeq, %gather3A_1041, %max3A_837 : vector<16xf32>
    %lt3A_1047 = arith.cmpi slt, %gather3A_1044, %select_n3A_836 : vector<16xi32>
    %and3A_1048 = arith.andi %eq3A_1046, %lt3A_1047 : vector<16xi1>
    %or3A_1049 = arith.ori %gt3A_1045, %and3A_1048 : vector<16xi1>
    %select_n3A_1050 = arith.select %or3A_1049, %gather3A_1044, %select_n3A_836 : vector<16xi1>, vector<16xi32>
    %max3A_1051 = arith.maximumf %max3A_837, %gather3A_1041 : vector<16xf32>
    %broadcast_in_dim3A_1052 = vector.shape_cast %and3A_856 : vector<16xi32> to vector<16x1xi32>
    %gather3A_1053 = vector.shape_cast %broadcast_in_dim3A_1052 : vector<16x1xi32> to vector<16xi32>
    %gather3A_1054 = tpu.dynamic_gather %max3A_850[%gather3A_1053] in [0] : vector<16xf32>, vector<16xi32> -> vector<16xf32>
    %broadcast_in_dim3A_1055 = vector.shape_cast %and3A_856 : vector<16xi32> to vector<16x1xi32>
    %gather3A_1056 = vector.shape_cast %broadcast_in_dim3A_1055 : vector<16x1xi32> to vector<16xi32>
    %gather3A_1057 = tpu.dynamic_gather %select_n3A_849[%gather3A_1056] in [0] : vector<16xi32>, vector<16xi32> -> vector<16xi32>
    %gt3A_1058 = arith.cmpf ogt, %gather3A_1054, %max3A_850 : vector<16xf32>
    %eq3A_1059 = arith.cmpf oeq, %gather3A_1054, %max3A_850 : vector<16xf32>
    %lt3A_1060 = arith.cmpi slt, %gather3A_1057, %select_n3A_849 : vector<16xi32>
    %and3A_1061 = arith.andi %eq3A_1059, %lt3A_1060 : vector<16xi1>
    %or3A_1062 = arith.ori %gt3A_1058, %and3A_1061 : vector<16xi1>
    %select_n3A_1063 = arith.select %or3A_1062, %gather3A_1057, %select_n3A_849 : vector<16xi1>, vector<16xi32>
    %max3A_1064 = arith.maximumf %max3A_850, %gather3A_1054 : vector<16xf32>
    %scan3A_1065 = arith.constant 0 : i32
    %scan3A_1066 = arith.constant 0 : i32
    %scan3A_1067 = arith.constant 546 : i32
    %scan3A_1068 = arith.addi %scan3A_1066, %scan3A_1067 : i32
    %scan3A_1069 = arith.constant 1 : i32
    scf.for %scan3A_1071 = %scan3A_1066 to %scan3A_1068 step %scan3A_1069  : i32 {
      %mul3A_1072 = arith.constant 16 : i32
      %mul3A_1073 = arith.muli %scan3A_1071, %mul3A_1072 : i32
      %get3A_1074 = arith.index_cast %mul3A_1073 : i32 to index
      %get3A_1075 = tpu.vector_load %arg10[%get3A_1074] {strides = array<i32>} : memref<8736xf32, #tpu.memory_space<vmem>>, vector<16xf32>,
      %get3A_1076 = vector.shape_cast %get3A_1075 : vector<16xf32> to vector<16xf32>
      %get3A_1077 = arith.index_cast %mul3A_1073 : i32 to index
      %get3A_1078 = tpu.vector_load %arg11[%get3A_1077] {strides = array<i32>} : memref<8736xi32, #tpu.memory_space<vmem>>, vector<16xi32>,
      %get3A_1079 = vector.shape_cast %get3A_1078 : vector<16xi32> to vector<16xi32>
      %lt3A_1080 = arith.constant 5.000000e-01 : f32
      %lt3A_1081 = vector.broadcast %lt3A_1080 : f32 to vector<16xf32>
      %lt3A_1082 = arith.cmpf olt, %get3A_1076, %lt3A_1081 : vector<16xf32>
      %jit3A = arith.constant 16 : i32
      %jit3A_1083 = arith.constant 0 : i32
      %broadcast_in_dim3A_1084 = vector.broadcast %jit3A : i32 to vector<16xi32>
      %broadcast_in_dim3A_1085 = vector.broadcast %jit3A_1083 : i32 to vector<16xi32>
      %select_n3A_1086 = arith.select %lt3A_1082, %broadcast_in_dim3A_1084, %broadcast_in_dim3A_1085 : vector<16xi1>, vector<16xi32>
      %add3A_1087 = arith.addi %get3A_1079, %select_n3A_1086 : vector<16xi32>
      %add3A_1088 = vector.broadcast %mul3A_1073 : i32 to vector<16xi32>
      %add3A_1089 = arith.addi %add3A_1088, %iota3A : vector<16xi32>
      %eq3A_1090 = arith.cmpi eq, %add3A_1089, %select_n3A_868 : vector<16xi32>
      %jit3A_1091 = arith.constant 0 : i32
      %broadcast_in_dim3A_1092 = vector.broadcast %jit3A_1091 : i32 to vector<16xi32>
      %select_n3A_1093 = arith.select %eq3A_1090, %broadcast_in_dim3A_1092, %add3A_1087 : vector<16xi1>, vector<16xi32>
      %eq3A_1094 = arith.cmpi eq, %add3A_1089, %select_n3A_881 : vector<16xi32>
      %jit3A_1095 = arith.constant 1 : i32
      %broadcast_in_dim3A_1096 = vector.broadcast %jit3A_1095 : i32 to vector<16xi32>
      %select_n3A_1097 = arith.select %eq3A_1094, %broadcast_in_dim3A_1096, %select_n3A_1093 : vector<16xi1>, vector<16xi32>
      %eq3A_1098 = arith.cmpi eq, %add3A_1089, %select_n3A_894 : vector<16xi32>
      %jit3A_1099 = arith.constant 2 : i32
      %broadcast_in_dim3A_1100 = vector.broadcast %jit3A_1099 : i32 to vector<16xi32>
      %select_n3A_1101 = arith.select %eq3A_1098, %broadcast_in_dim3A_1100, %select_n3A_1097 : vector<16xi1>, vector<16xi32>
      %eq3A_1102 = arith.cmpi eq, %add3A_1089, %select_n3A_907 : vector<16xi32>
      %jit3A_1103 = arith.constant 3 : i32
      %broadcast_in_dim3A_1104 = vector.broadcast %jit3A_1103 : i32 to vector<16xi32>
      %select_n3A_1105 = arith.select %eq3A_1102, %broadcast_in_dim3A_1104, %select_n3A_1101 : vector<16xi1>, vector<16xi32>
      %eq3A_1106 = arith.cmpi eq, %add3A_1089, %select_n3A_920 : vector<16xi32>
      %jit3A_1107 = arith.constant 4 : i32
      %broadcast_in_dim3A_1108 = vector.broadcast %jit3A_1107 : i32 to vector<16xi32>
      %select_n3A_1109 = arith.select %eq3A_1106, %broadcast_in_dim3A_1108, %select_n3A_1105 : vector<16xi1>, vector<16xi32>
      %eq3A_1110 = arith.cmpi eq, %add3A_1089, %select_n3A_933 : vector<16xi32>
      %jit3A_1111 = arith.constant 5 : i32
      %broadcast_in_dim3A_1112 = vector.broadcast %jit3A_1111 : i32 to vector<16xi32>
      %select_n3A_1113 = arith.select %eq3A_1110, %broadcast_in_dim3A_1112, %select_n3A_1109 : vector<16xi1>, vector<16xi32>
      %eq3A_1114 = arith.cmpi eq, %add3A_1089, %select_n3A_946 : vector<16xi32>
      %jit3A_1115 = arith.constant 6 : i32
      %broadcast_in_dim3A_1116 = vector.broadcast %jit3A_1115 : i32 to vector<16xi32>
      %select_n3A_1117 = arith.select %eq3A_1114, %broadcast_in_dim3A_1116, %select_n3A_1113 : vector<16xi1>, vector<16xi32>
      %eq3A_1118 = arith.cmpi eq, %add3A_1089, %select_n3A_959 : vector<16xi32>
      %jit3A_1119 = arith.constant 7 : i32
      %broadcast_in_dim3A_1120 = vector.broadcast %jit3A_1119 : i32 to vector<16xi32>
      %select_n3A_1121 = arith.select %eq3A_1118, %broadcast_in_dim3A_1120, %select_n3A_1117 : vector<16xi1>, vector<16xi32>
      %eq3A_1122 = arith.cmpi eq, %add3A_1089, %select_n3A_972 : vector<16xi32>
      %jit3A_1123 = arith.constant 8 : i32
      %broadcast_in_dim3A_1124 = vector.broadcast %jit3A_1123 : i32 to vector<16xi32>
      %select_n3A_1125 = arith.select %eq3A_1122, %broadcast_in_dim3A_1124, %select_n3A_1121 : vector<16xi1>, vector<16xi32>
      %eq3A_1126 = arith.cmpi eq, %add3A_1089, %select_n3A_985 : vector<16xi32>
      %jit3A_1127 = arith.constant 9 : i32
      %broadcast_in_dim3A_1128 = vector.broadcast %jit3A_1127 : i32 to vector<16xi32>
      %select_n3A_1129 = arith.select %eq3A_1126, %broadcast_in_dim3A_1128, %select_n3A_1125 : vector<16xi1>, vector<16xi32>
      %eq3A_1130 = arith.cmpi eq, %add3A_1089, %select_n3A_998 : vector<16xi32>
      %jit3A_1131 = arith.constant 10 : i32
      %broadcast_in_dim3A_1132 = vector.broadcast %jit3A_1131 : i32 to vector<16xi32>
      %select_n3A_1133 = arith.select %eq3A_1130, %broadcast_in_dim3A_1132, %select_n3A_1129 : vector<16xi1>, vector<16xi32>
      %eq3A_1134 = arith.cmpi eq, %add3A_1089, %select_n3A_1011 : vector<16xi32>
      %jit3A_1135 = arith.constant 11 : i32
      %broadcast_in_dim3A_1136 = vector.broadcast %jit3A_1135 : i32 to vector<16xi32>
      %select_n3A_1137 = arith.select %eq3A_1134, %broadcast_in_dim3A_1136, %select_n3A_1133 : vector<16xi1>, vector<16xi32>
      %eq3A_1138 = arith.cmpi eq, %add3A_1089, %select_n3A_1024 : vector<16xi32>
      %jit3A_1139 = arith.constant 12 : i32
      %broadcast_in_dim3A_1140 = vector.broadcast %jit3A_1139 : i32 to vector<16xi32>
      %select_n3A_1141 = arith.select %eq3A_1138, %broadcast_in_dim3A_1140, %select_n3A_1137 : vector<16xi1>, vector<16xi32>
      %eq3A_1142 = arith.cmpi eq, %add3A_1089, %select_n3A_1037 : vector<16xi32>
      %jit3A_1143 = arith.constant 13 : i32
      %broadcast_in_dim3A_1144 = vector.broadcast %jit3A_1143 : i32 to vector<16xi32>
      %select_n3A_1145 = arith.select %eq3A_1142, %broadcast_in_dim3A_1144, %select_n3A_1141 : vector<16xi1>, vector<16xi32>
      %eq3A_1146 = arith.cmpi eq, %add3A_1089, %select_n3A_1050 : vector<16xi32>
      %jit3A_1147 = arith.constant 14 : i32
      %broadcast_in_dim3A_1148 = vector.broadcast %jit3A_1147 : i32 to vector<16xi32>
      %select_n3A_1149 = arith.select %eq3A_1146, %broadcast_in_dim3A_1148, %select_n3A_1145 : vector<16xi1>, vector<16xi32>
      %eq3A_1150 = arith.cmpi eq, %add3A_1089, %select_n3A_1063 : vector<16xi32>
      %jit3A_1151 = arith.constant 15 : i32
      %broadcast_in_dim3A_1152 = vector.broadcast %jit3A_1151 : i32 to vector<16xi32>
      %select_n3A_1153 = arith.select %eq3A_1150, %broadcast_in_dim3A_1152, %select_n3A_1149 : vector<16xi1>, vector<16xi32>
      %swap3A = arith.index_cast %mul3A_1073 : i32 to index
      %swap3A_1154 = tpu.vector_load %arg12[%swap3A] {strides = array<i32>} : memref<8736xi32, #tpu.memory_space<vmem>>, vector<16xi32>,
      %swap3A_1155 = vector.shape_cast %swap3A_1154 : vector<16xi32> to vector<16xi32>
      %swap3A_1156 = vector.shape_cast %select_n3A_1153 : vector<16xi32> to vector<16xi32>
      tpu.vector_store %arg12[%swap3A], %swap3A_1156 {strides = array<i32>} : memref<8736xi32, #tpu.memory_space<vmem>>, vector<16xi32>,
    }
    %scan3A_1070 = arith.constant 546 : i32
    "tpu.region"() ({
      %run_scoped3A_1071 = tpu.sem_alloc : memref<!tpu.dma_semaphore, #tpu.memory_space<semaphore_mem>>
      %dma_start3A = arith.constant 0 : i32
      %dma_start3A_1072 = tpu.memref_slice %arg4[%add3A, %dma_start3A] : memref<32x8736xi32, #tpu.memory_space<hbm>> -> memref<1x8736xi32, #tpu.memory_space<hbm>>
      %dma_start3A_1073 = tpu.memref_squeeze %dma_start3A_1072 : memref<1x8736xi32, #tpu.memory_space<hbm>> -> memref<8736xi32, #tpu.memory_space<hbm>>
      %dma_start3A_1074 = arith.constant 0 : i32
      %dma_start3A_1075 = tpu.memref_slice %arg4[%add3A, %dma_start3A_1074] : memref<32x8736xi32, #tpu.memory_space<hbm>> -> memref<1x8736xi32, #tpu.memory_space<hbm>>
      %dma_start3A_1076 = tpu.memref_squeeze %dma_start3A_1075 : memref<1x8736xi32, #tpu.memory_space<hbm>> -> memref<8736xi32, #tpu.memory_space<hbm>>
      tpu.enqueue_dma source(%arg12 : memref<8736xi32, #tpu.memory_space<vmem>>) target(%dma_start3A_1076 : memref<8736xi32, #tpu.memory_space<hbm>>) target_semaphore(%run_scoped3A_1071 : memref<!tpu.dma_semaphore, #tpu.memory_space<semaphore_mem>>)
      %dma_wait3A = arith.constant 0 : i32
      %dma_wait3A_1077 = tpu.memref_slice %arg4[%add3A, %dma_wait3A] : memref<32x8736xi32, #tpu.memory_space<hbm>> -> memref<1x8736xi32, #tpu.memory_space<hbm>>
      %dma_wait3A_1078 = tpu.memref_squeeze %dma_wait3A_1077 : memref<1x8736xi32, #tpu.memory_space<hbm>> -> memref<8736xi32, #tpu.memory_space<hbm>>
      %dma_wait3A_1079 = arith.constant 0 : i32
      %dma_wait3A_1080 = tpu.memref_slice %arg4[%add3A, %dma_wait3A_1079] : memref<32x8736xi32, #tpu.memory_space<hbm>> -> memref<1x8736xi32, #tpu.memory_space<hbm>>
      %dma_wait3A_1081 = tpu.memref_squeeze %dma_wait3A_1080 : memref<1x8736xi32, #tpu.memory_space<hbm>> -> memref<8736xi32, #tpu.memory_space<hbm>>
      tpu.wait_dma2 semaphore(%run_scoped3A_1071 : memref<!tpu.dma_semaphore, #tpu.memory_space<semaphore_mem>>) src(%arg12 : memref<8736xi32, #tpu.memory_space<vmem>>) dst(%dma_wait3A_1081 : memref<8736xi32, #tpu.memory_space<hbm>>)
      tpu.yield
    }) : () -> ()
    return
  }
}

module attributes {stable_mosaic.version = 14 : i64} {
  func.func @_image_body(%arg0: i32, %arg1: memref<1x1x8736xi32, #tpu.memory_space<vmem>>, %arg2: memref<1x16x4xf32, #tpu.memory_space<vmem>>, %arg3: memref<1x16x1xi32, #tpu.memory_space<vmem>>, %arg4: memref<4x8732xf32, #tpu.memory_space<vmem>>, %arg5: memref<1x4x8732xf32, #tpu.memory_space<vmem>>, %arg6: memref<1x8732x81xf32, #tpu.memory_space<vmem>>, %arg7: memref<1x1x8732xf32, #tpu.memory_space<vmem>>, %arg8: memref<1x4x128xf32, #tpu.memory_space<vmem>>) attributes {dimension_semantics = [#tpu.dimension_semantics<arbitrary>], iteration_bounds = array<i64: 32>, scalar_prefetch = 0 : i64, scratch_operands = 0 : i64, tpu.core_type = #tpu.core_type<tc>, window_params = [{transform_indices = @transform_0, window_bounds = array<i64: 1, 1, 8736>}, {transform_indices = @transform_1, window_bounds = array<i64: 1, 16, 4>}, {transform_indices = @transform_2, window_bounds = array<i64: 1, 16, 1>}, {pipeline_mode = #tpu.pipeline_mode<synchronous>, transform_indices = @transform_3, window_bounds = array<i64: 4, 8732>}, {transform_indices = @transform_4, window_bounds = array<i64: 1, 4, 8732>}, {transform_indices = @transform_5, window_bounds = array<i64: 1, 8732, 81>}, {transform_indices = @transform_6, window_bounds = array<i64: 1, 1, 8732>}, {transform_indices = @transform_7, window_bounds = array<i64: 1, 4, 128>}]} {
    %get3A = arith.constant 0 : index
    %get3A_0 = arith.constant 0 : index
    %get3A_1 = arith.constant 0 : index
    %get3A_2 = vector.load %arg1[%get3A, %get3A_0, %get3A_1] : memref<1x1x8736xi32, #tpu.memory_space<vmem>>, vector<1x1x8736xi32>
    %get3A_3 = vector.shape_cast %get3A_2 : vector<1x1x8736xi32> to vector<1x8736xi32>
    %slice3A = vector.extract_strided_slice %get3A_3 {offsets = [0, 0], sizes = [1, 8732], strides = [1, 1]} : vector<1x8736xi32> to vector<1x8732xi32>
    %ge3A = arith.constant 16 : i32
    %ge3A_4 = vector.broadcast %ge3A : i32 to vector<1x8732xi32>
    %ge3A_5 = arith.cmpi sge, %slice3A, %ge3A_4 : vector<1x8732xi32>
    %sub3A = arith.constant 16 : i32
    %sub3A_6 = vector.broadcast %sub3A : i32 to vector<1x8732xi32>
    %sub3A_7 = arith.subi %slice3A, %sub3A_6 : vector<1x8732xi32>
    %select_n3A = arith.select %ge3A_5, %sub3A_7, %slice3A : vector<1x8732xi1>, vector<1x8732xi32>
    %iota3A = tpu.iota {dimensions = array<i32: 0>} : vector<16x8732xi32>
    %eq3A = vector.broadcast %select_n3A : vector<1x8732xi32> to vector<16x8732xi32>
    %eq3A_8 = arith.cmpi eq, %eq3A, %iota3A : vector<16x8732xi32>
    %convert_element_type3A = arith.extui %eq3A_8 : vector<16x8732xi1> to vector<16x8732xi32>
    %convert_element_type3A_9 = arith.sitofp %convert_element_type3A : vector<16x8732xi32> to vector<16x8732xf32>
    %get3A_10 = arith.constant 0 : index
    %get3A_11 = arith.constant 0 : index
    %get3A_12 = arith.constant 0 : index
    %get3A_13 = vector.load %arg2[%get3A_10, %get3A_11, %get3A_12] : memref<1x16x4xf32, #tpu.memory_space<vmem>>, vector<1x16x4xf32>
    %get3A_14 = vector.shape_cast %get3A_13 : vector<1x16x4xf32> to vector<16x4xf32>
    %get3A_15 = arith.constant 0 : index
    %get3A_16 = arith.constant 0 : index
    %get3A_17 = arith.constant 0 : index
    %get3A_18 = vector.load %arg3[%get3A_15, %get3A_16, %get3A_17] : memref<1x16x1xi32, #tpu.memory_space<vmem>>, vector<1x16x1xi32>
    %get3A_19 = vector.shape_cast %get3A_18 : vector<1x16x1xi32> to vector<16x1xi32>
    %convert_element_type3A_20 = arith.sitofp %get3A_19 : vector<16x1xi32> to vector<16x1xf32>
    %concatenate3A = tpu.concatenate %get3A_14, %convert_element_type3A_20 in 1 : vector<16x4xf32>, vector<16x1xf32> -> vector<16x5xf32>
    %dot_general3A = arith.constant dense<0.000000e+00> : vector<5x8732xf32>
    %dot_general3A_21 = tpu.matmul %concatenate3A, %convert_element_type3A_9, %dot_general3A {dimension_numbers = #tpu.dot_dimension_numbers<[0], [0], [1], [1], [0, 1, 1, 1], [], []>, transpose_lhs_hint = false} : vector<16x5xf32>, vector<16x8732xf32>, vector<5x8732xf32> -> vector<5x8732xf32>
    %slice3A_22 = vector.extract_strided_slice %dot_general3A_21 {offsets = [0, 0], sizes = [1, 8732], strides = [1, 1]} : vector<5x8732xf32> to vector<1x8732xf32>
    %slice3A_23 = vector.extract_strided_slice %dot_general3A_21 {offsets = [1, 0], sizes = [1, 8732], strides = [1, 1]} : vector<5x8732xf32> to vector<1x8732xf32>
    %slice3A_24 = vector.extract_strided_slice %dot_general3A_21 {offsets = [2, 0], sizes = [1, 8732], strides = [1, 1]} : vector<5x8732xf32> to vector<1x8732xf32>
    %slice3A_25 = vector.extract_strided_slice %dot_general3A_21 {offsets = [3, 0], sizes = [1, 8732], strides = [1, 1]} : vector<5x8732xf32> to vector<1x8732xf32>
    %slice3A_26 = vector.extract_strided_slice %dot_general3A_21 {offsets = [4, 0], sizes = [1, 8732], strides = [1, 1]} : vector<5x8732xf32> to vector<1x8732xf32>
    %convert_element_type3A_27 = arith.fptosi %slice3A_26 : vector<1x8732xf32> to vector<1x8732xi32>
    %jit3A = arith.constant 0 : i32
    %broadcast_in_dim3A = vector.broadcast %jit3A : i32 to vector<1x8732xi32>
    %select_n3A_28 = arith.select %ge3A_5, %broadcast_in_dim3A, %convert_element_type3A_27 : vector<1x8732xi1>, vector<1x8732xi32>
    %add3A = arith.addf %slice3A_22, %slice3A_24 : vector<1x8732xf32>
    %mul3A = arith.constant 5.000000e-01 : f32
    %mul3A_29 = vector.broadcast %mul3A : f32 to vector<1x8732xf32>
    %mul3A_30 = arith.mulf %add3A, %mul3A_29 : vector<1x8732xf32>
    %add3A_31 = arith.addf %slice3A_23, %slice3A_25 : vector<1x8732xf32>
    %mul3A_32 = arith.constant 5.000000e-01 : f32
    %mul3A_33 = vector.broadcast %mul3A_32 : f32 to vector<1x8732xf32>
    %mul3A_34 = arith.mulf %add3A_31, %mul3A_33 : vector<1x8732xf32>
    %sub3A_35 = arith.subf %slice3A_24, %slice3A_22 : vector<1x8732xf32>
    %sub3A_36 = arith.subf %slice3A_25, %slice3A_23 : vector<1x8732xf32>
    %get3A_37 = arith.constant 0 : index
    %get3A_38 = arith.constant 0 : index
    %get3A_39 = vector.load %arg4[%get3A_37, %get3A_38] : memref<4x8732xf32, #tpu.memory_space<vmem>>, vector<1x8732xf32>
    %get3A_40 = arith.constant 1 : index
    %get3A_41 = arith.constant 0 : index
    %get3A_42 = vector.load %arg4[%get3A_40, %get3A_41] : memref<4x8732xf32, #tpu.memory_space<vmem>>, vector<1x8732xf32>
    %get3A_43 = arith.constant 2 : index
    %get3A_44 = arith.constant 0 : index
    %get3A_45 = vector.load %arg4[%get3A_43, %get3A_44] : memref<4x8732xf32, #tpu.memory_space<vmem>>, vector<1x8732xf32>
    %get3A_46 = arith.constant 3 : index
    %get3A_47 = arith.constant 0 : index
    %get3A_48 = vector.load %arg4[%get3A_46, %get3A_47] : memref<4x8732xf32, #tpu.memory_space<vmem>>, vector<1x8732xf32>
    %sub3A_49 = arith.subf %mul3A_30, %get3A_39 : vector<1x8732xf32>
    %mul3A_50 = arith.constant 1.000000e-01 : f32
    %mul3A_51 = vector.broadcast %mul3A_50 : f32 to vector<1x8732xf32>
    %mul3A_52 = arith.mulf %get3A_45, %mul3A_51 : vector<1x8732xf32>
    %div3A = arith.divf %sub3A_49, %mul3A_52 : vector<1x8732xf32>
    %sub3A_53 = arith.subf %mul3A_34, %get3A_42 : vector<1x8732xf32>
    %mul3A_54 = arith.constant 1.000000e-01 : f32
    %mul3A_55 = vector.broadcast %mul3A_54 : f32 to vector<1x8732xf32>
    %mul3A_56 = arith.mulf %get3A_48, %mul3A_55 : vector<1x8732xf32>
    %div3A_57 = arith.divf %sub3A_53, %mul3A_56 : vector<1x8732xf32>
    %div3A_58 = arith.divf %sub3A_35, %get3A_45 : vector<1x8732xf32>
    %log3A = math.log %div3A_58 : vector<1x8732xf32>
    %mul3A_59 = arith.constant 5.000000e+00 : f32
    %mul3A_60 = vector.broadcast %mul3A_59 : f32 to vector<1x8732xf32>
    %mul3A_61 = arith.mulf %log3A, %mul3A_60 : vector<1x8732xf32>
    %div3A_62 = arith.divf %sub3A_36, %get3A_48 : vector<1x8732xf32>
    %log3A_63 = math.log %div3A_62 : vector<1x8732xf32>
    %mul3A_64 = arith.constant 5.000000e+00 : f32
    %mul3A_65 = vector.broadcast %mul3A_64 : f32 to vector<1x8732xf32>
    %mul3A_66 = arith.mulf %log3A_63, %mul3A_65 : vector<1x8732xf32>
    %ne3A = arith.constant 0 : i32
    %ne3A_67 = vector.broadcast %ne3A : i32 to vector<1x8732xi32>
    %ne3A_68 = arith.cmpi ne, %select_n3A_28, %ne3A_67 : vector<1x8732xi32>
    %convert_element_type3A_69 = arith.extui %ne3A_68 : vector<1x8732xi1> to vector<1x8732xi32>
    %convert_element_type3A_70 = arith.sitofp %convert_element_type3A_69 : vector<1x8732xi32> to vector<1x8732xf32>
    %get3A_71 = arith.constant 0 : index
    %get3A_72 = arith.constant 0 : index
    %get3A_73 = arith.constant 0 : index
    %get3A_74 = vector.load %arg5[%get3A_71, %get3A_72, %get3A_73] : memref<1x4x8732xf32, #tpu.memory_space<vmem>>, vector<1x4x8732xf32>
    %get3A_75 = vector.shape_cast %get3A_74 : vector<1x4x8732xf32> to vector<4x8732xf32>
    %slice3A_76 = vector.extract_strided_slice %get3A_75 {offsets = [0, 0], sizes = [1, 8732], strides = [1, 1]} : vector<4x8732xf32> to vector<1x8732xf32>
    %sub3A_77 = arith.subf %slice3A_76, %div3A : vector<1x8732xf32>
    %abs3A = math.absf %sub3A_77 : vector<1x8732xf32>
    %mul3A_78 = arith.mulf %abs3A, %convert_element_type3A_70 : vector<1x8732xf32>
    %reduce_sum3A = vector.shape_cast %mul3A_78 : vector<1x8732xf32> to vector<1x1x8732xf32>
    %reduce_sum3A_79 = arith.constant dense<0.000000e+00> : vector<1xf32>
    %reduce_sum3A_80 = vector.multi_reduction <add>, %reduce_sum3A, %reduce_sum3A_79 [1, 2] : vector<1x1x8732xf32> to vector<1xf32>
    %reduce_sum3A_81 = vector.shape_cast %reduce_sum3A_80 : vector<1xf32> to vector<1x1x1xf32>
    %reduce_sum3A_82 = vector.extract %reduce_sum3A_81[0, 0, 0] : f32 from vector<1x1x1xf32>
    %slice3A_83 = vector.extract_strided_slice %get3A_75 {offsets = [1, 0], sizes = [1, 8732], strides = [1, 1]} : vector<4x8732xf32> to vector<1x8732xf32>
    %sub3A_84 = arith.subf %slice3A_83, %div3A_57 : vector<1x8732xf32>
    %abs3A_85 = math.absf %sub3A_84 : vector<1x8732xf32>
    %mul3A_86 = arith.mulf %abs3A_85, %convert_element_type3A_70 : vector<1x8732xf32>
    %reduce_sum3A_87 = vector.shape_cast %mul3A_86 : vector<1x8732xf32> to vector<1x1x8732xf32>
    %reduce_sum3A_88 = arith.constant dense<0.000000e+00> : vector<1xf32>
    %reduce_sum3A_89 = vector.multi_reduction <add>, %reduce_sum3A_87, %reduce_sum3A_88 [1, 2] : vector<1x1x8732xf32> to vector<1xf32>
    %reduce_sum3A_90 = vector.shape_cast %reduce_sum3A_89 : vector<1xf32> to vector<1x1x1xf32>
    %reduce_sum3A_91 = vector.extract %reduce_sum3A_90[0, 0, 0] : f32 from vector<1x1x1xf32>
    %add3A_92 = arith.addf %reduce_sum3A_82, %reduce_sum3A_91 : f32
    %slice3A_93 = vector.extract_strided_slice %get3A_75 {offsets = [2, 0], sizes = [1, 8732], strides = [1, 1]} : vector<4x8732xf32> to vector<1x8732xf32>
    %sub3A_94 = arith.subf %slice3A_93, %mul3A_61 : vector<1x8732xf32>
    %abs3A_95 = math.absf %sub3A_94 : vector<1x8732xf32>
    %mul3A_96 = arith.mulf %abs3A_95, %convert_element_type3A_70 : vector<1x8732xf32>
    %reduce_sum3A_97 = vector.shape_cast %mul3A_96 : vector<1x8732xf32> to vector<1x1x8732xf32>
    %reduce_sum3A_98 = arith.constant dense<0.000000e+00> : vector<1xf32>
    %reduce_sum3A_99 = vector.multi_reduction <add>, %reduce_sum3A_97, %reduce_sum3A_98 [1, 2] : vector<1x1x8732xf32> to vector<1xf32>
    %reduce_sum3A_100 = vector.shape_cast %reduce_sum3A_99 : vector<1xf32> to vector<1x1x1xf32>
    %reduce_sum3A_101 = vector.extract %reduce_sum3A_100[0, 0, 0] : f32 from vector<1x1x1xf32>
    %add3A_102 = arith.addf %add3A_92, %reduce_sum3A_101 : f32
    %slice3A_103 = vector.extract_strided_slice %get3A_75 {offsets = [3, 0], sizes = [1, 8732], strides = [1, 1]} : vector<4x8732xf32> to vector<1x8732xf32>
    %sub3A_104 = arith.subf %slice3A_103, %mul3A_66 : vector<1x8732xf32>
    %abs3A_105 = math.absf %sub3A_104 : vector<1x8732xf32>
    %mul3A_106 = arith.mulf %abs3A_105, %convert_element_type3A_70 : vector<1x8732xf32>
    %reduce_sum3A_107 = vector.shape_cast %mul3A_106 : vector<1x8732xf32> to vector<1x1x8732xf32>
    %reduce_sum3A_108 = arith.constant dense<0.000000e+00> : vector<1xf32>
    %reduce_sum3A_109 = vector.multi_reduction <add>, %reduce_sum3A_107, %reduce_sum3A_108 [1, 2] : vector<1x1x8732xf32> to vector<1xf32>
    %reduce_sum3A_110 = vector.shape_cast %reduce_sum3A_109 : vector<1xf32> to vector<1x1x1xf32>
    %reduce_sum3A_111 = vector.extract %reduce_sum3A_110[0, 0, 0] : f32 from vector<1x1x1xf32>
    %add3A_112 = arith.addf %add3A_102, %reduce_sum3A_111 : f32
    %reduce_sum3A_113 = vector.shape_cast %convert_element_type3A_70 : vector<1x8732xf32> to vector<1x1x8732xf32>
    %reduce_sum3A_114 = arith.constant dense<0.000000e+00> : vector<1xf32>
    %reduce_sum3A_115 = vector.multi_reduction <add>, %reduce_sum3A_113, %reduce_sum3A_114 [1, 2] : vector<1x1x8732xf32> to vector<1xf32>
    %reduce_sum3A_116 = vector.shape_cast %reduce_sum3A_115 : vector<1xf32> to vector<1x1x1xf32>
    %reduce_sum3A_117 = vector.extract %reduce_sum3A_116[0, 0, 0] : f32 from vector<1x1x1xf32>
    %get3A_118 = arith.constant 0 : index
    %get3A_119 = arith.constant 0 : index
    %get3A_120 = arith.constant 0 : index
    %get3A_121 = vector.load %arg6[%get3A_118, %get3A_119, %get3A_120] : memref<1x8732x81xf32, #tpu.memory_space<vmem>>, vector<1x8732x81xf32>
    %get3A_122 = vector.shape_cast %get3A_121 : vector<1x8732x81xf32> to vector<8732x81xf32>
    %reduce_max3A = vector.shape_cast %get3A_122 : vector<8732x81xf32> to vector<1x8732x81xf32>
    %reduce_max3A_123 = arith.constant dense<0xFF800000> : vector<1xf32>
    %reduce_max3A_124 = vector.multi_reduction <maximumf>, %reduce_max3A, %reduce_max3A_123 [1, 2] : vector<1x8732x81xf32> to vector<1xf32>
    %reduce_max3A_125 = vector.shape_cast %reduce_max3A_124 : vector<1xf32> to vector<1x1x1xf32>
    %reduce_max3A_126 = vector.extract %reduce_max3A_125[0, 0, 0] : f32 from vector<1x1x1xf32>
    %sub3A_127 = vector.broadcast %reduce_max3A_126 : f32 to vector<8732x81xf32>
    %sub3A_128 = arith.subf %get3A_122, %sub3A_127 : vector<8732x81xf32>
    %exp3A = math.exp %sub3A_128 : vector<8732x81xf32>
    %broadcast_in_dim3A_129 = arith.constant 1.000000e+00 : f32
    %broadcast_in_dim3A_130 = vector.broadcast %broadcast_in_dim3A_129 : f32 to vector<1x81xf32>
    %dot_general3A_131 = arith.constant dense<0.000000e+00> : vector<1x8732xf32>
    %dot_general3A_132 = tpu.matmul %broadcast_in_dim3A_130, %exp3A, %dot_general3A_131 {dimension_numbers = #tpu.dot_dimension_numbers<[1], [1], [0], [0], [0, 0, 1, 0], [], []>, transpose_lhs_hint = false} : vector<1x81xf32>, vector<8732x81xf32>, vector<1x8732xf32> -> vector<1x8732xf32>
    %log3A_133 = math.log %dot_general3A_132 : vector<1x8732xf32>
    %add3A_134 = vector.broadcast %reduce_max3A_126 : f32 to vector<1x8732xf32>
    %add3A_135 = arith.addf %log3A_133, %add3A_134 : vector<1x8732xf32>
    %get3A_136 = arith.constant 0 : index
    %get3A_137 = arith.constant 0 : index
    %get3A_138 = arith.constant 0 : index
    %get3A_139 = vector.load %arg3[%get3A_136, %get3A_137, %get3A_138] : memref<1x16x1xi32, #tpu.memory_space<vmem>>, vector<1x16x1xi32>
    %get3A_140 = vector.shape_cast %get3A_139 : vector<1x16x1xi32> to vector<16x1xi32>
    %broadcast_in_dim3A_141 = arith.constant 0 : i32
    %broadcast_in_dim3A_142 = vector.broadcast %broadcast_in_dim3A_141 : i32 to vector<1x1xi32>
    %concatenate3A_143 = tpu.concatenate %get3A_140, %broadcast_in_dim3A_142 in 0 : vector<16x1xi32>, vector<1x1xi32> -> vector<17x1xi32>
    %iota3A_144 = tpu.iota {dimensions = array<i32: 1>} : vector<17x81xi32>
    %eq3A_145 = vector.broadcast %concatenate3A_143 : vector<17x1xi32> to vector<17x81xi32>
    %eq3A_146 = arith.cmpi eq, %iota3A_144, %eq3A_145 : vector<17x81xi32>
    %convert_element_type3A_147 = arith.extui %eq3A_146 : vector<17x81xi1> to vector<17x81xi32>
    %convert_element_type3A_148 = arith.sitofp %convert_element_type3A_147 : vector<17x81xi32> to vector<17x81xf32>
    %dot_general3A_149 = arith.constant dense<0.000000e+00> : vector<17x8732xf32>
    %dot_general3A_150 = tpu.matmul %convert_element_type3A_148, %get3A_122, %dot_general3A_149 {dimension_numbers = #tpu.dot_dimension_numbers<[1], [1], [0], [0], [0, 0, 1, 0], [], []>, transpose_lhs_hint = false} : vector<17x81xf32>, vector<8732x81xf32>, vector<17x8732xf32> -> vector<17x8732xf32>
    %jit3A_151 = arith.constant 16 : i32
    %broadcast_in_dim3A_152 = vector.broadcast %jit3A_151 : i32 to vector<1x8732xi32>
    %select_n3A_153 = arith.select %ge3A_5, %broadcast_in_dim3A_152, %select_n3A : vector<1x8732xi1>, vector<1x8732xi32>
    %iota3A_154 = tpu.iota {dimensions = array<i32: 0>} : vector<17x8732xi32>
    %eq3A_155 = vector.broadcast %select_n3A_153 : vector<1x8732xi32> to vector<17x8732xi32>
    %eq3A_156 = arith.cmpi eq, %iota3A_154, %eq3A_155 : vector<17x8732xi32>
    %jit3A_157 = arith.constant 0.000000e+00 : f32
    %broadcast_in_dim3A_158 = vector.broadcast %jit3A_157 : f32 to vector<17x8732xf32>
    %select_n3A_159 = arith.select %eq3A_156, %dot_general3A_150, %broadcast_in_dim3A_158 : vector<17x8732xi1>, vector<17x8732xf32>
    %broadcast_in_dim3A_160 = arith.constant 1.000000e+00 : f32
    %broadcast_in_dim3A_161 = vector.broadcast %broadcast_in_dim3A_160 : f32 to vector<1x17xf32>
    %dot_general3A_162 = arith.constant dense<0.000000e+00> : vector<1x8732xf32>
    %dot_general3A_163 = tpu.matmul %broadcast_in_dim3A_161, %select_n3A_159, %dot_general3A_162 {dimension_numbers = #tpu.dot_dimension_numbers<[1], [0], [0], [1], [0, 0, 1, 1], [], []>, transpose_lhs_hint = false} : vector<1x17xf32>, vector<17x8732xf32>, vector<1x8732xf32> -> vector<1x8732xf32>
    %sub3A_164 = arith.subf %add3A_135, %dot_general3A_163 : vector<1x8732xf32>
    %swap3A = arith.constant 0 : index
    %swap3A_165 = arith.constant 0 : index
    %swap3A_166 = arith.constant 0 : index
    %swap3A_167 = vector.load %arg7[%swap3A, %swap3A_165, %swap3A_166] : memref<1x1x8732xf32, #tpu.memory_space<vmem>>, vector<1x1x8732xf32>
    %swap3A_168 = vector.shape_cast %swap3A_167 : vector<1x1x8732xf32> to vector<1x8732xf32>
    %swap3A_169 = vector.shape_cast %sub3A_164 : vector<1x8732xf32> to vector<1x1x8732xf32>
    tpu.vector_store %arg7[%swap3A, %swap3A_165, %swap3A_166], %swap3A_169 {strides = array<i32>} : memref<1x1x8732xf32, #tpu.memory_space<vmem>>, vector<1x1x8732xf32>,
    %broadcast_in_dim3A_170 = vector.broadcast %add3A_112 : f32 to vector<1x128xf32>
    %swap3A_171 = arith.constant 0 : index
    %swap3A_172 = arith.constant 0 : index
    %swap3A_173 = arith.constant 0 : index
    %swap3A_174 = vector.load %arg8[%swap3A_171, %swap3A_172, %swap3A_173] : memref<1x4x128xf32, #tpu.memory_space<vmem>>, vector<1x1x128xf32>
    %swap3A_175 = vector.shape_cast %swap3A_174 : vector<1x1x128xf32> to vector<1x128xf32>
    %swap3A_176 = vector.shape_cast %broadcast_in_dim3A_170 : vector<1x128xf32> to vector<1x1x128xf32>
    tpu.vector_store %arg8[%swap3A_171, %swap3A_172, %swap3A_173], %swap3A_176 {strides = array<i32>} : memref<1x4x128xf32, #tpu.memory_space<vmem>>, vector<1x1x128xf32>,
    %broadcast_in_dim3A_177 = vector.broadcast %reduce_sum3A_117 : f32 to vector<1x128xf32>
    %swap3A_178 = arith.constant 0 : index
    %swap3A_179 = arith.constant 1 : index
    %swap3A_180 = arith.constant 0 : index
    %swap3A_181 = vector.load %arg8[%swap3A_178, %swap3A_179, %swap3A_180] : memref<1x4x128xf32, #tpu.memory_space<vmem>>, vector<1x1x128xf32>
    %swap3A_182 = vector.shape_cast %swap3A_181 : vector<1x1x128xf32> to vector<1x128xf32>
    %swap3A_183 = vector.shape_cast %broadcast_in_dim3A_177 : vector<1x128xf32> to vector<1x1x128xf32>
    tpu.vector_store %arg8[%swap3A_178, %swap3A_179, %swap3A_180], %swap3A_183 {strides = array<i32>} : memref<1x4x128xf32, #tpu.memory_space<vmem>>, vector<1x1x128xf32>,
    %mul3A_184 = arith.mulf %sub3A_164, %convert_element_type3A_70 : vector<1x8732xf32>
    %reduce_sum3A_185 = vector.shape_cast %mul3A_184 : vector<1x8732xf32> to vector<1x1x8732xf32>
    %reduce_sum3A_186 = arith.constant dense<0.000000e+00> : vector<1xf32>
    %reduce_sum3A_187 = vector.multi_reduction <add>, %reduce_sum3A_185, %reduce_sum3A_186 [1, 2] : vector<1x1x8732xf32> to vector<1xf32>
    %reduce_sum3A_188 = vector.shape_cast %reduce_sum3A_187 : vector<1xf32> to vector<1x1x1xf32>
    %reduce_sum3A_189 = vector.extract %reduce_sum3A_188[0, 0, 0] : f32 from vector<1x1x1xf32>
    %broadcast_in_dim3A_190 = vector.broadcast %reduce_sum3A_189 : f32 to vector<1x128xf32>
    %swap3A_191 = arith.constant 0 : index
    %swap3A_192 = arith.constant 2 : index
    %swap3A_193 = arith.constant 0 : index
    %swap3A_194 = vector.load %arg8[%swap3A_191, %swap3A_192, %swap3A_193] : memref<1x4x128xf32, #tpu.memory_space<vmem>>, vector<1x1x128xf32>
    %swap3A_195 = vector.shape_cast %swap3A_194 : vector<1x1x128xf32> to vector<1x128xf32>
    %swap3A_196 = vector.shape_cast %broadcast_in_dim3A_190 : vector<1x128xf32> to vector<1x1x128xf32>
    tpu.vector_store %arg8[%swap3A_191, %swap3A_192, %swap3A_193], %swap3A_196 {strides = array<i32>} : memref<1x4x128xf32, #tpu.memory_space<vmem>>, vector<1x1x128xf32>,
    %broadcast_in_dim3A_197 = arith.constant 0.000000e+00 : f32
    %broadcast_in_dim3A_198 = vector.broadcast %broadcast_in_dim3A_197 : f32 to vector<1x128xf32>
    %swap3A_199 = arith.constant 0 : index
    %swap3A_200 = arith.constant 3 : index
    %swap3A_201 = arith.constant 0 : index
    %swap3A_202 = vector.load %arg8[%swap3A_199, %swap3A_200, %swap3A_201] : memref<1x4x128xf32, #tpu.memory_space<vmem>>, vector<1x1x128xf32>
    %swap3A_203 = vector.shape_cast %swap3A_202 : vector<1x1x128xf32> to vector<1x128xf32>
    %swap3A_204 = vector.shape_cast %broadcast_in_dim3A_198 : vector<1x128xf32> to vector<1x1x128xf32>
    tpu.vector_store %arg8[%swap3A_199, %swap3A_200, %swap3A_201], %swap3A_204 {strides = array<i32>} : memref<1x4x128xf32, #tpu.memory_space<vmem>>, vector<1x1x128xf32>,
    return
  }
  func.func @transform_0(%arg0: i32) -> (i32, i32, i32) {
    %c0_i32 = arith.constant 0 : i32
    %c0_i32_0 = arith.constant 0 : i32
    %c0_i32_1 = arith.constant 0 : i32
    return %arg0, %c0_i32, %c0_i32_0 : i32, i32, i32
  }
  func.func @transform_1(%arg0: i32) -> (i32, i32, i32) {
    %c0_i32 = arith.constant 0 : i32
    %c0_i32_0 = arith.constant 0 : i32
    %c0_i32_1 = arith.constant 0 : i32
    return %arg0, %c0_i32, %c0_i32_0 : i32, i32, i32
  }
  func.func @transform_2(%arg0: i32) -> (i32, i32, i32) {
    %c0_i32 = arith.constant 0 : i32
    %c0_i32_0 = arith.constant 0 : i32
    %c0_i32_1 = arith.constant 0 : i32
    return %arg0, %c0_i32, %c0_i32_0 : i32, i32, i32
  }
  func.func @transform_3(%arg0: i32) -> (i32, i32) {
    %c0_i32 = arith.constant 0 : i32
    %c0_i32_0 = arith.constant 0 : i32
    %c0_i32_1 = arith.constant 0 : i32
    return %c0_i32, %c0_i32_0 : i32, i32
  }
  func.func @transform_4(%arg0: i32) -> (i32, i32, i32) {
    %c0_i32 = arith.constant 0 : i32
    %c0_i32_0 = arith.constant 0 : i32
    %c0_i32_1 = arith.constant 0 : i32
    return %arg0, %c0_i32, %c0_i32_0 : i32, i32, i32
  }
  func.func @transform_5(%arg0: i32) -> (i32, i32, i32) {
    %c0_i32 = arith.constant 0 : i32
    %c0_i32_0 = arith.constant 0 : i32
    %c0_i32_1 = arith.constant 0 : i32
    return %arg0, %c0_i32, %c0_i32_0 : i32, i32, i32
  }
  func.func @transform_6(%arg0: i32) -> (i32, i32, i32) {
    %c0_i32 = arith.constant 0 : i32
    %c0_i32_0 = arith.constant 0 : i32
    %c0_i32_1 = arith.constant 0 : i32
    return %arg0, %c0_i32, %c0_i32_0 : i32, i32, i32
  }
  func.func @transform_7(%arg0: i32) -> (i32, i32, i32) {
    %c0_i32 = arith.constant 0 : i32
    %c0_i32_0 = arith.constant 0 : i32
    %c0_i32_1 = arith.constant 0 : i32
    return %arg0, %c0_i32, %c0_i32_0 : i32, i32, i32
  }
}

module attributes {stable_mosaic.version = 14 : i64} {
  func.func @_combine_body(%arg0: memref<32x1x8732xf32, #tpu.memory_space<vmem>>, %arg1: memref<32x4x128xf32, #tpu.memory_space<vmem>>, %arg2: memref<1x1xf32, #tpu.memory_space<vmem>>) attributes {dimension_semantics = [], scalar_prefetch = 0 : i64, scratch_operands = 0 : i64, tpu.core_type = #tpu.core_type<tc>} {
    %get3A = arith.constant 0 : index
    %get3A_0 = arith.constant 0 : index
    %get3A_1 = arith.constant 0 : index
    %get3A_2 = vector.load %arg0[%get3A, %get3A_0, %get3A_1] : memref<32x1x8732xf32, #tpu.memory_space<vmem>>, vector<32x1x8732xf32>
    %get3A_3 = arith.constant 0 : index
    %get3A_4 = arith.constant 0 : index
    %get3A_5 = arith.constant 0 : index
    %get3A_6 = vector.load %arg1[%get3A_3, %get3A_4, %get3A_5] : memref<32x4x128xf32, #tpu.memory_space<vmem>>, vector<32x4x128xf32>
    %slice3A = vector.extract_strided_slice %get3A_6 {offsets = [0, 0, 0], sizes = [32, 1, 1], strides = [1, 1, 1]} : vector<32x4x128xf32> to vector<32x1x1xf32>
    %reduce_sum3A = vector.shape_cast %slice3A : vector<32x1x1xf32> to vector<1x32x1x1xf32>
    %reduce_sum3A_7 = arith.constant dense<0.000000e+00> : vector<1xf32>
    %reduce_sum3A_8 = vector.multi_reduction <add>, %reduce_sum3A, %reduce_sum3A_7 [1, 2, 3] : vector<1x32x1x1xf32> to vector<1xf32>
    %reduce_sum3A_9 = vector.shape_cast %reduce_sum3A_8 : vector<1xf32> to vector<1x1x1x1xf32>
    %reduce_sum3A_10 = vector.extract %reduce_sum3A_9[0, 0, 0, 0] : f32 from vector<1x1x1x1xf32>
    %slice3A_11 = vector.extract_strided_slice %get3A_6 {offsets = [0, 1, 0], sizes = [32, 1, 1], strides = [1, 1, 1]} : vector<32x4x128xf32> to vector<32x1x1xf32>
    %reduce_sum3A_12 = vector.shape_cast %slice3A_11 : vector<32x1x1xf32> to vector<1x32x1x1xf32>
    %reduce_sum3A_13 = arith.constant dense<0.000000e+00> : vector<1xf32>
    %reduce_sum3A_14 = vector.multi_reduction <add>, %reduce_sum3A_12, %reduce_sum3A_13 [1, 2, 3] : vector<1x32x1x1xf32> to vector<1xf32>
    %reduce_sum3A_15 = vector.shape_cast %reduce_sum3A_14 : vector<1xf32> to vector<1x1x1x1xf32>
    %reduce_sum3A_16 = vector.extract %reduce_sum3A_15[0, 0, 0, 0] : f32 from vector<1x1x1x1xf32>
    %slice3A_17 = vector.extract_strided_slice %get3A_6 {offsets = [0, 2, 0], sizes = [32, 1, 1], strides = [1, 1, 1]} : vector<32x4x128xf32> to vector<32x1x1xf32>
    %reduce_sum3A_18 = vector.shape_cast %slice3A_17 : vector<32x1x1xf32> to vector<1x32x1x1xf32>
    %reduce_sum3A_19 = arith.constant dense<0.000000e+00> : vector<1xf32>
    %reduce_sum3A_20 = vector.multi_reduction <add>, %reduce_sum3A_18, %reduce_sum3A_19 [1, 2, 3] : vector<1x32x1x1xf32> to vector<1xf32>
    %reduce_sum3A_21 = vector.shape_cast %reduce_sum3A_20 : vector<1xf32> to vector<1x1x1x1xf32>
    %reduce_sum3A_22 = vector.extract %reduce_sum3A_21[0, 0, 0, 0] : f32 from vector<1x1x1x1xf32>
    %mul3A = arith.constant 3.000000e+00 : f32
    %mul3A_23 = arith.mulf %mul3A, %reduce_sum3A_16 : f32
    %convert_element_type3A = arith.fptosi %mul3A_23 : f32 to i32
    %min3A = arith.constant 8732 : i32
    %min3A_24 = arith.minsi %convert_element_type3A, %min3A : i32
    %bitcast_convert_type3A = tpu.bitcast %get3A_2 : vector<32x1x8732xf32> -> vector<32x1x8732xi32>
    %broadcast_in_dim3A = arith.constant 0 : i32
    %broadcast_in_dim3A_25 = vector.broadcast %broadcast_in_dim3A : i32 to vector<32x1x1xi32>
    %broadcast_in_dim3A_26 = arith.constant 2139095040 : i32
    %broadcast_in_dim3A_27 = vector.broadcast %broadcast_in_dim3A_26 : i32 to vector<32x1x1xi32>
    %scan3A = arith.constant 0 : i32
    %scan3A_28 = arith.constant 31 : i32
    %scan3A_29 = arith.addi %scan3A, %scan3A_28 : i32
    %scan3A_30 = arith.constant 1 : i32
    %scan3A_31:2 = scf.for %scan3A_59 = %scan3A to %scan3A_29 step %scan3A_30 iter_args(%scan3A_60 = %broadcast_in_dim3A_25, %scan3A_61 = %broadcast_in_dim3A_27) -> (vector<32x1x1xi32>, vector<32x1x1xi32>)  : i32 {
      %sub3A_62 = arith.subi %scan3A_61, %scan3A_60 : vector<32x1x1xi32>
      %shift_right_arithmetic3A = arith.constant 1 : i32
      %shift_right_arithmetic3A_63 = vector.broadcast %shift_right_arithmetic3A : i32 to vector<32x1x1xi32>
      %shift_right_arithmetic3A_64 = arith.shrsi %sub3A_62, %shift_right_arithmetic3A_63 : vector<32x1x1xi32>
      %add3A_65 = arith.addi %scan3A_60, %shift_right_arithmetic3A_64 : vector<32x1x1xi32>
      %ge3A = vector.broadcast %add3A_65 : vector<32x1x1xi32> to vector<32x1x8732xi32>
      %ge3A_66 = arith.cmpi sge, %bitcast_convert_type3A, %ge3A : vector<32x1x8732xi32>
      %convert_element_type3A_67 = arith.extui %ge3A_66 : vector<32x1x8732xi1> to vector<32x1x8732xi32>
      %reduce_sum3A_68 = arith.constant dense<0> : vector<32x1xi32>
      %reduce_sum3A_69 = vector.multi_reduction <add>, %convert_element_type3A_67, %reduce_sum3A_68 [2] : vector<32x1x8732xi32> to vector<32x1xi32>
      %broadcast_in_dim3A_70 = vector.shape_cast %reduce_sum3A_69 : vector<32x1xi32> to vector<32x1x1xi32>
      %ge3A_71 = vector.broadcast %min3A_24 : i32 to vector<32x1x1xi32>
      %ge3A_72 = arith.cmpi sge, %broadcast_in_dim3A_70, %ge3A_71 : vector<32x1x1xi32>
      %select_n3A_73 = arith.select %ge3A_72, %add3A_65, %scan3A_60 : vector<32x1x1xi1>, vector<32x1x1xi32>
      %select_n3A_74 = arith.select %ge3A_72, %scan3A_61, %add3A_65 : vector<32x1x1xi1>, vector<32x1x1xi32>
      scf.yield %select_n3A_73, %select_n3A_74 : vector<32x1x1xi32>, vector<32x1x1xi32>
    }
    %bitcast_convert_type3A_32 = tpu.bitcast %scan3A_31#0 : vector<32x1x1xi32> -> vector<32x1x1xf32>
    %gt3A = vector.broadcast %scan3A_31#0 : vector<32x1x1xi32> to vector<32x1x8732xi32>
    %gt3A_33 = arith.cmpi sgt, %bitcast_convert_type3A, %gt3A : vector<32x1x8732xi32>
    %convert_element_type3A_34 = arith.extui %gt3A_33 : vector<32x1x8732xi1> to vector<32x1x8732xi32>
    %convert_element_type3A_35 = arith.sitofp %convert_element_type3A_34 : vector<32x1x8732xi32> to vector<32x1x8732xf32>
    %reduce_sum3A_36 = arith.constant dense<0.000000e+00> : vector<32x1xf32>
    %reduce_sum3A_37 = vector.multi_reduction <add>, %convert_element_type3A_35, %reduce_sum3A_36 [2] : vector<32x1x8732xf32> to vector<32x1xf32>
    %broadcast_in_dim3A_38 = vector.shape_cast %reduce_sum3A_37 : vector<32x1xf32> to vector<32x1x1xf32>
    %jit3A = arith.constant 0.000000e+00 : f32
    %broadcast_in_dim3A_39 = vector.broadcast %jit3A : f32 to vector<32x1x8732xf32>
    %select_n3A = arith.select %gt3A_33, %get3A_2, %broadcast_in_dim3A_39 : vector<32x1x8732xi1>, vector<32x1x8732xf32>
    %reduce_sum3A_40 = arith.constant dense<0.000000e+00> : vector<32x1xf32>
    %reduce_sum3A_41 = vector.multi_reduction <add>, %select_n3A, %reduce_sum3A_40 [2] : vector<32x1x8732xf32> to vector<32x1xf32>
    %broadcast_in_dim3A_42 = vector.shape_cast %reduce_sum3A_41 : vector<32x1xf32> to vector<32x1x1xf32>
    %convert_element_type3A_43 = arith.sitofp %min3A_24 : i32 to f32
    %sub3A = vector.broadcast %convert_element_type3A_43 : f32 to vector<32x1x1xf32>
    %sub3A_44 = arith.subf %sub3A, %broadcast_in_dim3A_38 : vector<32x1x1xf32>
    %mul3A_45 = arith.mulf %sub3A_44, %bitcast_convert_type3A_32 : vector<32x1x1xf32>
    %add3A = arith.addf %broadcast_in_dim3A_42, %mul3A_45 : vector<32x1x1xf32>
    %reduce_sum3A_46 = vector.shape_cast %add3A : vector<32x1x1xf32> to vector<1x32x1x1xf32>
    %reduce_sum3A_47 = arith.constant dense<0.000000e+00> : vector<1xf32>
    %reduce_sum3A_48 = vector.multi_reduction <add>, %reduce_sum3A_46, %reduce_sum3A_47 [1, 2, 3] : vector<1x32x1x1xf32> to vector<1xf32>
    %reduce_sum3A_49 = vector.shape_cast %reduce_sum3A_48 : vector<1xf32> to vector<1x1x1x1xf32>
    %reduce_sum3A_50 = vector.extract %reduce_sum3A_49[0, 0, 0, 0] : f32 from vector<1x1x1x1xf32>
    %mul3A_51 = arith.constant 4.000000e+00 : f32
    %mul3A_52 = arith.mulf %reduce_sum3A_16, %mul3A_51 : f32
    %div3A = arith.divf %reduce_sum3A_10, %mul3A_52 : f32
    %add3A_53 = arith.addf %reduce_sum3A_22, %reduce_sum3A_50 : f32
    %div3A_54 = arith.divf %add3A_53, %reduce_sum3A_16 : f32
    %add3A_55 = arith.addf %div3A, %div3A_54 : f32
    %broadcast_in_dim3A_56 = vector.broadcast %add3A_55 : f32 to vector<1x1xf32>
    %swap3A = arith.constant 0 : index
    %swap3A_57 = arith.constant 0 : index
    %swap3A_58 = vector.load %arg2[%swap3A, %swap3A_57] : memref<1x1xf32, #tpu.memory_space<vmem>>, vector<1x1xf32>
    tpu.vector_store %arg2[%swap3A, %swap3A_57], %broadcast_in_dim3A_56 {strides = array<i32>} : memref<1x1xf32, #tpu.memory_space<vmem>>, vector<1x1xf32>,
    return
  }
}

</mosaic_0001>

<sc_bundles>
// kernel: kernel.5.cloned.1.call-start
scs
__scs_entry_jumppad:
0x0: {  	(pc) =	sbr.rel $0x88, $3  }
0x1: {  	(tag) =	ssettag $0x0;
	lr =	simm.s32 $0x1  }
0x2: {  	[smem:$0x3F9C] =	sst lr;
	_ =	strace $0xD0000000  }
0x3: {  	_ = 	snop  }
0x4: {  	_ = 	snop  }
0x5: {  	_ = 	snop  }
0x6: {  	_ = 	snop  }
0x7: {  	_ = 	snop  }
__scs_overlays_trampoline_lowered:
0x8: {  	[smem:$0x3FAB] =	sst s0  }
0x9: {  	[smem:$0x3FAC] =	sst s1  }
0xa: {  	[smem:$0x3FAD] =	sst s2  }
0xb: {  	[smem:$0x3FAE] =	sst s3  }
0xc: {  	[smem:$0x3FAF] =	sst s4  }
0xd: {  	[smem:$0x3FB0] =	sst s5  }
0xe: {  	[smem:$0x3FB1] =	sst s6  }
0xf: {  	[smem:$0x3FB2] =	sst s7  }
0x10: {  	[smem:$0x3FB3] =	sst s8  }
0x11: {  	[smem:$0x3FB4] =	sst s9;
	s0 =	simm.s32 @!p0 $0x0  }
0x12: {  	s1 =	sld [smem:$0x3F9A];
	s0 =	simm.s32 @p0 $0x1  }
0x13: {  	[smem:$0x3FB5] =	sst s0;
	s0 =	simm.s32 @!p1 $0x0  }
0x14: {  	s2 =	sld [smem:$0x3F99];
	s0 =	simm.s32 @p1 $0x1  }
0x15: {  	[smem:$0x3FB6] =	sst s0;
	s0 =	simm.s32 @!p2 $0x0  }
0x16: {  	s3 =	sld [smem:$0x3FDB];
	s0 =	simm.s32 @p2 $0x1  }
0x17: {  	s4 =	simm.s32 $0x1BF5;
	[smem:$0x3FB8] =	sst s0  }
0x18: {  	s0 =	sld [smem:$0x3F9B];
	_ =	swait.ge [sflag:s4], $0x0  }
0x19: {  	s7 =	sld [smem:$0x3F9C]  }
0x1a: {  	s8 =	sadd.s32 $0xFFFFE003, lr  }
0x1b: {  	s9 =	sadd.s32 $0xFFFFFEF7, lr;
	s5 =	simm.s32 $0xFFFFFFFF;
	p2 =	slt.u32 s8, $0xFFFFF086  }
0x1c: {  	p1 =	slt.u32 s9, $0xF7A;
	s5 =	simm.s32 @!p2 $0x0  }
0x1d: {  	s5 =	simm.s32 @p1 $0x1;
	p0 =	seq.s32 s7, s2  }
0x1e: {  	s7 =	smul.u32 @!p0 $0xF7A, s2;
	p2 =	seq.s32 @!p0 s5, $0x0  }
0x1f: {  	s9 =	smul.u32 $0xF7A, s1;
	s8 =	simm.s32 @!p0 $0x1BF5;
	p2 =	por !p2, p0  }
0x20: {  	[sflag:s8] =	ssyncset.s32 @!p0 $0xFFFFF086;
	s6 =	sadd.s32 @!p0 s3, s7;
	s7 =	simm.s32 @!p0 $0x108  }
0x21: {  	s3 =	sadd.s32 s3, s9;
	s6 =	sadd.s32 @!p0 $0x88, s6;
	s7 =	simm.s32 @p2 $0x1082  }
0x22: {  	[simem:s7], [sflag:s8] =	dma.local @!p0 [hbm:s6], $0xF7A  }
0x23: {  	s9 =	sor.u32 $0xD0000000, s2;
	s6 =	simm.s32 $0x108;
	_ =	swait.ge @!p0 [sflag:s8], $0x0  }
0x24: {  	s3 =	sadd.s32 $0x88, s3;
	s6 =	simm.s32 @!p1 $0x1082;
	[sflag:s4] =	ssyncset.s32 $0xFFFFF086  }
0x25: {  	[simem:s6], [sflag:s4] =	dma.local [hbm:s3], $0xF7A  }
0x26: {  	[smem:$0x3F9C] =	sst s1;
	(tag) =	ssettag s2;
	_ =	strace s9  }
0x27: {  	s1 =	sld [smem:$0x3FAC]  }
0x28: {  	s2 =	sld [smem:$0x3FAD]  }
0x29: {  	s4 =	sld [smem:$0x3FAF]  }
0x2a: {  	p0 =	seq.s32 s5, $0x0;
	s5 =	sld [smem:$0x3FB0]  }
0x2b: {  	s6 =	sld [smem:$0x3FB1]  }
0x2c: {  	s7 =	sld [smem:$0x3FB2]  }
0x2d: {  	s3 =	simm.s32 $0x108;
	s8 =	sld [smem:$0x3FB3]  }
0x2e: {  	s3 =	simm.s32 @!p0 $0x1082;
	s9 =	sld [smem:$0x3FB4]  }
0x2f: {  	lr =	sadd.s32 s0, s3;
	s0 =	sld [smem:$0x3FAB]  }
0x30: {  	s3 =	sld [smem:$0x3FAE]  }
0x31: {  	[smem:$0x3FB7] =	sst s10  }
0x32: {  	s10 =	sld [smem:$0x3FB5];
	_ =	sdelay $0x3  }
0x33: {  	p0 =	seq.s32 s10, $0x1;
	s10 =	sld [smem:$0x3FB7];
	_ =	sdelay $0x3  }
0x34: {  	[smem:$0x3FB7] =	sst s10  }
0x35: {  	s10 =	sld [smem:$0x3FB6];
	_ =	sdelay $0x3  }
0x36: {  	p1 =	seq.s32 s10, $0x1;
	s10 =	sld [smem:$0x3FB7];
	_ =	sdelay $0x3  }
0x37: {  	[smem:$0x3FB7] =	sst s10  }
0x38: {  	s10 =	sld [smem:$0x3FB8]  }
0x39: {  	_ = 	snop;
	(pc) =	sbr.ind lr, $3  }
0x3a: {  	_ = 	snop  }
0x3b: {  	_ = 	snop  }
0x3c: {  	p2 =	seq.s32 s10, $0x1;
	s10 =	sld [smem:$0x3FB7]  }
0x3d: {  	_ =	shalt  }
0x3e: {  	_ =	shalt  }
0x3f: {  	_ =	shalt  }
0x40: {  	_ =	shalt  }
0x41: {  	_ =	shalt  }
0x42: {  	_ =	shalt  }
0x43: {  	_ =	shalt  }
0x44: {  	_ =	shalt  }
0x45: {  	_ =	shalt  }
0x46: {  	_ =	shalt  }
0x47: {  	_ =	shalt  }
0x48: {  	_ =	shalt  }
0x49: {  	_ =	shalt  }
0x4a: {  	_ =	shalt  }
0x4b: {  	_ =	shalt  }
0x4c: {  	_ =	shalt  }
0x4d: {  	_ =	shalt  }
0x4e: {  	_ =	shalt  }
0x4f: {  	_ =	shalt  }
0x50: {  	_ =	shalt  }
0x51: {  	_ =	shalt  }
0x52: {  	_ =	shalt  }
0x53: {  	_ =	shalt  }
0x54: {  	_ =	shalt  }
0x55: {  	_ =	shalt  }
0x56: {  	_ =	shalt  }
0x57: {  	_ =	shalt  }
0x58: {  	_ =	shalt  }
0x59: {  	_ =	shalt  }
0x5a: {  	_ =	shalt  }
0x5b: {  	_ =	shalt  }
0x5c: {  	_ =	shalt  }
0x5d: {  	_ =	shalt  }
0x5e: {  	_ =	shalt  }
0x5f: {  	_ =	shalt  }
0x60: {  	_ =	shalt  }
0x61: {  	_ =	shalt  }
0x62: {  	_ =	shalt  }
0x63: {  	_ =	shalt  }
0x64: {  	_ =	shalt  }
0x65: {  	_ =	shalt  }
0x66: {  	_ =	shalt  }
0x67: {  	_ =	shalt  }
0x68: {  	_ =	shalt  }
0x69: {  	_ =	shalt  }
0x6a: {  	_ =	shalt  }
0x6b: {  	_ =	shalt  }
0x6c: {  	_ =	shalt  }
0x6d: {  	_ =	shalt  }
0x6e: {  	_ =	shalt  }
0x6f: {  	_ =	shalt  }
0x70: {  	_ =	shalt  }
0x71: {  	_ =	shalt  }
0x72: {  	_ =	shalt  }
0x73: {  	_ =	shalt  }
0x74: {  	_ =	shalt  }
0x75: {  	_ =	shalt  }
0x76: {  	_ =	shalt  }
0x77: {  	_ =	shalt  }
0x78: {  	_ =	shalt  }
0x79: {  	_ =	shalt  }
0x7a: {  	_ =	shalt  }
0x7b: {  	_ =	shalt  }
0x7c: {  	_ =	shalt  }
0x7d: {  	_ =	shalt  }
0x7e: {  	_ =	shalt  }
0x7f: {  	_ =	shalt  }
0x80: {  	_ =	shalt  }
0x81: {  	_ =	shalt  }
0x82: {  	_ =	shalt  }
0x83: {  	_ =	shalt  }
0x84: {  	_ =	shalt  }
0x85: {  	_ =	shalt  }
0x86: {  	_ =	shalt  }
0x87: {  	_ =	shalt  }
.Lfunc_end0:
.L_simem_size_0:
called_computation_lowered:
.L_overlay_start_0:
0x88: {  	s2 =	sld [smem:$0x3FD9]  }
0x89: {  	s3 =	sld [smem:$0x3FFE];
	_ =	sdelay $0x1  }
0x8a: {  	s1 =	srdreg.scid  }
0x8b: {  	s0 =	sand.u32 $0x1, s1  }
0x8c: {  	s16 =	sshll.u32 s0, $0xA;
	s2 =	sadd.s32 s3, s2  }
0x8d: {  	s2 =	sadd.s32 s2, s16  }
0x8e: {  	[smem:$0x3FC3] =	sst s2  }
0x8f: {  	_ = 	snop  }
0x90: {  	(tm) =	ssettm $0x1  }
0x91: {  	s17 =	sld [smem:$0x3FFB];
	_ =	sdelay $0x3  }
0x92: {  	_ =	strace s17  }
0x93: {  	s2 =	sld [smem:$0x3FFC];
	_ =	sdelay $0x3  }
0x94: {  	_ =	strace s2  }
0x95: {  	s2 =	sld [smem:$0x3FFD];
	_ =	sdelay $0x3  }
0x96: {  	_ =	strace s2  }
0x97: {  	_ =	strace $0x8FFFFFFF  }
0x98: {  	s18 =	sld [smem:$0x3FDB];
	_ =	sdelay $0x1  }
0x99: {  	s19 =	simm.s32 $_scs_section_size  }
0x9a: {  	s4 =	simm.s32 $_size__tile_overlayer_lowered;
	s5 =	simm.s32 $_tile_overlayer_lowered  }
0x9b: {  	s22 =	simm.s32 $0x1BFF;
	s21 =	sshll.u32 s5, $0x1;
	s2 =	sadd.s32 s19, s18  }
0x9c: {  	s6 =	simm.s32 $0x0;
	s20 =	sshll.u32 s4, $0x1;
	s4 =	sadd.s32 s21, s2  }
0x9d: {  	[timem:s6], [sflag:s22] =	dma.local [hbm:s4], s20  }
0x9e: {  	_ =	swait.ge [sflag:s22], s20  }
0x9f: {  	s3 =	ssub.s32 $0x0, s20;
	[sflag:s22] =	ssyncset.done $0x0  }
0xa0: {  	[sflag:s22] =	ssyncadd.s32 s3;
	_ =	sdelay $0x1  }
0xa1: {  	s23 =	simm.s32 $0x1B8B  }
0xa2: {  	_ =	swait.ge [sflag:s23], $0x1  }
0xa3: {  	[sflag:s23] =	ssyncset.done $0x0  }
0xa4: {  	s25 =	simm.s32 $0x1B8E;
	s24 =	sld [smem:$0x3FFE];
	[sflag:s23] =	ssyncadd.s32 $0xFFFFFFFF  }
0xa5: {  	s26 =	simm.s32 $execute0_lowered;
	[smem:$0x3FD2] =	sst s25  }
0xa6: {  	s4 =	sshll.u32 s26, $0x1;
	_ =	strace $0x80000046;
	[dreg:$0x1] =	wrdreg $0xFFFFFFFF  }
0xa7: {  	s28 =	simm.s32 $_size_execute0_lowered;
	s2 =	sadd.s32 s2, s4;
	[dreg:$0x0] =	wrdreg $0x0  }
0xa8: {  	s4 =	sshll.u32 s28, $0x1;
	[dreg:$0x2] =	wrdreg s2  }
0xa9: {  	[dreg:$0x3] =	wrdreg s4  }
0xaa: {  	[dreg:$0x4] =	wrdreg $0xC0  }
0xab: {  	_ =	task [dreg:s6], $0x5FFFF  }
0xac: {  	[dreg:$0x1] =	wrdreg $0xFFFFFFFF  }
0xad: {  	[dreg:$0x0] =	wrdreg $0x60  }
0xae: {  	[dreg:$0x2] =	wrdreg s24  }
0xaf: {  	[dreg:$0x3] =	wrdreg $0x9  }
0xb0: {  	_ =	task.clear_ibuf [dreg:s6], $0x4FFFF;
	_ =	strace $0x90000046  }
0xb1: {  	s29 =	simm.s32 $0x9;
	_ =	strace $0x80000048  }
0xb2: {  	_ =	swait.ge [sflag:s29], $0x1  }
0xb3: {  	[sflag:s29] =	ssyncadd.s32 $0xFFFFFFFF  }
0xb4: {  	_ =	strace $0x90000048  }
0xb5: {  	_ =	sfence  }
0xb6: {  	s30 =	sld [smem:$0x0];
	_ =	sdelay $0x2  }
0xb7: {  	s31 =	sshll.u32 s1, $0xD;
	s1 =	sshrl.u32 s1, $0x2  }
0xb8: {  	s3 =	sand.u32 $0x4000, s31;
	s1 =	sadd.s32 s1, s30  }
0xb9: {  	s0 =	sor.u32 s3, s0;
	s1 =	sshll.u32 s1, $0x11  }
0xba: {  	s0 =	sor.u32 s1, s0  }
0xbb: {  	s0 =	sadd.s32 $0x8F2B, s0  }
0xbc: {  	[sflag:s0] =	ssyncadd.remote.s32 $0x1  }
0xbd: {  	_ =	sfence.sel $0xFFFF  }
0xbe: {  	[dreg:$0x0] =	wrdreg $0xFFFFFFFF;
	(pc) =	sbr.abs _section_cstart, $3  }
0xbf: {  	[dreg:$0x1] =	wrdreg $0xFFFFFFFF  }
0xc0: {  	_ =	task.clear_ibuf [dreg:s6], $0x2FFFF;
	_ =	strace $0x9FFFFFFF  }
0xc1: {  	(tm) =	ssettm $0x7FFFFFFF  }
tec
execute0_lowered:
.L_overlay_start_1:
0x0: {  	(tag) =	ssettag $0x1  }
0x1: {  	v0 =	vimm.s32 $0xFEDCBA98;
	v1 =	vimm.s32 $0x76543210  }
0x2: {  	s0 =	srdreg.scid;
	s3 =	stileid.u32;
	v2 =	vimm.s32 $0x3210FEDC;
	v3 =	vimm.s32 $0xBA987654;
	v4 =	vimm.s32 $0x10FEDCBA  }
0x3: {  	s2 =	rddreg [dreg:$0x0];
	s5 =	simm.s32 $0x0;
	v5 =	vimm.s32 $0x98765432;
	v6 =	vimm.s32 $0xFEDCBA9;
	v7 =	vimm.s32 $0x87654321;
	s0 =	sand.u32 $0x1, s0  }
0x4: {  	v0 =	vunpack.c.l.s4.s8 v0;
	s1 =	sshll.u32 s3, $0x1;
	s3 =	sshrl.u32 s3, $0x2;
	[smem:$0x7FF] =	sst s5;
	v2 =	vunpack.c.l.s4.s8 v2;
	v3 =	vunpack.c.l.s4.s8 v3  }
0x5: {  	v1 =	vunpack.c.l.s4.s8 v1;
	v4 =	vunpack.c.l.s4.s8 v4;
	v5 =	vunpack.c.l.s4.s8 v5;
	s25 =	sadd.s32 $0x1800, s2;
	s28 =	sadd.s32 $0x1810, s2;
	s29 =	sadd.s32 $0x1820, s2  }
0x6: {  	v6 =	vunpack.c.l.s4.s8 v6;
	s30 =	sadd.s32 $0x1830, s2;
	_ =	strace $0x80000047;
	[dreg:$0x2] =	wrdreg s25;
	v2 =	vunpack.c.0.s8.s32 v2;
	v3 =	vunpack.c.0.s8.s32 v3  }
0x7: {  	v7 =	vunpack.c.l.s4.s8 v7;
	s1 =	sor.u32 s0, s1;
	s3 =	smul.u32 $0x11400, s3;
	[dreg:$0x4] =	wrdreg s28;
	v0 =	vunpack.c.0.s8.s32 v0;
	v4 =	vunpack.c.0.s8.s32 v4  }
0x8: {  	s0 =	ssub.s32 $0x2, s0;
	[dreg:$0x5] =	wrdreg s29;
	s4 =	sshll.u32 s1, $0x7;
	v5 =	vunpack.c.0.s8.s32 v5;
	v2 =	vcombine.low v3, v2;
	v3 =	vunpack.c.0.s8.s32 v1  }
0x9: {  	[dreg:$0x6] =	wrdreg s30;
	s1 =	sshll.u32 s1, $0x6;
	v6 =	vunpack.c.0.s8.s32 v6;
	v7 =	vunpack.c.0.s8.s32 v7;
	s4 =	sand.u32 $0x380, s4;
	v8 =	vand.u32 $0xF, v0  }
0xa: {  	s26 =	sshrl.u32 s0, $0x1;
	s1 =	sadd.s32 s1, s2;
	s3 =	sor.u32 s3, s4;
	v4 =	vcombine.low v5, v4;
	v3 =	vcombine.low v8, v3;
	v2 =	vand.u32 $0xF, v2  }
0xb: {  	s0 =	ssub.s32 s0, s26;
	s1 =	sadd.s32 $0x1000, s1;
	v63 =	vcombine.low v7, v6;
	s3 =	sshrl.u32 s3, $0x3;
	[tilespmem:$0x1FFD0] =	vst v2  }
0xc: {  	s0 =	smax.u32 s0, $0x1;
	[dreg:$0x3] =	wrdreg s1;
	s3 =	sadd.s32 s3, s2;
	v2 =	vand.u32 $0xF, v4;
	[tilespmem:$0x1FFC0] =	vst v3  }
0xd: {  	[dreg:$0x8] =	wrdreg s0;
	s1 =	simm.s32 $0x0;
	s31 =	sadd.s32 $0x2A00, s3;
	[tilespmem:$0x1FFE0] =	vst v2;
	v2 =	vand.u32 $0xF, v63  }
0xe: {  	v0 =	vlaneseq.u32;
	v1 =	vimm.s32 $0x0;
	s2 =	simm.s32 $0x1;
	s3 =	simm.s32 $0x80;
	[dreg:$0x7] =	wrdreg s31;
	[tilespmem:$0x1FFF0] =	vst v2  }
.LBB2_1:
0xf: {  	[dreg:$0x9] =	wrdreg s1  }
0x10: {  	s0 =	simm.s32 $0x0;
	s18 =	rddreg [dreg:$0x3]  }
0x11: {  	[tilespmem:s0], [sflag:$0x1] =	stream.linear.gather [hbm4b:s18+s0], $0x200, $0x38;
	[tilespmem:$0xF380] =	vst v63  }
0x12: {  	_ =	swait.ge [sflag:s2], $0x200  }
0x13: {  	[sflag:s2] =	ssyncset.done $0x0  }
0x14: {  	s15 =	simm.s32 $0x200;
	s19 =	rddreg [dreg:$0x2];
	[sflag:s2] =	ssyncadd.s32 $0xFFFFFE00  }
0x15: {  	[tilespmem:s15], [sflag:$0x1] =	stream.strided.gather [hbm4b:s19+s3], $0x2280, s15, s3, $0x38;
	[tilespmem:$0xF380] =	vst v63  }
0x16: {  	_ =	swait.ge [sflag:s2], $0x2280  }
0x17: {  	[sflag:s2] =	ssyncset.done $0x0  }
0x18: {  	s16 =	simm.s32 $0x2480;
	s20 =	rddreg [dreg:$0x4];
	[sflag:s2] =	ssyncadd.s32 $0xFFFFDD80  }
0x19: {  	[tilespmem:s16], [sflag:$0x1] =	stream.strided.gather [hbm4b:s20+s3], $0x2280, s15, s3, $0x38;
	[tilespmem:$0xF380] =	vst v63  }
0x1a: {  	_ =	swait.ge [sflag:s2], $0x2280  }
0x1b: {  	[sflag:s2] =	ssyncset.done $0x0  }
0x1c: {  	s17 =	simm.s32 $0x4700;
	s21 =	rddreg [dreg:$0x5];
	[sflag:s2] =	ssyncadd.s32 $0xFFFFDD80  }
0x1d: {  	[tilespmem:s17], [sflag:$0x1] =	stream.strided.gather [hbm4b:s21+s3], $0x2280, s15, s3, $0x38;
	[tilespmem:$0xF380] =	vst v63  }
0x1e: {  	_ =	swait.ge [sflag:s2], $0x2280  }
0x1f: {  	[sflag:s2] =	ssyncset.done $0x0  }
0x20: {  	s18 =	simm.s32 $0x6980;
	s22 =	rddreg [dreg:$0x6];
	[sflag:s2] =	ssyncadd.s32 $0xFFFFDD80  }
0x21: {  	[tilespmem:s18], [sflag:$0x1] =	stream.strided.gather [hbm4b:s22+s3], $0x2280, s15, s3, $0x38;
	[tilespmem:$0xF380] =	vst v63  }
0x22: {  	_ =	swait.ge [sflag:s2], $0x2280  }
0x23: {  	[sflag:s2] =	ssyncset.done $0x0  }
0x24: {  	[sflag:s2] =	ssyncadd.s32 $0xFFFFDD80  }
0x25: {  	v4 =	vld [tilespmem:$0x100];
	_ =	sdelay $0x1  }
0x26: {  	v2 =	vld [tilespmem:$0x0];
	_ =	sdelay $0x1  }
0x27: {  	v5 =	vld [tilespmem:$0x180]  }
0x28: {  	v6 =	vbroadcast v4, $0x0  }
0x29: {  	v3 =	vld [tilespmem:$0x80]  }
0x2a: {  	[tilespmem:$0x1FB60] =	vst v6;
	v6 =	vbroadcast v2, $0x0;
	_ =	sdelay $0x1  }
0x2b: {  	[tilespmem:$0x1FB70] =	vst v6;
	v6 =	vbroadcast v5, $0x0;
	_ =	sdelay $0x1  }
0x2c: {  	[tilespmem:$0x1FB80] =	vst v6;
	v6 =	vbroadcast v3, $0x0;
	_ =	sdelay $0x1  }
0x2d: {  	[tilespmem:$0x1FB90] =	vst v6;
	v6 =	vbroadcast v4, $0x1;
	_ =	sdelay $0x1  }
0x2e: {  	(v2sf) =	vpush v2, $0x0;
	[tilespmem:$0x1FBA0] =	vst v6;
	v6 =	vbroadcast v2, $0x1  }
0x2f: {  	(v2sf) =	vpush v2, $0x1  }
0x30: {  	(v2sf) =	vpush v2, $0x2;
	[tilespmem:$0x1FBB0] =	vst v6;
	v6 =	vbroadcast v5, $0x1  }
0x31: {  	(v2sf) =	vpush v2, $0x3  }
0x32: {  	(v2sf) =	vpush v2, $0x4;
	[tilespmem:$0x1FBC0] =	vst v6;
	v6 =	vbroadcast v3, $0x1  }
0x33: {  	(v2sf) =	vpush v2, $0x5  }
0x34: {  	(v2sf) =	vpush v2, $0x6;
	[tilespmem:$0x1FBD0] =	vst v6;
	v6 =	vbroadcast v4, $0x2  }
0x35: {  	(v2sf) =	vpush v2, $0x7  }
0x36: {  	(v2sf) =	vpush v2, $0x8;
	[tilespmem:$0x1FBE0] =	vst v6;
	v6 =	vbroadcast v2, $0x2  }
0x37: {  	(v2sf) =	vpush v2, $0x9  }
0x38: {  	(v2sf) =	vpush v2, $0xA;
	[tilespmem:$0x1FBF0] =	vst v6;
	v6 =	vbroadcast v5, $0x2  }
0x39: {  	(v2sf) =	vpush v2, $0xB  }
0x3a: {  	(v2sf) =	vpush v2, $0xC;
	[tilespmem:$0x1FC00] =	vst v6;
	v6 =	vbroadcast v3, $0x2  }
0x3b: {  	(v2sf) =	vpush v2, $0xD  }
0x3c: {  	(v2sf) =	vpush v2, $0xE;
	[tilespmem:$0x1FC10] =	vst v6;
	v6 =	vbroadcast v4, $0x3  }
0x3d: {  	s19 =	spop (v2sf);
	(v2sf) =	vpush v2, $0xF  }
0x3e: {  	s22 =	spop (v2sf);
	(v2sf) =	vpush v3, $0x0;
	[tilespmem:$0x1FC20] =	vst v6;
	v6 =	vbroadcast v2, $0x3  }
0x3f: {  	s25 =	spop (v2sf);
	(v2sf) =	vpush v3, $0x1  }
0x40: {  	s29 =	spop (v2sf);
	(v2sf) =	vpush v3, $0x2;
	[tilespmem:$0x1FC30] =	vst v6;
	v6 =	vbroadcast v5, $0x3  }
0x41: {  	s23 =	spop (v2sf);
	(v2sf) =	vpush v3, $0x3  }
0x42: {  	s24 =	spop (v2sf);
	(v2sf) =	vpush v3, $0x4;
	[tilespmem:$0x1FC40] =	vst v6;
	v6 =	vbroadcast v3, $0x3  }
0x43: {  	s26 =	spop (v2sf);
	(v2sf) =	vpush v3, $0x5  }
0x44: {  	s28 =	spop (v2sf);
	(v2sf) =	vpush v3, $0x6;
	[tilespmem:$0x1FC50] =	vst v6;
	v6 =	vbroadcast v4, $0x4  }
0x45: {  	s30 =	spop (v2sf);
	(v2sf) =	vpush v3, $0x7  }
0x46: {  	s31 =	spop (v2sf);
	(v2sf) =	vpush v3, $0x8;
	[tilespmem:$0x1FC60] =	vst v6;
	v6 =	vbroadcast v2, $0x4  }
0x47: {  	s1 =	spop (v2sf);
	(v2sf) =	vpush v3, $0x9  }
0x48: {  	s2 =	spop (v2sf);
	(v2sf) =	vpush v3, $0xA;
	[tilespmem:$0x1FC70] =	vst v6;
	v6 =	vbroadcast v5, $0x4  }
0x49: {  	s3 =	spop (v2sf);
	(v2sf) =	vpush v3, $0xB  }
0x4a: {  	s4 =	spop (v2sf);
	(v2sf) =	vpush v3, $0xC;
	[tilespmem:$0x1FC80] =	vst v6;
	v6 =	vbroadcast v3, $0x4  }
0x4b: {  	s5 =	spop (v2sf);
	(v2sf) =	vpush v3, $0xD  }
0x4c: {  	s6 =	spop (v2sf);
	(v2sf) =	vpush v3, $0xE;
	[tilespmem:$0x1FC90] =	vst v6;
	v6 =	vbroadcast v4, $0x5  }
0x4d: {  	[dreg:$0xa] =	wrdreg s6;
	s6 =	spop (v2sf);
	(v2sf) =	vpush v3, $0xF  }
0x4e: {  	s8 =	spop (v2sf);
	(v2sf) =	vpush v4, $0x0;
	[tilespmem:$0x1FCA0] =	vst v6;
	v6 =	vbroadcast v2, $0x5  }
0x4f: {  	s9 =	spop (v2sf);
	(v2sf) =	vpush v4, $0x1  }
0x50: {  	s12 =	spop (v2sf);
	(v2sf) =	vpush v4, $0x2;
	[tilespmem:$0x1FCB0] =	vst v6;
	v6 =	vbroadcast v5, $0x5  }
0x51: {  	s14 =	spop (v2sf);
	(v2sf) =	vpush v4, $0x3  }
0x52: {  	s21 =	spop (v2sf);
	(v2sf) =	vpush v4, $0x4;
	[tilespmem:$0x1FCC0] =	vst v6;
	v6 =	vbroadcast v3, $0x5  }
0x53: {  	[dreg:$0x1a] =	wrdreg s24;
	(v2sf) =	vpush v4, $0x5;
	s24 =	spop (v2sf)  }
0x54: {  	[dreg:$0x16] =	wrdreg s28;
	(v2sf) =	vpush v4, $0x6;
	s28 =	spop (v2sf);
	[tilespmem:$0x1FCD0] =	vst v6;
	v6 =	vbroadcast v4, $0x6  }
0x55: {  	[dreg:$0x1e] =	wrdreg s23;
	(v2sf) =	vpush v4, $0x7;
	s7 =	spop (v2sf)  }
0x56: {  	[dreg:$0x18] =	wrdreg s26;
	(v2sf) =	vpush v4, $0x8;
	s10 =	spop (v2sf);
	[tilespmem:$0x1FCE0] =	vst v6;
	v6 =	vbroadcast v2, $0x6  }
0x57: {  	[dreg:$0x13] =	wrdreg s30;
	(v2sf) =	vpush v4, $0x9;
	s11 =	spop (v2sf)  }
0x58: {  	[dreg:$0x11] =	wrdreg s31;
	(v2sf) =	vpush v4, $0xA;
	s13 =	spop (v2sf);
	[tilespmem:$0x1FCF0] =	vst v6;
	v6 =	vbroadcast v5, $0x6  }
0x59: {  	[dreg:$0x10] =	wrdreg s1;
	(v2sf) =	vpush v4, $0xB;
	s20 =	spop (v2sf)  }
0x5a: {  	[dreg:$0xe] =	wrdreg s2;
	(v2sf) =	vpush v4, $0xC;
	s23 =	spop (v2sf);
	[tilespmem:$0x1FD00] =	vst v6;
	v6 =	vbroadcast v3, $0x6  }
0x5b: {  	[dreg:$0xd] =	wrdreg s3;
	(v2sf) =	vpush v4, $0xD;
	s26 =	spop (v2sf)  }
0x5c: {  	[dreg:$0xc] =	wrdreg s4;
	(v2sf) =	vpush v4, $0xE;
	s30 =	spop (v2sf);
	[tilespmem:$0x1FD10] =	vst v6;
	v6 =	vbroadcast v4, $0x7  }
0x5d: {  	[dreg:$0xb] =	wrdreg s5;
	(v2sf) =	vpush v4, $0xF;
	s0 =	spop (v2sf)  }
0x5e: {  	[dreg:$0x1f] =	wrdreg s7;
	(v2sf) =	vpush v5, $0x0;
	s1 =	spop (v2sf);
	[tilespmem:$0x1FD20] =	vst v6;
	v6 =	vbroadcast v2, $0x7  }
0x5f: {  	[dreg:$0x1c] =	wrdreg s10;
	s2 =	spop (v2sf);
	(v2sf) =	vpush v5, $0x1  }
0x60: {  	[dreg:$0x19] =	wrdreg s11;
	s3 =	spop (v2sf);
	[tilespmem:$0x1FD30] =	vst v6;
	v6 =	vbroadcast v5, $0x7  }
0x61: {  	[dreg:$0x17] =	wrdreg s13;
	(v2sf) =	vpush v5, $0x2;
	s4 =	spop (v2sf)  }
0x62: {  	[dreg:$0x15] =	wrdreg s20;
	(v2sf) =	vpush v5, $0x3;
	s5 =	spop (v2sf);
	[tilespmem:$0x1FD40] =	vst v6;
	v6 =	vbroadcast v3, $0x7  }
0x63: {  	[dreg:$0x14] =	wrdreg s23;
	s7 =	spop (v2sf)  }
0x64: {  	[dreg:$0x12] =	wrdreg s26;
	(v2sf) =	vpush v5, $0x4;
	s10 =	spop (v2sf);
	[tilespmem:$0x1FD50] =	vst v6;
	v6 =	vbroadcast v4, $0x8  }
0x65: {  	[dreg:$0xf] =	wrdreg s30;
	s11 =	spop (v2sf)  }
0x66: {  	s0 =	ssub.f32 s0, s19;
	(v2sf) =	vpush v5, $0x5;
	s13 =	spop (v2sf);
	[tilespmem:$0x1FD60] =	vst v6;
	v6 =	vbroadcast v2, $0x8  }
0x67: {  	s19 =	rddreg [dreg:$0x1a];
	s20 =	spop (v2sf)  }
0x68: {  	s1 =	ssub.f32 s1, s22;
	s23 =	spop (v2sf);
	[tilespmem:$0x1FD70] =	vst v6;
	v6 =	vbroadcast v5, $0x8  }
0x69: {  	s2 =	ssub.f32 s2, s25;
	s26 =	spop (v2sf)  }
0x6a: {  	s3 =	ssub.f32 s3, s29;
	(v2sf) =	vpush v5, $0x6;
	s30 =	spop (v2sf);
	[tilespmem:$0x1FD80] =	vst v6;
	v6 =	vbroadcast v3, $0x8  }
0x6b: {  	s29 =	rddreg [dreg:$0x1e];
	s31 =	spop (v2sf)  }
0x6c: {  	[dreg:$0x1d] =	wrdreg s31;
	s31 =	spop (v2sf);
	[tilespmem:$0x1FD90] =	vst v6;
	v6 =	vbroadcast v4, $0x9  }
0x6d: {  	[dreg:$0x1b] =	wrdreg s31;
	s31 =	spop (v2sf)  }
0x6e: {  	s6 =	ssub.f32 s31, s6;
	s22 =	spop (v2sf);
	[tilespmem:$0x1FDA0] =	vst v6;
	v6 =	vbroadcast v2, $0x9  }
0x6f: {  	s8 =	ssub.f32 s22, s8  }
0x70: {  	s31 =	spop (v2sf);
	s6 =	smul.f32 s6, s0;
	[tilespmem:$0x1FDB0] =	vst v6;
	v6 =	vbroadcast v5, $0x9  }
0x71: {  	(v2sf) =	vpush v5, $0x7;
	s0 =	ssub.f32 s31, s9;
	s22 =	spop (v2sf)  }
0x72: {  	s9 =	smul.f32 s8, s1;
	s25 =	ssub.f32 s22, s12;
	[tilespmem:$0x1FDC0] =	vst v6;
	v6 =	vbroadcast v3, $0x9  }
0x73: {  	s8 =	ssub.f32 s4, s29;
	s31 =	spop (v2sf)  }
0x74: {  	(v2sf) =	vpush v5, $0x8;
	s4 =	smul.f32 s0, s2;
	s14 =	ssub.f32 s31, s14;
	[tilespmem:$0x1FDD0] =	vst v6;
	v6 =	vbroadcast v4, $0xA  }
0x75: {  	s2 =	ssub.f32 s5, s19;
	s22 =	spop (v2sf)  }
0x76: {  	s5 =	ssub.f32 s22, s21;
	[tilespmem:$0x1FDE0] =	vst v6;
	v6 =	vbroadcast v2, $0xA  }
0x77: {  	s3 =	smul.f32 s25, s3;
	s25 =	rddreg [dreg:$0x18]  }
0x78: {  	(v2sf) =	vpush v5, $0x9;
	s22 =	rddreg [dreg:$0x13];
	[tilespmem:$0x1FDF0] =	vst v6;
	v6 =	vbroadcast v5, $0xA  }
0x79: {  	s29 =	spop (v2sf);
	s7 =	ssub.f32 s7, s25  }
0x7a: {  	s31 =	ssub.f32 s29, s24;
	[tilespmem:$0x1FE00] =	vst v6;
	v6 =	vbroadcast v3, $0xA  }
0x7b: {  	s1 =	smul.f32 s14, s8;
	s14 =	rddreg [dreg:$0x16]  }
0x7c: {  	s11 =	ssub.f32 s11, s22;
	[tilespmem:$0x1FE10] =	vst v6;
	v6 =	vbroadcast v4, $0xB  }
0x7d: {  	(v2sf) =	vpush v5, $0xA;
	s25 =	rddreg [dreg:$0x1f]  }
0x7e: {  	s22 =	rddreg [dreg:$0x17];
	s0 =	smul.f32 s5, s2;
	[tilespmem:$0x1FE20] =	vst v6;
	v6 =	vbroadcast v2, $0xB  }
0x7f: {  	s10 =	ssub.f32 s10, s14;
	s2 =	smul.f32 s31, s7  }
0x80: {  	(v2sf) =	vpush v5, $0xB;
	s31 =	rddreg [dreg:$0x1c];
	s19 =	spop (v2sf);
	[tilespmem:$0x1FE30] =	vst v6;
	v6 =	vbroadcast v5, $0xB  }
0x81: {  	s21 =	ssub.f32 s19, s28  }
0x82: {  	s28 =	rddreg [dreg:$0x11];
	[tilespmem:$0x1FE40] =	vst v6;
	v6 =	vbroadcast v3, $0xB  }
0x83: {  	s24 =	spop (v2sf);
	s19 =	rddreg [dreg:$0x19]  }
0x84: {  	(v2sf) =	vpush v5, $0xC;
	s7 =	ssub.f32 s24, s25;
	[tilespmem:$0x1FE50] =	vst v6;
	v6 =	vbroadcast v4, $0xC  }
0x85: {  	s8 =	ssub.f32 s13, s28  }
0x86: {  	s13 =	rddreg [dreg:$0x10];
	[tilespmem:$0x1FE60] =	vst v6;
	v6 =	vbroadcast v2, $0xC  }
0x87: {  	s29 =	spop (v2sf);
	s25 =	rddreg [dreg:$0x15]  }
0x88: {  	s5 =	smul.f32 s21, s10;
	s10 =	ssub.f32 s29, s31;
	[tilespmem:$0x1FE70] =	vst v6;
	v6 =	vbroadcast v5, $0xC  }
0x89: {  	(v2sf) =	vpush v5, $0xD;
	s12 =	ssub.f32 s20, s13  }
0x8a: {  	s20 =	rddreg [dreg:$0xe];
	[tilespmem:$0x1FE80] =	vst v6;
	v6 =	vbroadcast v3, $0xC  }
0x8b: {  	s29 =	rddreg [dreg:$0x14]  }
0x8c: {  	s14 =	spop (v2sf);
	s31 =	rddreg [dreg:$0x1d];
	[tilespmem:$0x1FE90] =	vst v6;
	v6 =	vbroadcast v4, $0xD  }
0x8d: {  	(v2sf) =	vpush v5, $0xE;
	s7 =	smul.f32 s7, s11;
	s11 =	ssub.f32 s14, s19  }
0x8e: {  	s13 =	ssub.f32 s23, s20;
	[tilespmem:$0x1FEA0] =	vst v6;
	v6 =	vbroadcast v2, $0xD  }
0x8f: {  	(v2sf) =	vpush v5, $0xF;
	s21 =	spop (v2sf);
	s23 =	rddreg [dreg:$0xd]  }
0x90: {  	s8 =	smul.f32 s10, s8;
	s10 =	ssub.f32 s21, s22;
	[tilespmem:$0x1FEB0] =	vst v6;
	v6 =	vbroadcast v5, $0xD  }
0x91: {  	v10 =	vimm.s32 $0x0;
	v16 =	vimm.s32 $0x0;
	v23 =	vimm.s32 $0x0;
	s14 =	ssub.f32 s26, s23  }
0x92: {  	v30 =	vimm.s32 $0x0;
	v36 =	vimm.s32 $0x0;
	s26 =	rddreg [dreg:$0xc];
	[tilespmem:$0x1FEC0] =	vst v6;
	v6 =	vbroadcast v3, $0xD  }
0x93: {  	v42 =	vimm.s32 $0x0;
	v48 =	vimm.s32 $0x0;
	v54 =	vimm.s32 $0x0;
	s24 =	spop (v2sf);
	s23 =	rddreg [dreg:$0x12]  }
0x94: {  	v62 =	vimm.s32 $0x0;
	v8 =	vimm.s32 $0x0;
	s11 =	smul.f32 s11, s12;
	s12 =	ssub.f32 s24, s25;
	[tilespmem:$0x1FED0] =	vst v6;
	v6 =	vbroadcast v4, $0xE  }
0x95: {  	v17 =	vimm.s32 $0x0;
	v25 =	vimm.s32 $0x0;
	s19 =	ssub.f32 s30, s26;
	v4 =	vbroadcast v4, $0xF  }
0x96: {  	v37 =	vimm.s32 $0x0;
	v45 =	vimm.s32 $0x0;
	s30 =	rddreg [dreg:$0xb];
	[tilespmem:$0x1FEE0] =	vst v6;
	v6 =	vbroadcast v2, $0xE  }
0x97: {  	v57 =	vimm.s32 $0x0;
	v12 =	vimm.s32 $0x0;
	s24 =	rddreg [dreg:$0xa];
	[tilespmem:$0x1FF20] =	vst v4;
	v2 =	vbroadcast v2, $0xF  }
0x98: {  	v20 =	vimm.f32 $-1.000000000e+00;
	v27 =	vimm.f32 $-1.000000000e+00;
	s28 =	spop (v2sf);
	s25 =	rddreg [dreg:$0x1b];
	[tilespmem:$0x1FEF0] =	vst v6;
	v6 =	vbroadcast v5, $0xE  }
0x99: {  	v33 =	vimm.f32 $-1.000000000e+00;
	v40 =	vimm.f32 $-1.000000000e+00;
	s10 =	smul.f32 s10, s13;
	s13 =	ssub.f32 s28, s29;
	[tilespmem:$0x1FF30] =	vst v2;
	v2 =	vbroadcast v5, $0xF  }
0x9a: {  	v47 =	vimm.f32 $-1.000000000e+00;
	v53 =	vimm.f32 $-1.000000000e+00;
	s20 =	ssub.f32 s31, s30;
	[tilespmem:$0x1FF00] =	vst v6;
	v6 =	vbroadcast v3, $0xE  }
0x9b: {  	v59 =	vimm.f32 $-1.000000000e+00;
	v13 =	vimm.f32 $-1.000000000e+00;
	s21 =	ssub.f32 s25, s24;
	[tilespmem:$0x1FF40] =	vst v2;
	v2 =	vbroadcast v3, $0xF  }
0x9c: {  	v24 =	vimm.f32 $-1.000000000e+00;
	v32 =	vimm.f32 $-1.000000000e+00;
	v43 =	vimm.f32 $-1.000000000e+00;
	s22 =	spop (v2sf);
	s29 =	rddreg [dreg:$0xf];
	[tilespmem:$0x1FF10] =	vst v6  }
0x9d: {  	v58 =	vimm.f32 $-1.000000000e+00;
	v14 =	vimm.f32 $-1.000000000e+00;
	s12 =	smul.f32 s12, s14;
	s14 =	ssub.f32 s22, s23;
	[tilespmem:$0x1FF50] =	vst v2;
	v2 =	vmov s6  }
0x9e: {  	v15 =	vimm.f32 $-1.000000000e+00;
	v56 =	vmov s2;
	s28 =	smul.f32 s13, s19;
	s26 =	spop (v2sf);
	[tilespmem:$0x1FF60] =	vst v2;
	v2 =	vmov s9  }
0x9f: {  	v60 =	vmov s5;
	v61 =	vmov s7;
	s30 =	smul.f32 s14, s20;
	s6 =	ssub.f32 s26, s29;
	[tilespmem:$0x1FF70] =	vst v2;
	v2 =	vmov s4  }
0xa0: {  	v63 =	vmov s8;
	v7 =	vmov s28;
	[tilespmem:$0x1FF80] =	vst v2;
	v2 =	vmov s3  }
0xa1: {  	v9 =	vmov s30;
	v4 =	vimm.f32 $-1.000000000e+00;
	s31 =	smul.f32 s6, s21;
	[tilespmem:$0x1FF90] =	vst v2;
	v2 =	vmov s1  }
0xa2: {  	v5 =	vmov s12;
	v3 =	vmov s10;
	[tilespmem:$0x1FFA0] =	vst v2;
	v2 =	vmov s0  }
0xa3: {  	s19 =	simm.s32 $0x8C00;
	s20 =	simm.s32 $0xAE80;
	v6 =	vimm.f32 $-1.000000000e+00;
	s21 =	simm.s32 $0x0;
	v11 =	vmov s31;
	[tilespmem:$0x1FFB0] =	vst v2;
	v2 =	vmov s11  }
.LBB2_2:
0xa4: {  	v22 =	vld [tilespmem:s15+$0x0]  }
0xa5: {  	v19 =	vld [tilespmem:s16+$0x0]  }
0xa6: {  	v26 =	vld [tilespmem:s17+$0x0]  }
0xa7: {  	v21 =	vld [tilespmem:s18+$0x0]  }
0xa8: {  	v29 =	vld [tilespmem:$0x1FB60]  }
0xa9: {  	v31 =	vld [tilespmem:$0x1FB70]  }
0xaa: {  	v34 =	vld [tilespmem:$0x1FB80]  }
0xab: {  	v35 =	vld [tilespmem:$0x1FB90];
	_ =	sdelay $0x3  }
0xac: {  	v18 =	vsub.f32 v26, v22;
	v28 =	vsub.f32 v21, v19;
	v29 =	vmin.f32 v26, v29  }
0xad: {  	v52 =	vld [tilespmem:$0x1FBB0];
	v31 =	vmax.f32 v22, v31;
	v34 =	vmin.f32 v21, v34;
	v35 =	vmax.f32 v19, v35  }
0xae: {  	v55 =	vld [tilespmem:$0x1FBC0];
	v29 =	vsub.f32 v29, v31;
	v31 =	vsub.f32 v34, v35  }
0xaf: {  	v38 =	vld [tilespmem:$0x1FBD0]  }
0xb0: {  	v18 =	vmul.f32 v28, v18;
	v28 =	vmax.f32 v29, $0.0e+00;
	v29 =	vmax.f32 v31, $0.0e+00;
	v31 =	vld [tilespmem:$0x1FBA0]  }
0xb1: {  	v28 =	vmul.f32 v29, v28;
	v29 =	vld [tilespmem:$0x1FF60];
	_ =	sdelay $0x2  }
0xb2: {  	v39 =	vld [tilespmem:$0x1FBE0]  }
0xb3: {  	v41 =	vld [tilespmem:$0x1FBF0];
	v38 =	vmax.f32 v19, v38;
	v34 =	vmax.f32 v22, v52  }
0xb4: {  	v44 =	vld [tilespmem:$0x1FC00];
	v35 =	vmin.f32 v21, v55;
	v31 =	vmin.f32 v26, v31;
	v29 =	vadd.f32 v18, v29  }
0xb5: {  	v46 =	vld [tilespmem:$0x1FC10];
	v38 =	vsub.f32 v35, v38;
	v31 =	vsub.f32 v31, v34  }
0xb6: {  	v49 =	vld [tilespmem:$0x1FC20];
	v29 =	vsub.f32 v29, v28  }
0xb7: {  	v52 =	vld [tilespmem:$0x1FC40];
	v34 =	vmax.f32 v38, $0.0e+00;
	v31 =	vmax.f32 v31, $0.0e+00  }
0xb8: {  	(erf) = vrcp.f32 v29;
	v29 =	vmul.f32 v34, v31;
	v31 =	vld [tilespmem:$0x1FF70]  }
0xb9: {  	v34 =	vmin.f32 v26, v39;
	v39 =	vld [tilespmem:$0x1FC30]  }
0xba: {  	v55 =	vld [tilespmem:$0x1FC50];
	v35 =	vmax.f32 v22, v41  }
0xbb: {  	v34 =	vsub.f32 v34, v35;
	v35 =	vmin.f32 v21, v44;
	v44 =	vld [tilespmem:$0x1FC60]  }
0xbc: {  	v38 =	vmax.f32 v19, v46  }
0xbd: {  	v51 =	vld [tilespmem:$0x1FF80];
	v35 =	vsub.f32 v35, v38  }
0xbe: {  	v41 =	vld [tilespmem:$0x1FC70];
	v38 =	vmin.f32 v26, v49;
	v31 =	vadd.f32 v18, v31;
	v39 =	vmax.f32 v22, v39  }
0xbf: {  	v46 =	vld [tilespmem:$0x1FC90];
	v50 =	vsub.f32 v38, v39;
	v38 =	vmin.f32 v21, v52;
	v39 =	vmax.f32 v19, v55  }
0xc0: {  	v31 =	vsub.f32 v31, v29;
	v38 =	vsub.f32 v38, v39;
	v39 =	vmin.f32 v26, v44;
	v44 =	vld [tilespmem:$0x1FC80]  }
0xc1: {  	v34 =	vmax.f32 v34, $0.0e+00;
	v35 =	vmax.f32 v35, $0.0e+00  }
0xc2: {  	(erf) = vrcp.f32 v31;
	v31 =	vmul.f32 v35, v34;
	v34 =	vmax.f32 v50, $0.0e+00;
	v50 =	vld [tilespmem:$0x1FF90];
	_ =	sdelay $0x1  }
0xc3: {  	v41 =	vmax.f32 v22, v41;
	v35 =	vadd.f32 v18, v51;
	v51 =	vld [tilespmem:$0x1FFA0]  }
0xc4: {  	v46 =	vmax.f32 v19, v46;
	v39 =	vsub.f32 v39, v41;
	v49 =	vpop (erf);
	v44 =	vmin.f32 v21, v44  }
0xc5: {  	v38 =	vmax.f32 v38, $0.0e+00;
	v28 =	vmul.f32 v49, v28;
	v49 =	vld [tilespmem:$0x1FCB0];
	v46 =	vsub.f32 v44, v46  }
0xc6: {  	v34 =	vmul.f32 v38, v34;
	v38 =	vadd.f32 v18, v50;
	v50 =	vld [tilespmem:$0x1FCC0]  }
0xc7: {  	v39 =	vmax.f32 v39, $0.0e+00;
	v41 =	vmax.f32 v46, $0.0e+00;
	v46 =	vld [tilespmem:$0x1FCA0]  }
0xc8: {  	v39 =	vmul.f32 v41, v39;
	v41 =	vadd.f32 v18, v51;
	v51 =	vld [tilespmem:$0x1FCD0]  }
0xc9: {  	v35 =	vsub.f32 v35, v31;
	_ =	sdelay $0x1  }
0xca: {  	(erf) = vrcp.f32 v35;
	v44 =	vmax.f32 v22, v49  }
0xcb: {  	v52 =	vsub.f32 v38, v34;
	v55 =	vsub.f32 v41, v39;
	v41 =	vmin.f32 v26, v46  }
0xcc: {  	v41 =	vsub.f32 v41, v44;
	v44 =	vmin.f32 v21, v50;
	v46 =	vmax.f32 v19, v51;
	v51 =	vld [tilespmem:$0x1FCF0]  }
0xcd: {  	(erf) = vrcp.f32 v52;
	v52 =	vsub.f32 v44, v46;
	v46 =	vld [tilespmem:$0x1FFB0];
	_ =	sdelay $0x1  }
0xce: {  	v50 =	vpop (erf)  }
0xcf: {  	v29 =	vmul.f32 v50, v29;
	v50 =	vld [tilespmem:$0x1FCE0]  }
0xd0: {  	vm0 =	vgt.f32 v28, $-1.000000000e+00;
	(erf) = vrcp.f32 v55;
	v35 =	vmax.f32 v52, $0.0e+00;
	v52 =	vld [tilespmem:$0x1FD00]  }
0xd1: {  	v55 =	vmax.f32 v41, $0.0e+00;
	v41 =	vadd.f32 v18, v46;
	v46 =	vmax.f32 v22, v51;
	v51 =	vld [tilespmem:$0x1FD10]  }
0xd2: {  	vm4 =	vgt.f32 v28, v15;
	v49 =	vnsel vm0, $0xBF800000, v28  }
0xd3: {  	v15 =	vsel vm4, v28, v15;
	vm10 =	vgt.f32 v29, v49;
	vm1 =	vgt.f32 v29, v14  }
0xd4: {  	v35 =	vmul.f32 v35, v55;
	v28 =	vsel vm10, v29, v49;
	v49 =	vld [tilespmem:$0x1FD20];
	v44 =	vmin.f32 v26, v50  }
0xd5: {  	v14 =	vsel vm1, v29, v14;
	v55 =	vsub.f32 v44, v46  }
0xd6: {  	v50 =	vmin.f32 v21, v52;
	v52 =	vpop (erf);
	v41 =	vsub.f32 v41, v35;
	v51 =	vmax.f32 v19, v51  }
0xd7: {  	v38 =	vmax.f32 v55, $0.0e+00;
	v31 =	vmul.f32 v52, v31;
	v29 =	vpop (erf);
	v51 =	vsub.f32 v50, v51;
	v50 =	vld [tilespmem:$0x1FD30]  }
0xd8: {  	v55 =	vadd.f32 v18, v56;
	v52 =	vld [tilespmem:$0x1FD50];
	(erf) = vrcp.f32 v41;
	v29 =	vmul.f32 v29, v34  }
0xd9: {  	v34 =	vmin.f32 v26, v49;
	vm6 =	vgt.f32 v31, v28;
	v44 =	vmax.f32 v51, $0.0e+00;
	v51 =	vld [tilespmem:$0x1FD40]  }
0xda: {  	vm2 =	vgt.f32 v31, v58;
	v28 =	vsel vm6, v31, v28;
	v38 =	vmul.f32 v44, v38  }
0xdb: {  	v58 =	vsel vm2, v31, v58;
	vm3 =	vgt.f32 v29, v43;
	vm7 =	vgt.f32 v29, v28  }
0xdc: {  	v43 =	vsel vm3, v29, v43;
	v46 =	vsub.f32 v55, v38;
	v41 =	vmax.f32 v22, v50;
	v55 =	vpop (erf);
	v50 =	vld [tilespmem:$0x1FD60]  }
0xdd: {  	v28 =	vsel vm7, v29, v28;
	v29 =	vimm.s32 $0x0;
	v31 =	vmul.f32 v55, v39;
	v55 =	vld [tilespmem:$0x1FD90]  }
0xde: {  	(erf) = vrcp.f32 v46;
	v44 =	vmin.f32 v21, v51;
	v46 =	vmax.f32 v19, v52;
	v51 =	vld [tilespmem:$0x1FD70]  }
0xdf: {  	v34 =	vsub.f32 v34, v41;
	v52 =	vld [tilespmem:$0x1FD80];
	v44 =	vsub.f32 v44, v46;
	vm14 =	vgt.f32 v31, v32  }
0xe0: {  	v29 =	vsel vm14, $0xFFFFFFFF, v29  }
0xe1: {  	v34 =	vmax.f32 v34, $0.0e+00;
	v46 =	vmax.f32 v44, $0.0e+00  }
0xe2: {  	v49 =	vadd.f32 v18, v60;
	v34 =	vmul.f32 v46, v34  }
0xe3: {  	[tilespmem:$0x1FB50] =	vst v29;
	v39 =	vmin.f32 v26, v50;
	v46 =	vmax.f32 v19, v55;
	v29 =	vpop (erf);
	v41 =	vmax.f32 v22, v51  }
0xe4: {  	v55 =	vld [tilespmem:$0x1FDA0];
	v44 =	vmin.f32 v21, v52;
	v29 =	vmul.f32 v29, v35;
	v35 =	vsub.f32 v49, v34  }
0xe5: {  	v39 =	vsub.f32 v39, v41;
	v49 =	vsub.f32 v44, v46;
	v44 =	vld [tilespmem:$0x1FDB0]  }
0xe6: {  	v46 =	vld [tilespmem:$0x1FDC0]  }
0xe7: {  	v50 =	vmax.f32 v39, $0.0e+00;
	v51 =	vmax.f32 v49, $0.0e+00;
	v49 =	vld [tilespmem:$0x1FDD0]  }
0xe8: {  	(erf) = vrcp.f32 v35;
	v35 =	vmul.f32 v51, v50;
	v50 =	vld [tilespmem:$0x1FDE0]  }
0xe9: {  	vm9 =	vgt.f32 v31, v28;
	v52 =	vadd.f32 v18, v61;
	v51 =	vld [tilespmem:$0x1FDF0]  }
0xea: {  	v28 =	vsel vm9, v31, v28;
	v32 =	vsel vm14, v31, v32;
	v31 =	vpop (erf);
	v39 =	vmin.f32 v26, v55;
	v55 =	vld [tilespmem:$0x1FE10]  }
0xeb: {  	v31 =	vmul.f32 v31, v38;
	v38 =	vsub.f32 v52, v35;
	v52 =	vld [tilespmem:$0x1FE00]  }
0xec: {  	vm11 =	vgt.f32 v29, v28;
	vm5 =	vgt.f32 v29, v24  }
0xed: {  	v28 =	vsel vm11, v29, v28;
	v24 =	vsel vm5, v29, v24;
	v41 =	vmax.f32 v22, v44  }
0xee: {  	v39 =	vsub.f32 v39, v41;
	v41 =	vmin.f32 v21, v46;
	v44 =	vmax.f32 v19, v49  }
0xef: {  	v29 =	vsub.f32 v41, v44;
	v44 =	vmin.f32 v26, v50;
	v46 =	vmax.f32 v22, v51  }
0xf0: {  	v50 =	vmax.f32 v19, v55;
	v49 =	vmin.f32 v21, v52;
	v52 =	vsub.f32 v44, v46  }
0xf1: {  	v55 =	vsub.f32 v49, v50  }
0xf2: {  	v46 =	vmax.f32 v52, $0.0e+00;
	v52 =	vld [tilespmem:$0x1FE40]  }
0xf3: {  	v49 =	vmax.f32 v55, $0.0e+00;
	v55 =	vld [tilespmem:$0x1FE50];
	_ =	sdelay $0x1  }
0xf4: {  	vm12 =	vgt.f32 v31, v28;
	vm8 =	vgt.f32 v31, v13;
	v51 =	vpop (erf);
	v50 =	vld [tilespmem:$0x1FE20]  }
0xf5: {  	v28 =	vsel vm12, v31, v28;
	v13 =	vsel vm8, v31, v13;
	v31 =	vmul.f32 v51, v34;
	v51 =	vld [tilespmem:$0x1FE30]  }
0xf6: {  	(erf) = vrcp.f32 v38;
	v38 =	vmul.f32 v49, v46;
	v46 =	vmin.f32 v21, v52;
	v52 =	vld [tilespmem:$0x1FE60]  }
0xf7: {  	v39 =	vmax.f32 v39, $0.0e+00;
	v29 =	vmax.f32 v29, $0.0e+00;
	v49 =	vmax.f32 v19, v55;
	v55 =	vld [tilespmem:$0x1FE70]  }
0xf8: {  	v41 =	vadd.f32 v18, v63;
	v29 =	vmul.f32 v29, v39;
	_ =	sdelay $0x1  }
0xf9: {  	v34 =	vsub.f32 v41, v29;
	v41 =	vmin.f32 v26, v50;
	v44 =	vmax.f32 v22, v51  }
0xfa: {  	v41 =	vsub.f32 v41, v44;
	v44 =	vsub.f32 v46, v49;
	v46 =	vmin.f32 v26, v52;
	v52 =	vld [tilespmem:$0x1FE80]  }
0xfb: {  	v49 =	vmax.f32 v22, v55;
	v55 =	vld [tilespmem:$0x1FE90];
	_ =	sdelay $0x3  }
0xfc: {  	v50 =	vmin.f32 v21, v52;
	v52 =	vld [tilespmem:$0x1FEA0]  }
0xfd: {  	v51 =	vmax.f32 v19, v55;
	v55 =	vld [tilespmem:$0x1FEB0];
	_ =	sdelay $0x3  }
0xfe: {  	v46 =	vsub.f32 v46, v49;
	v49 =	vsub.f32 v50, v51;
	v50 =	vmin.f32 v26, v52;
	v52 =	vld [tilespmem:$0x1FEC0]  }
0xff: {  	v51 =	vmax.f32 v22, v55;
	v55 =	vld [tilespmem:$0x1FED0];
	_ =	sdelay $0x1  }
0x100: {  	v39 =	vadd.f32 v18, v2  }
0x101: {  	vm14 =	vgt.f32 v31, v28;
	vm13 =	vgt.f32 v31, v4  }
0x102: {  	(erf) = vrcp.f32 v34;
	v28 =	vsel vm14, v31, v28;
	v39 =	vsub.f32 v39, v38  }
0x103: {  	v34 =	vsub.f32 v50, v51;
	v52 =	vmin.f32 v21, v52;
	v55 =	vmax.f32 v19, v55  }
0x104: {  	v41 =	vmax.f32 v41, $0.0e+00;
	v50 =	vsub.f32 v52, v55;
	v52 =	vadd.f32 v18, v5  }
0x105: {  	v44 =	vmax.f32 v44, $0.0e+00;
	v46 =	vmax.f32 v46, $0.0e+00;
	v49 =	vmax.f32 v49, $0.0e+00  }
0x106: {  	v41 =	vmul.f32 v44, v41;
	v46 =	vmul.f32 v49, v46;
	v55 =	vadd.f32 v18, v3  }
0x107: {  	v4 =	vsel vm13, v31, v4;
	(erf) = vrcp.f32 v39;
	v34 =	vmax.f32 v34, $0.0e+00  }
0x108: {  	v50 =	vmax.f32 v50, $0.0e+00;
	v44 =	vsub.f32 v55, v41;
	v39 =	vsub.f32 v52, v46;
	v52 =	vpop (erf)  }
0x109: {  	v55 =	vadd.f32 v18, v7;
	v34 =	vmul.f32 v50, v34;
	v31 =	vmul.f32 v52, v35;
	v52 =	vld [tilespmem:$0x1FF10]  }
0x10a: {  	v49 =	vld [tilespmem:$0x1FEE0]  }
0x10b: {  	v51 =	vld [tilespmem:$0x1FF00];
	(erf) = vrcp.f32 v44;
	v55 =	vsub.f32 v55, v34  }
0x10c: {  	v50 =	vld [tilespmem:$0x1FEF0];
	(erf) = vrcp.f32 v39  }
0x10d: {  	(erf) = vrcp.f32 v55;
	v55 =	vld [tilespmem:$0x1FF20]  }
0x10e: {  	v44 =	vmax.f32 v19, v52;
	v52 =	vld [tilespmem:$0x1FF30];
	_ =	sdelay $0x3  }
0x10f: {  	v35 =	vmin.f32 v26, v49;
	v39 =	vmax.f32 v22, v50;
	v26 =	vmin.f32 v26, v55;
	v55 =	vld [tilespmem:$0x1FF40]  }
0x110: {  	v35 =	vsub.f32 v35, v39;
	v39 =	vmin.f32 v21, v51;
	v22 =	vmax.f32 v22, v52;
	v52 =	vld [tilespmem:$0x1FF50]  }
0x111: {  	v39 =	vsub.f32 v39, v44  }
0x112: {  	vm15 =	vgt.f32 v31, v28  }
0x113: {  	v28 =	vsel vm15, v31, v28;
	v35 =	vmax.f32 v35, $0.0e+00;
	v39 =	vmax.f32 v39, $0.0e+00  }
0x114: {  	v44 =	vsel vm10, $0x1, v1;
	vm10 =	vgt.f32 v31, v59;
	v35 =	vmul.f32 v39, v35  }
0x115: {  	v22 =	vsub.f32 v26, v22;
	v26 =	vpop (erf);
	v21 =	vmin.f32 v21, v55;
	v19 =	vmax.f32 v19, v52  }
0x116: {  	v55 =	vpop (erf);
	v26 =	vmul.f32 v26, v29;
	v19 =	vsub.f32 v21, v19;
	v21 =	vadd.f32 v18, v9  }
0x117: {  	v59 =	vsel vm10, v31, v59;
	v29 =	vmul.f32 v55, v38;
	v22 =	vmax.f32 v22, $0.0e+00  }
0x118: {  	vm0 =	vgt.f32 v26, v28;
	v21 =	vsub.f32 v21, v35;
	v19 =	vmax.f32 v19, $0.0e+00  }
0x119: {  	v28 =	vsel vm0, v26, v28;
	v19 =	vmul.f32 v19, v22;
	v22 =	vor.u32 s21, v0  }
0x11a: {  	v18 =	vadd.f32 v18, v11;
	(erf) = vrcp.f32 v21;
	v12 =	vsel vm4, v22, v12  }
0x11b: {  	v21 =	vsel vm6, $0x2, v44;
	vm4 =	vgt.f32 v26, v53;
	vm6 =	vgt.f32 v29, v47  }
0x11c: {  	v57 =	vsel vm1, v22, v57;
	v18 =	vsub.f32 v18, v19;
	v53 =	vsel vm4, v26, v53;
	v26 =	vpop (erf)  }
0x11d: {  	v21 =	vsel vm7, $0x3, v21;
	vm7 =	vgt.f32 v29, v28;
	v26 =	vmul.f32 v26, v41  }
0x11e: {  	v47 =	vsel vm6, v29, v47;
	v31 =	vpop (erf);
	v28 =	vsel vm7, v29, v28;
	(erf) = vrcp.f32 v18  }
0x11f: {  	v21 =	vsel vm9, $0x4, v21;
	v29 =	vmul.f32 v31, v46;
	vm9 =	vgt.f32 v26, v28  }
0x120: {  	v45 =	vsel vm2, v22, v45;
	v21 =	vsel vm11, $0x5, v21;
	v18 =	vpop (erf);
	v28 =	vsel vm9, v26, v28  }
0x121: {  	vm2 =	vgt.f32 v26, v40;
	v18 =	vmul.f32 v18, v34;
	vm11 =	vgt.f32 v29, v28  }
0x122: {  	v37 =	vsel vm3, v22, v37;
	v40 =	vsel vm2, v26, v40;
	v26 =	vsel vm11, v29, v28  }
0x123: {  	v17 =	vsel vm5, v22, v17;
	v21 =	vsel vm12, $0x6, v21;
	vm12 =	vgt.f32 v18, v26;
	v28 =	vpop (erf)  }
0x124: {  	v21 =	vsel vm14, $0x7, v21;
	v26 =	vsel vm12, v18, v26;
	v28 =	vmul.f32 v28, v35  }
0x125: {  	v8 =	vsel vm8, v22, v8;
	v62 =	vsel vm13, v22, v62;
	v21 =	vsel vm15, $0x8, v21  }
0x126: {  	v21 =	vsel vm0, $0x9, v21;
	vm0 =	vgt.f32 v18, v27;
	vm3 =	vgt.f32 v28, v26  }
0x127: {  	v54 =	vsel vm10, v22, v54;
	v27 =	vsel vm0, v18, v27;
	v18 =	vsel vm3, v28, v26;
	v26 =	vpop (erf)  }
0x128: {  	v48 =	vsel vm4, v22, v48;
	v42 =	vsel vm6, v22, v42;
	v19 =	vmul.f32 v26, v19;
	v26 =	vld [tilespmem:$0x1FB50]  }
0x129: {  	vm1 =	vgt.f32 v29, v33;
	v36 =	vsel vm2, v22, v36;
	v21 =	vsel vm7, $0xA, v21  }
0x12a: {  	p0 =	sne.s32 s21, $0x2210;
	v33 =	vsel vm1, v29, v33;
	v30 =	vsel vm1, v22, v30;
	v21 =	vsel vm9, $0xB, v21  }
.Ltmp0:
0x12b: {  	v23 =	vsel vm0, v22, v23;
	v21 =	vsel vm11, $0xC, v21;
	vm14 =	vgt.f32 v28, v20;
	(pc) =	sbr.rel @p0 .LBB2_2-.Ltmp0, $4  }
0x12c: {  	v21 =	vsel vm12, $0xD, v21;
	v20 =	vsel vm14, v28, v20;
	vm13 =	vgt.f32 v19, v18  }
0x12d: {  	s15 =	sadd.s32 $0x10, s15;
	v21 =	vsel vm3, $0xE, v21;
	v18 =	vsel vm13, v19, v18;
	vm15 =	vnez.u8 v26  }
0x12e: {  	s16 =	sadd.s32 $0x10, s16;
	s17 =	sadd.s32 $0x10, s17;
	s18 =	sadd.s32 $0x10, s18;
	[tilespmem:s19+$0x0] =	vst v18;
	v18 =	vsel vm13, $0xF, v21;
	v25 =	vsel vm15, v22, v25;
	vm15 =	vgt.f32 v19, v6  }
0x12f: {  	s21 =	sadd.s32 $0x10, s21;
	v16 =	vsel vm14, v22, v16;
	s19 =	sadd.s32 $0x10, s19;
	[tilespmem:s20+$0x0] =	vst v18;
	s20 =	sadd.s32 $0x10, s20;
	v10 =	vsel vm15, v22, v10;
	v6 =	vsel vm15, v19, v6  }
0x130: {  	v44 =	vld [tilespmem:$0x1FFC0];
	_ =	sdelay $0x4  }
0x131: {  	v3 =	vperm.xlane v15, v44;
	v2 =	vperm.xlane v12, v44  }
0x132: {  	v7 =	vperm.xlane v14, v44;
	v5 =	vperm.xlane v57, v44  }
0x133: {  	v11 =	vperm.xlane v58, v44;
	v9 =	vperm.xlane v45, v44  }
0x134: {  	v18 =	vperm.xlane v43, v44;
	v19 =	vperm.xlane v25, v44  }
0x135: {  	v22 =	vperm.xlane v24, v44;
	v21 =	vperm.xlane v17, v44  }
0x136: {  	v26 =	vperm.xlane v13, v44;
	v28 =	vperm.xlane v8, v44  }
0x137: {  	v56 =	vperm.xlane v4, v44;
	v29 =	vperm.xlane v62, v44  }
0x138: {  	v31 =	vperm.xlane v53, v44;
	v34 =	vperm.xlane v47, v44  }
0x139: {  	v35 =	vperm.xlane v42, v44;
	v60 =	vperm.xlane v30, v44  }
0x13a: {  	v38 =	vperm.xlane v27, v44;
	v39 =	vperm.xlane v23, v44  }
0x13b: {  	v41 =	vperm.xlane v16, v44;
	v63 =	vperm.xlane v10, v44;
	vm0 =	vgt.f32 v3, v15  }
0x13c: {  	vm1 =	veq.f32 v3, v15;
	vm2 =	vlt.s32 v2, v12;
	vm12 =	vgt.f32 v7, v14  }
0x13d: {  	vm13 =	veq.f32 v7, v14;
	vm3 =	vlt.s32 v5, v57;
	vm15 =	vgt.f32 v11, v58  }
0x13e: {  	vm6 =	veq.f32 v11, v58;
	vm7 =	vlt.s32 v9, v45;
	v3 =	vmax.f32 v15, v3  }
0x13f: {  	vm9 =	vgt.f32 v18, v43;
	vm10 =	veq.f32 v18, v43;
	v15 =	vperm.xlane v32, v44  }
0x140: {  	v7 =	vmax.f32 v14, v7;
	v11 =	vmax.f32 v58, v11;
	vm1 =	vmand vm1, vm2  }
0x141: {  	v14 =	vmax.f32 v43, v18;
	vm2 =	vmand vm13, vm3;
	vm0 =	vmor vm0, vm1  }
0x142: {  	v50 =	vld [tilespmem:$0x1FFD0];
	vm14 =	vmor vm12, vm2;
	vm2 =	vmand vm6, vm7;
	vm13 =	vgt.f32 v15, v32  }
0x143: {  	vm7 =	vgt.f32 v22, v24;
	v2 =	vsel vm0, v2, v12;
	v12 =	vperm.xlane v37, v44  }
0x144: {  	v5 =	vsel vm14, v5, v57;
	vm8 =	vmor vm15, vm2;
	vm14 =	veq.f32 v15, v32  }
0x145: {  	vm15 =	vlt.s32 v19, v25;
	v57 =	vperm.xlane v48, v44;
	v9 =	vsel vm8, v9, v45  }
0x146: {  	vm8 =	veq.f32 v22, v24;
	v22 =	vmax.f32 v24, v22;
	vm11 =	vlt.s32 v12, v37  }
0x147: {  	v51 =	vperm.xlane v2, v50;
	v52 =	vperm.xlane v5, v50;
	vm2 =	vmand vm10, vm11  }
0x148: {  	vm11 =	vgt.f32 v26, v13;
	vm12 =	vmor vm9, vm2;
	vm2 =	vmand vm14, vm15  }
0x149: {  	vm9 =	vlt.s32 v21, v17;
	vm15 =	vgt.f32 v56, v4;
	v12 =	vsel vm12, v12, v37  }
0x14a: {  	vm6 =	vmor vm13, vm2;
	vm2 =	vmand vm8, vm9;
	vm12 =	veq.f32 v26, v13  }
0x14b: {  	vm13 =	vlt.s32 v28, v8;
	v13 =	vmax.f32 v13, v26;
	v18 =	vsel vm6, v19, v25  }
0x14c: {  	vm10 =	vmor vm7, vm2;
	vm2 =	vmand vm12, vm13;
	v19 =	vmax.f32 v32, v15  }
0x14d: {  	vm6 =	veq.f32 v56, v4;
	vm7 =	vlt.s32 v29, v62;
	v15 =	vperm.xlane v59, v44  }
0x14e: {  	vm13 =	vgt.f32 v31, v53;
	v25 =	vmax.f32 v4, v56;
	v4 =	vperm.xlane v40, v44  }
0x14f: {  	v21 =	vsel vm10, v21, v17;
	vm14 =	vmor vm11, vm2;
	vm2 =	vmand vm6, vm7  }
0x150: {  	v17 =	vperm.xlane v54, v44;
	vm7 =	vgt.f32 v34, v47;
	v8 =	vsel vm14, v28, v8  }
0x151: {  	vm8 =	vmor vm15, vm2;
	vm9 =	vgt.f32 v15, v59;
	vm10 =	veq.f32 v15, v59  }
0x152: {  	vm14 =	veq.f32 v31, v53;
	vm15 =	vlt.s32 v57, v48;
	v58 =	vmax.f32 v59, v15  }
0x153: {  	v15 =	vperm.xlane v33, v44;
	v31 =	vmax.f32 v53, v31;
	v53 =	vperm.xlane v9, v50  }
0x154: {  	vm11 =	vlt.s32 v17, v54;
	v24 =	vsel vm8, v29, v62;
	vm8 =	veq.f32 v34, v47  }
0x155: {  	v34 =	vmax.f32 v47, v34;
	v56 =	vperm.xlane v31, v50;
	vm2 =	vmand vm10, vm11  }
0x156: {  	vm11 =	vgt.f32 v4, v40;
	vm12 =	vmor vm9, vm2;
	vm2 =	vmand vm14, vm15  }
0x157: {  	vm9 =	vlt.s32 v35, v42;
	vm15 =	vgt.f32 v15, v33;
	v26 =	vsel vm12, v17, v54  }
0x158: {  	vm6 =	vmor vm13, vm2;
	vm2 =	vmand vm8, vm9;
	v17 =	vperm.xlane v36, v44  }
0x159: {  	vm12 =	veq.f32 v4, v40;
	vm9 =	vgt.f32 v38, v27;
	v54 =	vperm.xlane v12, v50  }
0x15a: {  	v59 =	vsel vm6, v57, v48;
	vm10 =	vmor vm7, vm2;
	vm6 =	veq.f32 v15, v33  }
0x15b: {  	vm7 =	vlt.s32 v60, v30;
	v48 =	vmax.f32 v33, v15;
	v15 =	vperm.xlane v3, v50  }
0x15c: {  	vm13 =	vlt.s32 v17, v36;
	v61 =	vsel vm10, v35, v42;
	vm10 =	veq.f32 v38, v27  }
0x15d: {  	v27 =	vmax.f32 v27, v38;
	v57 =	vperm.xlane v59, v50;
	vm2 =	vmand vm12, vm13  }
0x15e: {  	vm14 =	vmor vm11, vm2;
	vm2 =	vmand vm6, vm7;
	vm11 =	vlt.s32 v39, v23  }
0x15f: {  	v62 =	vsel vm14, v17, v36;
	vm8 =	vmor vm15, vm2;
	vm2 =	vmand vm10, vm11  }
0x160: {  	v17 =	vperm.xlane v20, v44;
	v36 =	vmax.f32 v40, v4;
	vm15 =	vlt.s32 v41, v16  }
0x161: {  	v4 =	vperm.xlane v6, v44;
	vm11 =	vgt.f32 v15, v3;
	v30 =	vsel vm8, v60, v30  }
0x162: {  	vm12 =	vmor vm9, vm2;
	vm9 =	vlt.s32 v63, v10;
	vm13 =	vgt.f32 v17, v20  }
0x163: {  	vm14 =	veq.f32 v17, v20;
	v49 =	vsel vm12, v39, v23;
	vm7 =	vgt.f32 v4, v6  }
0x164: {  	vm8 =	veq.f32 v4, v6;
	vm12 =	veq.f32 v15, v3;
	v20 =	vmax.f32 v20, v17  }
0x165: {  	v6 =	vmax.f32 v6, v4;
	v4 =	vperm.xlane v14, v50;
	v15 =	vmax.f32 v3, v15  }
0x166: {  	v3 =	vperm.xlane v19, v50;
	vm2 =	vmand vm14, vm15;
	v60 =	vperm.xlane v49, v50  }
0x167: {  	vm6 =	vmor vm13, vm2;
	vm2 =	vmand vm8, vm9;
	vm13 =	vlt.s32 v51, v2  }
0x168: {  	v37 =	vsel vm6, v41, v16;
	vm10 =	vmor vm7, vm2;
	vm2 =	vmand vm12, vm13  }
0x169: {  	v16 =	vperm.xlane v7, v50;
	vm7 =	vlt.s32 v52, v5;
	vm13 =	vgt.f32 v4, v14  }
0x16a: {  	v38 =	vsel vm10, v63, v10;
	vm14 =	vmor vm11, vm2;
	v10 =	vperm.xlane v11, v50  }
0x16b: {  	vm11 =	vlt.s32 v53, v9;
	v63 =	vperm.xlane v6, v50;
	vm15 =	vgt.f32 v16, v7  }
0x16c: {  	vm6 =	veq.f32 v16, v7;
	v39 =	vsel vm14, v51, v2;
	vm14 =	veq.f32 v4, v14  }
0x16d: {  	v17 =	vmax.f32 v7, v16;
	v7 =	vperm.xlane v22, v50;
	v4 =	vmax.f32 v14, v4  }
0x16e: {  	v14 =	vperm.xlane v24, v50;
	v16 =	vperm.xlane v26, v50;
	vm2 =	vmand vm6, vm7  }
0x16f: {  	vm9 =	vgt.f32 v10, v11;
	vm10 =	veq.f32 v10, v11;
	vm7 =	vgt.f32 v3, v19  }
0x170: {  	v2 =	vmax.f32 v11, v10;
	v10 =	vperm.xlane v13, v50;
	v11 =	vperm.xlane v8, v50  }
0x171: {  	vm8 =	vmor vm15, vm2;
	vm2 =	vmand vm10, vm11;
	vm15 =	vlt.s32 v54, v12  }
0x172: {  	v51 =	vld [tilespmem:$0x1FFE0];
	vm11 =	vgt.f32 v7, v22;
	v40 =	vsel vm8, v52, v5;
	vm12 =	vmor vm9, vm2  }
0x173: {  	vm2 =	vmand vm14, vm15;
	v5 =	vperm.xlane v18, v50;
	vm8 =	veq.f32 v3, v19  }
0x174: {  	vm15 =	vgt.f32 v10, v13;
	v41 =	vsel vm12, v53, v9;
	vm6 =	vmor vm13, vm2  }
0x175: {  	v9 =	vperm.xlane v21, v50;
	vm12 =	veq.f32 v7, v22;
	v7 =	vmax.f32 v22, v7  }
0x176: {  	vm9 =	vlt.s32 v5, v18;
	v42 =	vsel vm6, v54, v12;
	vm6 =	veq.f32 v10, v13  }
0x177: {  	v12 =	vperm.xlane v25, v50;
	v52 =	vperm.xlane v15, v51;
	vm2 =	vmand vm8, vm9  }
0x178: {  	v53 =	vperm.xlane v39, v51;
	vm13 =	vlt.s32 v9, v21;
	vm10 =	vmor vm7, vm2  }
0x179: {  	vm2 =	vmand vm12, vm13;
	vm7 =	vlt.s32 v11, v8;
	vm9 =	vgt.f32 v12, v25  }
0x17a: {  	v43 =	vsel vm10, v5, v18;
	vm14 =	vmor vm11, vm2;
	vm2 =	vmand vm6, vm7  }
0x17b: {  	v5 =	vmax.f32 v19, v3;
	vm10 =	veq.f32 v12, v25;
	vm11 =	vlt.s32 v14, v24  }
0x17c: {  	v3 =	vperm.xlane v58, v50;
	vm7 =	vgt.f32 v56, v31;
	v19 =	vsel vm14, v9, v21  }
0x17d: {  	vm8 =	vmor vm15, vm2;
	vm2 =	vmand vm10, vm11;
	vm15 =	vlt.s32 v16, v26  }
0x17e: {  	v9 =	vmax.f32 v25, v12;
	v12 =	vperm.xlane v36, v50;
	v55 =	vsel vm8, v11, v8  }
0x17f: {  	vm12 =	vmor vm9, vm2;
	vm13 =	vgt.f32 v3, v58;
	vm14 =	veq.f32 v3, v58  }
0x180: {  	v8 =	vmax.f32 v13, v10;
	vm8 =	veq.f32 v56, v31;
	vm9 =	vlt.s32 v57, v59  }
0x181: {  	v10 =	vperm.xlane v34, v50;
	v11 =	vmax.f32 v58, v3;
	v3 =	vperm.xlane v48, v50  }
0x182: {  	v58 =	vperm.xlane v30, v50;
	v13 =	vmax.f32 v31, v56;
	v56 =	vperm.xlane v17, v51  }
0x183: {  	vm2 =	vmand vm14, vm15;
	v18 =	vsel vm12, v14, v24;
	v14 =	vperm.xlane v61, v50  }
0x184: {  	vm15 =	vgt.f32 v12, v36;
	v44 =	vperm.xlane v11, v51;
	v46 =	vperm.xlane v13, v51  }
0x185: {  	vm6 =	vmor vm13, vm2;
	vm2 =	vmand vm8, vm9;
	vm11 =	vgt.f32 v10, v34  }
0x186: {  	vm12 =	veq.f32 v10, v34;
	vm9 =	vgt.f32 v3, v48;
	v26 =	vsel vm6, v16, v26  }
0x187: {  	vm10 =	vmor vm7, vm2;
	vm13 =	vlt.s32 v14, v61;
	v16 =	vperm.xlane v62, v50  }
0x188: {  	vm6 =	veq.f32 v12, v36;
	vm2 =	vmand vm12, vm13;
	v28 =	vsel vm10, v57, v59  }
0x189: {  	vm10 =	veq.f32 v3, v48;
	v59 =	vperm.xlane v27, v50;
	v57 =	vperm.xlane v40, v51  }
0x18a: {  	vm14 =	vmor vm11, vm2;
	vm7 =	vlt.s32 v16, v62;
	vm11 =	vlt.s32 v58, v30  }
0x18b: {  	vm2 =	vmand vm6, vm7;
	v29 =	vsel vm14, v14, v61;
	v14 =	vmax.f32 v34, v10  }
0x18c: {  	vm13 =	vgt.f32 v59, v27;
	vm14 =	veq.f32 v59, v27;
	v61 =	vperm.xlane v20, v50  }
0x18d: {  	v10 =	vmax.f32 v48, v3;
	vm8 =	vmor vm15, vm2;
	vm2 =	vmand vm10, vm11  }
0x18e: {  	vm15 =	vlt.s32 v60, v49;
	vm11 =	vgt.f32 v63, v6;
	v47 =	vperm.xlane v10, v51  }
0x18f: {  	v35 =	vsel vm8, v16, v62;
	vm12 =	vmor vm9, vm2;
	vm2 =	vmand vm14, vm15  }
0x190: {  	v62 =	vperm.xlane v37, v50;
	v16 =	vmax.f32 v36, v12;
	vm7 =	vgt.f32 v61, v20  }
0x191: {  	vm8 =	veq.f32 v61, v20;
	v36 =	vperm.xlane v38, v50;
	v12 =	vmax.f32 v27, v59  }
0x192: {  	vm15 =	vgt.f32 v52, v15;
	v3 =	vmax.f32 v20, v61;
	v20 =	vperm.xlane v41, v51  }
0x193: {  	v59 =	vperm.xlane v43, v51;
	v61 =	vperm.xlane v18, v51;
	v30 =	vsel vm12, v58, v30  }
0x194: {  	vm6 =	vmor vm13, vm2;
	vm12 =	veq.f32 v63, v6;
	v6 =	vmax.f32 v6, v63  }
0x195: {  	v58 =	vperm.xlane v42, v51;
	v63 =	vmax.f32 v15, v52;
	v23 =	vperm.xlane v3, v51  }
0x196: {  	vm9 =	vlt.s32 v62, v37;
	v31 =	vsel vm6, v60, v49;
	vm13 =	vlt.s32 v36, v38  }
0x197: {  	vm6 =	veq.f32 v52, v15;
	v60 =	vperm.xlane v55, v51;
	vm2 =	vmand vm8, vm9  }
0x198: {  	v49 =	vperm.xlane v14, v51;
	vm9 =	vgt.f32 v56, v17;
	vm10 =	vmor vm7, vm2  }
0x199: {  	vm2 =	vmand vm12, vm13;
	vm7 =	vlt.s32 v53, v39;
	v54 =	vsel vm10, v62, v37  }
0x19a: {  	vm14 =	vmor vm11, vm2;
	vm2 =	vmand vm6, vm7;
	vm10 =	veq.f32 v56, v17  }
0x19b: {  	vm11 =	vlt.s32 v57, v40;
	vm6 =	vlt.s32 v58, v42;
	v37 =	vperm.xlane v5, v51  }
0x19c: {  	v62 =	vperm.xlane v28, v51;
	v17 =	vmax.f32 v17, v56;
	v25 =	vsel vm14, v36, v38  }
0x19d: {  	vm8 =	vmor vm15, vm2;
	vm2 =	vmand vm10, vm11;
	v38 =	vperm.xlane v2, v51  }
0x19e: {  	vm14 =	vlt.s32 v20, v41;
	v50 =	vperm.xlane v54, v51;
	v34 =	vsel vm8, v53, v39  }
0x19f: {  	vm12 =	vmor vm9, vm2;
	v39 =	vperm.xlane v4, v51;
	vm8 =	veq.f32 v37, v5  }
0x1a0: {  	vm9 =	vlt.s32 v59, v43;
	vm10 =	vgt.f32 v37, v5;
	v5 =	vmax.f32 v5, v37  }
0x1a1: {  	vm13 =	veq.f32 v38, v2;
	vm15 =	vgt.f32 v38, v2;
	v36 =	vsel vm12, v57, v40  }
0x1a2: {  	v40 =	vperm.xlane v7, v51;
	vm1 =	vmand vm13, vm14;
	vm5 =	veq.f32 v39, v4  }
0x1a3: {  	v53 =	vld [tilespmem:$0x1FFF0];
	vm7 =	vgt.f32 v39, v4;
	vm4 =	vmor vm15, vm1;
	vm1 =	vmand vm5, vm6  }
0x1a4: {  	vm11 =	vgt.f32 v40, v7;
	vm12 =	veq.f32 v40, v7;
	vm15 =	vlt.s32 v60, v55  }
0x1a5: {  	vm6 =	vlt.s32 v61, v18;
	v21 =	vsel vm4, v20, v41;
	vm0 =	vmor vm7, vm1  }
0x1a6: {  	vm1 =	vmand vm8, vm9;
	v20 =	vperm.xlane v19, v51;
	v41 =	vperm.xlane v8, v51  }
0x1a7: {  	vm8 =	veq.f32 v44, v11;
	v24 =	vsel vm0, v58, v42;
	v42 =	vperm.xlane v9, v51  }
0x1a8: {  	vm0 =	vmor vm10, vm1;
	v56 =	vperm.xlane v63, v53;
	v57 =	vperm.xlane v34, v53  }
0x1a9: {  	vm10 =	vgt.f32 v44, v11;
	v58 =	vperm.xlane v17, v53;
	v52 =	vperm.xlane v36, v53  }
0x1aa: {  	v11 =	vmax.f32 v11, v44;
	v22 =	vsel vm0, v59, v43;
	vm13 =	vlt.s32 v20, v19  }
0x1ab: {  	vm14 =	veq.f32 v41, v8;
	vm4 =	vgt.f32 v41, v8;
	v43 =	vperm.xlane v16, v51  }
0x1ac: {  	v59 =	vmax.f32 v2, v38;
	vm1 =	vmand vm12, vm13;
	vm2 =	vmand vm14, vm15  }
0x1ad: {  	vm5 =	veq.f32 v42, v9;
	vm7 =	vgt.f32 v42, v9;
	vm12 =	vlt.s32 v62, v28  }
0x1ae: {  	vm13 =	vgt.f32 v46, v13;
	vm15 =	veq.f32 v49, v14;
	vm0 =	vmor vm11, vm1  }
0x1af: {  	vm1 =	vmor vm4, vm2;
	vm11 =	veq.f32 v46, v13;
	v13 =	vmax.f32 v13, v46  }
0x1b0: {  	v32 =	vsel vm0, v20, v19;
	v19 =	vsel vm1, v60, v55;
	v20 =	vperm.xlane v26, v51  }
0x1b1: {  	vm0 =	vmand vm5, vm6;
	vm2 =	vmand vm11, vm12;
	v55 =	vperm.xlane v29, v51  }
0x1b2: {  	vm11 =	vgt.f32 v43, v16;
	vm12 =	veq.f32 v47, v10;
	v60 =	vmax.f32 v4, v39  }
0x1b3: {  	v4 =	vperm.xlane v59, v53;
	vm0 =	vmor vm7, vm0;
	vm14 =	vmor vm13, vm2  }
0x1b4: {  	vm7 =	vgt.f32 v49, v14;
	v14 =	vmax.f32 v14, v49;
	v45 =	vperm.xlane v19, v53  }
0x1b5: {  	v49 =	vperm.xlane v11, v53;
	vm9 =	vlt.s32 v20, v26;
	v33 =	vsel vm0, v61, v18  }
0x1b6: {  	vm6 =	vlt.s32 v55, v29;
	v18 =	vperm.xlane v35, v51;
	v27 =	vsel vm14, v62, v28  }
0x1b7: {  	vm14 =	vgt.f32 v47, v10;
	v61 =	vperm.xlane v21, v53;
	v62 =	vperm.xlane v60, v53  }
0x1b8: {  	vm1 =	vmand vm8, vm9;
	vm9 =	veq.f32 v43, v16;
	v16 =	vmax.f32 v16, v43  }
0x1b9: {  	v43 =	vperm.xlane v32, v53;
	v48 =	vperm.xlane v33, v53;
	vm1 =	vmor vm10, vm1  }
0x1ba: {  	vm10 =	vlt.s32 v18, v35;
	v15 =	vsel vm1, v20, v26;
	vm1 =	vmand vm15, vm6  }
0x1bb: {  	v20 =	vperm.xlane v30, v51;
	vm6 =	veq.f32 v23, v3;
	vm8 =	vmor vm7, vm1  }
0x1bc: {  	vm1 =	vmand vm9, vm10;
	vm7 =	vlt.s32 v50, v54;
	v28 =	vsel vm8, v55, v29  }
0x1bd: {  	vm0 =	vmor vm11, vm1;
	vm13 =	vlt.s32 v20, v30;
	vm8 =	vgt.f32 v23, v3  }
0x1be: {  	vm2 =	vmand vm6, vm7;
	vm6 =	vlt.s32 v52, v36;
	vm7 =	vgt.f32 v58, v17  }
0x1bf: {  	v26 =	vsel vm0, v18, v35;
	vm1 =	vmand vm12, vm13;
	v35 =	vperm.xlane v12, v51  }
0x1c0: {  	v18 =	vperm.xlane v31, v51;
	vm12 =	veq.f32 v56, v63;
	vm13 =	vlt.s32 v57, v34  }
0x1c1: {  	v55 =	vperm.xlane v28, v53;
	vm0 =	vmor vm14, vm1;
	vm14 =	vgt.f32 v56, v63  }
0x1c2: {  	v63 =	vmax.f32 v7, v40;
	v40 =	vmax.f32 v8, v41;
	v8 =	vperm.xlane v24, v53  }
0x1c3: {  	v41 =	vmax.f32 v9, v42;
	v7 =	vperm.xlane v5, v53;
	v9 =	vperm.xlane v22, v53  }
0x1c4: {  	v56 =	vperm.xlane v26, v53;
	v20 =	vsel vm0, v20, v30;
	vm15 =	vgt.f32 v35, v12  }
0x1c5: {  	vm4 =	veq.f32 v35, v12;
	v30 =	vperm.xlane v6, v51;
	v51 =	vperm.xlane v25, v51  }
0x1c6: {  	vm5 =	vlt.s32 v18, v31;
	v42 =	vperm.xlane v63, v53;
	v44 =	vperm.xlane v40, v53  }
0x1c7: {  	v46 =	vperm.xlane v41, v53;
	vm1 =	vmand vm4, vm5;
	vm5 =	vlt.s32 v55, v28  }
0x1c8: {  	vm0 =	vmor vm15, vm1;
	vm1 =	vmor vm8, vm2;
	vm9 =	veq.f32 v30, v6  }
0x1c9: {  	vm10 =	vlt.s32 v51, v25;
	vm11 =	vgt.f32 v30, v6;
	vm15 =	veq.f32 v58, v17  }
0x1ca: {  	v29 =	vsel vm0, v18, v31;
	v18 =	vsel vm1, v50, v54;
	vm0 =	vmand vm9, vm10  }
0x1cb: {  	vm1 =	vmand vm12, vm13;
	vm2 =	vmand vm15, vm6;
	vm9 =	veq.f32 v4, v59  }
0x1cc: {  	vm10 =	vlt.s32 v61, v21;
	vm13 =	vgt.f32 v62, v60;
	vm15 =	vlt.s32 v8, v24  }
0x1cd: {  	vm6 =	vgt.f32 v7, v5;
	v50 =	vperm.xlane v15, v53;
	v54 =	vperm.xlane v27, v53  }
0x1ce: {  	vm0 =	vmor vm11, vm0;
	vm1 =	vmor vm14, vm1;
	vm8 =	vmor vm7, vm2  }
0x1cf: {  	vm11 =	vgt.f32 v4, v59;
	vm12 =	vmand vm9, vm10;
	vm14 =	veq.f32 v62, v60  }
0x1d0: {  	s31 =	simm.s32 $0x0;
	vm7 =	veq.f32 v7, v5;
	vm9 =	veq.f32 v42, v63;
	vm10 =	vlt.s32 v43, v32  }
0x1d1: {  	v58 =	vperm.xlane v29, v53;
	v60 =	vmax.f32 v3, v23;
	v62 =	vor.u32 s31, v0  }
0x1d2: {  	v17 =	vsel vm0, v51, v25;
	v2 =	vsel vm1, v57, v34;
	v4 =	vsel vm8, v52, v36  }
0x1d3: {  	vm0 =	vmor vm11, vm12;
	vm2 =	vmand vm14, vm15;
	vm8 =	vlt.s32 v9, v22  }
0x1d4: {  	vm11 =	vgt.f32 v42, v63;
	vm12 =	veq.f32 v44, v40;
	vm14 =	vgt.f32 v44, v40  }
0x1d5: {  	vm15 =	veq.f32 v46, v41;
	v51 =	vmax.f32 v10, v47;
	v52 =	vmax.f32 v12, v35  }
0x1d6: {  	v12 =	vperm.xlane v13, v53;
	v63 =	vperm.xlane v18, v53;
	vm1 =	vmor vm13, vm2  }
0x1d7: {  	v7 =	vsel vm0, v61, v21;
	vm0 =	vmand vm7, vm8;
	vm13 =	vlt.s32 v45, v19  }
0x1d8: {  	vm7 =	vgt.f32 v46, v41;
	vm8 =	veq.f32 v49, v11;
	v57 =	vperm.xlane v52, v53  }
0x1d9: {  	v61 =	vmax.f32 v6, v30;
	v5 =	vsel vm1, v8, v24;
	vm0 =	vmor vm6, vm0  }
0x1da: {  	vm1 =	vmand vm9, vm10;
	vm6 =	vlt.s32 v48, v33;
	vm9 =	vlt.s32 v50, v15  }
0x1db: {  	vm10 =	vgt.f32 v49, v11;
	vm1 =	vmor vm11, vm1;
	v9 =	vsel vm0, v9, v22  }
0x1dc: {  	vm0 =	vmand vm12, vm13;
	vm2 =	vmand vm8, vm9;
	vm12 =	veq.f32 v12, v13  }
0x1dd: {  	vm13 =	vlt.s32 v54, v27;
	vm8 =	vlt.s32 v56, v26;
	v8 =	vsel vm1, v43, v32  }
0x1de: {  	vm0 =	vmor vm14, vm0;
	vm1 =	vmand vm15, vm6;
	vm11 =	vmor vm10, vm2  }
0x1df: {  	vm14 =	vgt.f32 v12, v13;
	vm1 =	vmor vm7, vm1;
	v11 =	vsel vm0, v45, v19  }
0x1e0: {  	s0 =	simm.s32 $0x8C00;
	v19 =	vperm.xlane v14, v53;
	v12 =	vsel vm11, v50, v15;
	v15 =	vperm.xlane v16, v53  }
0x1e1: {  	v59 =	vld [tilespmem:s0+$0x0];
	v10 =	vsel vm1, v48, v33;
	vm1 =	vmand vm12, vm13;
	vm13 =	veq.f32 v57, v52  }
0x1e2: {  	vm15 =	vmor vm14, vm1;
	vm4 =	veq.f32 v19, v14;
	vm6 =	vgt.f32 v19, v14  }
0x1e3: {  	vm7 =	veq.f32 v15, v16;
	vm9 =	vgt.f32 v15, v16;
	v16 =	vperm.xlane v51, v53  }
0x1e4: {  	v19 =	vperm.xlane v20, v53;
	vm14 =	vlt.s32 v58, v29;
	v13 =	vsel vm15, v54, v27  }
0x1e5: {  	s15 =	simm.s32 $0xAE80;
	vm1 =	vmand vm4, vm5;
	vm15 =	vmand vm13, vm14;
	vm4 =	vgt.f32 v57, v52  }
0x1e6: {  	vm5 =	vlt.f32 v59, $5.000000000e-01;
	vm10 =	vgt.f32 v16, v51;
	vm11 =	veq.f32 v16, v51;
	v16 =	vld [tilespmem:s15+$0x0]  }
0x1e7: {  	vm0 =	vmor vm6, vm1;
	vm1 =	vmand vm7, vm8;
	vm12 =	vlt.s32 v19, v20  }
0x1e8: {  	v14 =	vsel vm0, v55, v28;
	vm0 =	vmor vm9, vm1;
	vm1 =	vmand vm11, vm12  }
0x1e9: {  	vm13 =	veq.s32 v62, v9;
	v15 =	vsel vm0, v56, v26;
	vm0 =	vmor vm10, vm1  }
0x1ea: {  	vm6 =	veq.s32 v62, v2;
	v6 =	vsel vm0, v19, v20;
	v20 =	vsel vm5, $0x10, v1  }
0x1eb: {  	vm8 =	veq.s32 v62, v4;
	vm9 =	vlt.s32 v63, v18;
	v16 =	vadd.s32 v16, v20  }
0x1ec: {  	vm11 =	veq.s32 v62, v5;
	v19 =	vperm.xlane v60, v53;
	v16 =	vsel vm6, $0x0, v16  }
0x1ed: {  	vm1 =	vmor vm4, vm15;
	vm10 =	veq.s32 v62, v7;
	v16 =	vsel vm8, $0x1, v16  }
0x1ee: {  	v3 =	vsel vm1, v58, v29;
	vm7 =	veq.f32 v19, v60;
	v16 =	vsel vm10, $0x2, v16  }
0x1ef: {  	vm12 =	vgt.f32 v19, v60;
	vm1 =	vmand vm7, vm9;
	v16 =	vsel vm11, $0x3, v16  }
0x1f0: {  	vm14 =	veq.s32 v62, v8;
	vm1 =	vmor vm12, vm1;
	v19 =	vsel vm13, $0x4, v16  }
0x1f1: {  	vm15 =	veq.s32 v62, v11;
	v16 =	vsel vm1, v63, v18;
	v18 =	vsel vm14, $0x5, v19  }
0x1f2: {  	vm4 =	veq.s32 v62, v10;
	vm5 =	veq.s32 v62, v12;
	v18 =	vsel vm15, $0x6, v18  }
0x1f3: {  	v20 =	vperm.xlane v17, v53;
	vm7 =	veq.s32 v62, v13;
	v18 =	vsel vm4, $0x7, v18  }
0x1f4: {  	vm9 =	veq.s32 v62, v14;
	v19 =	vperm.xlane v61, v53;
	v18 =	vsel vm5, $0x8, v18  }
0x1f5: {  	vm8 =	vlt.s32 v20, v17;
	vm12 =	veq.s32 v62, v6;
	v18 =	vsel vm7, $0x9, v18  }
0x1f6: {  	vm10 =	veq.s32 v62, v15;
	vm6 =	veq.f32 v19, v61;
	v18 =	vsel vm9, $0xA, v18  }
0x1f7: {  	vm11 =	vgt.f32 v19, v61;
	vm1 =	vmand vm6, vm8;
	v18 =	vsel vm10, $0xB, v18  }
0x1f8: {  	vm13 =	veq.s32 v62, v3;
	vm1 =	vmor vm11, vm1;
	v18 =	vsel vm12, $0xC, v18  }
0x1f9: {  	vm14 =	veq.s32 v62, v16;
	v17 =	vsel vm1, v20, v17;
	v18 =	vsel vm13, $0xD, v18  }
0x1fa: {  	vm15 =	veq.s32 v62, v17;
	v18 =	vsel vm14, $0xE, v18  }
0x1fb: {  	s0 =	simm.s32 $0xD100;
	v18 =	vsel vm15, $0xF, v18  }
0x1fc: {  	s2 =	simm.s32 $0x8C10;
	[tilespmem:s0+$0x0] =	vst v18  }
0x1fd: {  	s1 =	simm.s32 $0x10;
	s3 =	simm.s32 $0x20;
	v18 =	vld [tilespmem:s2+$0x0]  }
.LBB2_4:
0x1fe: {  	p0 =	sne.s32 s3, $0x2210;
	s15 =	sadd.s32 $0x10, s15  }
0x1ff: {  	v19 =	vld [tilespmem:s15+$0x0];
	_ =	sdelay $0x2  }
0x200: {  	vm0 =	vlt.f32 v18, $5.000000000e-01  }
0x201: {  	v20 =	vor.u32 s1, v0;
	s1 =	smov.u32 s3;
	v18 =	vsel vm0, $0x10, v1  }
0x202: {  	vm0 =	veq.s32 v20, v2;
	v18 =	vadd.s32 v19, v18  }
0x203: {  	v18 =	vsel vm0, $0x0, v18;
	vm0 =	veq.s32 v20, v4  }
0x204: {  	v18 =	vsel vm0, $0x1, v18;
	vm0 =	veq.s32 v20, v7  }
0x205: {  	v18 =	vsel vm0, $0x2, v18;
	vm0 =	veq.s32 v20, v5  }
0x206: {  	v18 =	vsel vm0, $0x3, v18;
	vm0 =	veq.s32 v20, v9  }
0x207: {  	v18 =	vsel vm0, $0x4, v18;
	vm0 =	veq.s32 v20, v8  }
0x208: {  	v18 =	vsel vm0, $0x5, v18;
	vm0 =	veq.s32 v20, v11  }
0x209: {  	v18 =	vsel vm0, $0x6, v18;
	vm0 =	veq.s32 v20, v10  }
0x20a: {  	v18 =	vsel vm0, $0x7, v18;
	vm0 =	veq.s32 v20, v12  }
0x20b: {  	v18 =	vsel vm0, $0x8, v18;
	vm0 =	veq.s32 v20, v13  }
0x20c: {  	v18 =	vsel vm0, $0x9, v18;
	vm0 =	veq.s32 v20, v14  }
0x20d: {  	v18 =	vsel vm0, $0xA, v18;
	vm0 =	veq.s32 v20, v15  }
0x20e: {  	v18 =	vsel vm0, $0xB, v18;
	vm0 =	veq.s32 v20, v6  }
0x20f: {  	v18 =	vsel vm0, $0xC, v18;
	vm0 =	veq.s32 v20, v3  }
.Ltmp1:
0x210: {  	v18 =	vsel vm0, $0xD, v18;
	vm0 =	veq.s32 v20, v16;
	(pc) =	sbr.rel @p0 .LBB2_4-.Ltmp1, $4  }
0x211: {  	v18 =	vsel vm0, $0xE, v18;
	vm0 =	veq.s32 v20, v17  }
0x212: {  	s0 =	sadd.s32 $0x10, s0;
	v18 =	vsel vm0, $0xF, v18  }
0x213: {  	s2 =	sadd.s32 $0x10, s2;
	[tilespmem:s0+$0x0] =	vst v18  }
0x214: {  	s3 =	sadd.s32 $0x10, s3;
	v18 =	vld [tilespmem:s2+$0x0]  }
0x215: {  	s2 =	sadd.s32 $0x10, s15  }
0x216: {  	v19 =	vld [tilespmem:s2+$0x0];
	_ =	sdelay $0x2  }
0x217: {  	vm0 =	vlt.f32 v18, $5.000000000e-01  }
0x218: {  	v20 =	vor.u32 s1, v0;
	v18 =	vsel vm0, $0x10, v1  }
0x219: {  	vm12 =	veq.s32 v20, v2;
	v18 =	vadd.s32 v19, v18  }
0x21a: {  	vm13 =	veq.s32 v20, v4;
	v2 =	vsel vm12, $0x0, v18  }
0x21b: {  	vm14 =	veq.s32 v20, v7;
	v2 =	vsel vm13, $0x1, v2  }
0x21c: {  	vm15 =	veq.s32 v20, v5;
	v2 =	vsel vm14, $0x2, v2  }
0x21d: {  	vm4 =	veq.s32 v20, v9;
	v2 =	vsel vm15, $0x3, v2  }
0x21e: {  	vm5 =	veq.s32 v20, v8;
	v2 =	vsel vm4, $0x4, v2  }
0x21f: {  	vm6 =	veq.s32 v20, v11;
	v2 =	vsel vm5, $0x5, v2  }
0x220: {  	vm7 =	veq.s32 v20, v10;
	v2 =	vsel vm6, $0x6, v2  }
0x221: {  	vm8 =	veq.s32 v20, v12;
	v2 =	vsel vm7, $0x7, v2  }
0x222: {  	vm9 =	veq.s32 v20, v13;
	v2 =	vsel vm8, $0x8, v2  }
0x223: {  	vm10 =	veq.s32 v20, v14;
	v2 =	vsel vm9, $0x9, v2  }
0x224: {  	vm11 =	veq.s32 v20, v15;
	v2 =	vsel vm10, $0xA, v2  }
0x225: {  	vm12 =	veq.s32 v20, v6;
	v2 =	vsel vm11, $0xB, v2  }
0x226: {  	vm13 =	veq.s32 v20, v3;
	v2 =	vsel vm12, $0xC, v2  }
0x227: {  	vm14 =	veq.s32 v20, v16;
	v2 =	vsel vm13, $0xD, v2  }
0x228: {  	vm15 =	veq.s32 v20, v17;
	v2 =	vsel vm14, $0xE, v2  }
0x229: {  	s0 =	sadd.s32 $0x10, s0;
	s26 =	rddreg [dreg:$0x7];
	s3 =	simm.s32 $0x80;
	v2 =	vsel vm15, $0xF, v2  }
0x22a: {  	s28 =	simm.s32 $0x400;
	s29 =	simm.s32 $0xD100;
	s2 =	simm.s32 $0x1;
	[tilespmem:s0+$0x0] =	vst v2  }
0x22b: {  	[hbm4b:s26+s3] =	stream.strided.scatter [tilespmem:s29], [sflag:$0x1], $0x2280, s28, s3, $0x38;
	[tilespmem:$0xF380] =	vst v63  }
0x22c: {  	_ =	swait.ge [sflag:s2], $0x2280  }
0x22d: {  	s30 =	rddreg [dreg:$0x9]  }
0x22e: {  	s31 =	rddreg [dreg:$0x8];
	s1 =	sadd.s32 $0x1, s30  }
0x22f: {  	p0 =	sne.s32 s1, s31  }
.Ltmp2:
0x230: {  	_ = 	snop;
	(pc) =	sbr.rel @p0 .LBB2_1-.Ltmp2, $3  }
0x231: {  	_ =	sdelay $0x1  }
0x232: {  	[sflag:s2] =	ssyncset.done $0x0  }
0x233: {  	[sflag:s2] =	ssyncadd.s32 $0xFFFFDD80  }
0x234: {  	_ =	sfence.sel $0x180000  }
0x235: {  	[bflag:$0x0] =	sbarrier.arrive $0xFFFF  }
0x236: {  	_ =	strace $0x90000047  }
0x237: {  	s0 =	stileid.u32;
	[bflag:$0x2] =	sbarrier.arrive $0xFFFF  }
0x238: {  	p0 =	sne.s32 s0, $0x0;
	s0 =	rddreg [dreg:$0x1]  }
0x239: {  	s0 =	sadd.s32 @!p0 $0x100000, s0  }
0x23a: {  	[sflag:s0] =	ssyncadd.tile.s32 @!p0 $0x1;
	_ =	shalt  }
.Lfunc_end2:
_tile_overlayer_lowered:
.L_overlay_start_2:
0x23b: {  	(tag) =	ssettag $0x2  }
0x23c: {  	s0 =	rddreg [dreg:$0x0];
	s2 =	stileid.u32  }
0x23d: {  	s1 =	rddreg [dreg:$0x1];
	p0 =	sne.s32 s2, $0x0  }
0x23e: {  	s3 =	rddreg [dreg:$0x2];
	[bflag:$0x3] =	sbarrier.arrive $0xFFFF;
	s2 =	simm.s32 @!p0 $0x1C01  }
0x23f: {  	[timem:s3], [sflag:s2] =	dma.local @!p0 [hbm:s0], s1  }
0x240: {  	s0 =	simm.s32 @!p0 $0x1  }
0x241: {  	_ =	swait.ge @!p0 [sflag:s0], s1  }
0x242: {  	s1 =	ssub.s32 @!p0 $0x0, s1;
	[sflag:s0] =	ssyncset.done @!p0 $0x0  }
0x243: {  	[sflag:s0] =	ssyncadd.s32 @!p0 s1  }
0x244: {  	[bflag:$0x3] =	sbarrier.arrive $0xFFFF  }
0x245: {  	_ =	shalt  }

</sc_bundles>
